<compile_context>
chip_gen: v7x
topology: tpu7x:2x2x1
jax: 0.10.2.dev20260603
libtpu: 0.0.44.dev20260713+nightly
codegen_flags: <defaults>
</compile_context>

<pallas_src>
import functools

import jax
import jax.numpy as jnp
from jax import lax
from jax.experimental import pallas as pl
from jax.experimental.pallas import tpu as pltpu
from jax.experimental.pallas import tpu_sc as plsc

_N = 100000
_E = 1600000
_NP = 100352
_NP2 = 2 * _NP
_K = 80
_RT = _NP // 16
_RC = _RT // 8
_B = 1024
_GRID = _NP // _B

_MESH = plsc.VectorSubcoreMesh(core_axis_name="c", subcore_axis_name="s")



@functools.partial(
    pl.kernel,
    out_type=jax.ShapeDtypeStruct((2, _NP), jnp.float32),
    mesh=_MESH,
    compiler_params=pltpu.CompilerParams(use_tc_tiling_on_sc=False),
    scratch_types=[
        pltpu.VMEM_SHARED((_NP,), jnp.float32),
        pltpu.VMEM((_RT,), jnp.float32),
        pltpu.VMEM((_K,), jnp.float32),
        pltpu.VMEM((1, _K), jnp.int32),
    ],
)
def _deg_kernel(dst_h, out, deg_sh, zbuf, ones, didx):
    c = lax.axis_index("c")
    t = lax.axis_index("s")

    def zf(i, carry):
        zbuf[pl.ds(i * 16, 16)] = jnp.zeros((16,), jnp.float32)
        return carry

    lax.fori_loop(0, _RT // 16, zf, 0)

    def of(i, carry):
        ones[pl.ds(i * 16, 16)] = jnp.ones((16,), jnp.float32)
        return carry

    lax.fori_loop(0, _K // 16, of, 0)
    pltpu.sync_copy(zbuf, deg_sh.at[pl.ds(t * _RT, _RT)])
    plsc.subcore_barrier()

    ebase = (c * 16 + t) * (_E // 32)

    def blk(j, carry):
        pltpu.sync_copy(dst_h.at[pl.ds(ebase + j * _K, _K)], didx.at[0])
        pltpu.sync_copy(ones, deg_sh.at[didx.at[0]], add=True)
        return carry

    lax.fori_loop(0, (_E // 32) // _K, blk, 0)
    plsc.subcore_barrier()
    pltpu.sync_copy(deg_sh.at[pl.ds(t * _RT, _RT)], zbuf)
    pltpu.sync_copy(zbuf, out.at[c, pl.ds(t * _RT, _RT)])


@functools.partial(
    pl.kernel,
    out_type=jax.ShapeDtypeStruct((_NP2, 16), jnp.float32),
    mesh=_MESH,
    compiler_params=pltpu.CompilerParams(use_tc_tiling_on_sc=False),
    scratch_types=[
        pltpu.VMEM_SHARED((_NP, 16), jnp.float32),
        pltpu.VMEM((_RC, 16), jnp.float32),
        pltpu.VMEM((_K, 16), jnp.float32),
        pltpu.VMEM((_K,), jnp.int32),
        pltpu.VMEM((_K,), jnp.int32),
        pltpu.VMEM((1, _K), jnp.int32),
    ],
)
def _conv16_kernel(g2, src_h, dst_h, out, acc_sh, stage, rows, sidx, gidx, didx):
    c = lax.axis_index("c")
    t = lax.axis_index("s")
    base_r = t * _RT
    coff = c * _NP

    def ib(i, carry):
        r0 = base_r + i * _RC
        pltpu.sync_copy(g2.at[pl.ds(coff + r0, _RC)], stage)
        pltpu.sync_copy(stage, acc_sh.at[pl.ds(r0, _RC)])
        return carry

    lax.fori_loop(0, _RT // _RC, ib, 0)
    plsc.subcore_barrier()

    ebase = t * (_E // 16)

    def blk(j, carry):
        eoff = ebase + j * _K
        pltpu.sync_copy(src_h.at[pl.ds(eoff, _K)], sidx)
        pltpu.sync_copy(dst_h.at[pl.ds(eoff, _K)], didx.at[0])
        for i in range(_K // 16):
            gidx[pl.ds(i * 16, 16)] = sidx[pl.ds(i * 16, 16)] + coff
        pltpu.sync_copy(g2.at[gidx], rows)
        pltpu.sync_copy(rows, acc_sh.at[didx.at[0]], add=True)
        return carry

    lax.fori_loop(0, (_E // 16) // _K, blk, 0)
    plsc.subcore_barrier()

    def wb(i, carry):
        r0 = base_r + i * _RC
        pltpu.sync_copy(acc_sh.at[pl.ds(r0, _RC)], stage)
        pltpu.sync_copy(stage, out.at[pl.ds(coff + r0, _RC)])
        return carry

    lax.fori_loop(0, _RT // _RC, wb, 0)


@functools.partial(
    pl.kernel,
    out_type=jax.ShapeDtypeStruct((2, _NP, 8), jnp.float32),
    mesh=_MESH,
    compiler_params=pltpu.CompilerParams(use_tc_tiling_on_sc=False),
    scratch_types=[
        pltpu.VMEM_SHARED((_NP, 8), jnp.float32),
        pltpu.VMEM((_RC, 8), jnp.float32),
        pltpu.VMEM((_K, 8), jnp.float32),
        pltpu.VMEM((_K,), jnp.int32),
        pltpu.VMEM((1, _K), jnp.int32),
    ],
)
def _conv8_kernel(g3, zeros_hbm, src_h, dst_h, out, acc_sh, stage, rows, sidx, didx):
    c = lax.axis_index("c")
    t = lax.axis_index("s")
    base_r = t * _RT

    @pl.when(c == 0)
    def _():
        def ib(i, carry):
            r0 = base_r + i * _RC
            pltpu.sync_copy(g3.at[pl.ds(r0, _RC)], stage)
            pltpu.sync_copy(stage, acc_sh.at[pl.ds(r0, _RC)])
            return carry

        lax.fori_loop(0, _RT // _RC, ib, 0)

    @pl.when(c == 1)
    def _():
        def ib(i, carry):
            r0 = base_r + i * _RC
            pltpu.sync_copy(zeros_hbm.at[pl.ds(r0, _RC)], stage)
            pltpu.sync_copy(stage, acc_sh.at[pl.ds(r0, _RC)])
            return carry

        lax.fori_loop(0, _RT // _RC, ib, 0)

    plsc.subcore_barrier()

    ebase = (c * 16 + t) * (_E // 32)

    def blk(j, carry):
        eoff = ebase + j * _K
        pltpu.sync_copy(src_h.at[pl.ds(eoff, _K)], sidx)
        pltpu.sync_copy(dst_h.at[pl.ds(eoff, _K)], didx.at[0])
        pltpu.sync_copy(g3.at[sidx], rows)
        pltpu.sync_copy(rows, acc_sh.at[didx.at[0]], add=True)
        return carry

    lax.fori_loop(0, (_E // 32) // _K, blk, 0)
    plsc.subcore_barrier()

    def wb(i, carry):
        r0 = base_r + i * _RC
        pltpu.sync_copy(acc_sh.at[pl.ds(r0, _RC)], stage)
        pltpu.sync_copy(stage, out.at[c, pl.ds(r0, _RC)])
        return carry

    lax.fori_loop(0, _RT // _RC, wb, 0)



def _s_of(deg_ref):
    deg = deg_ref[0] + deg_ref[1] + 1.0
    return lax.rsqrt(deg)


def _tc1_body(deg_ref, x_ref, w_ref, out_ref):
    s = _s_of(deg_ref)
    x = x_ref[...]
    w = w_ref[...]
    g = (x[:, 0:1] * w[0:1, :] + x[:, 1:2] * w[1:2, :] + x[:, 2:3] * w[2:3, :])
    g = s * g
    out_ref[0] = g[:, :16]
    out_ref[1] = g[:, 16:]


def _tcmid_body(deg_ref, acc_ref, b_ref, w_ref, out_ref):
    s = _s_of(deg_ref)
    a = jnp.concatenate([acc_ref[0], acc_ref[1]], axis=-1)
    h = jnp.maximum(s * a + b_ref[...], 0.0)
    g = s * jnp.dot(h, w_ref[...], preferred_element_type=jnp.float32)
    out_ref[0] = g[:, :16]
    out_ref[1] = g[:, 16:]


def _tcpre3_body(deg_ref, acc_ref, b_ref, w_ref, out_ref):
    s = _s_of(deg_ref)
    a = jnp.concatenate([acc_ref[0], acc_ref[1]], axis=-1)
    h = jnp.maximum(s * a + b_ref[...], 0.0)
    out_ref[...] = s * jnp.dot(h, w_ref[...], preferred_element_type=jnp.float32)


def _tcfin_body(deg_ref, acc_ref, b_ref, out_ref):
    s = _s_of(deg_ref)
    out_ref[...] = s * (acc_ref[0] + acc_ref[1]) + b_ref[...]


_DEG_SPEC = pl.BlockSpec((2, _B, 1), lambda i: (0, i, 0))
_ACC_SPEC = pl.BlockSpec((2, _B, 16), lambda i: (0, i, 0))


def _tc1(deg3, x_p, W1):
    return pl.pallas_call(
        _tc1_body,
        grid=(_GRID,),
        in_specs=[
            _DEG_SPEC,
            pl.BlockSpec((_B, 3), lambda i: (i, 0)),
            pl.BlockSpec((3, 32), lambda i: (0, 0)),
        ],
        out_specs=_ACC_SPEC,
        out_shape=jax.ShapeDtypeStruct((2, _NP, 16), jnp.float32),
    )(deg3, x_p, W1)


def _tcmid(deg3, acc, b, W):
    return pl.pallas_call(
        _tcmid_body,
        grid=(_GRID,),
        in_specs=[
            _DEG_SPEC,
            _ACC_SPEC,
            pl.BlockSpec((1, 32), lambda i: (0, 0)),
            pl.BlockSpec((32, 32), lambda i: (0, 0)),
        ],
        out_specs=_ACC_SPEC,
        out_shape=jax.ShapeDtypeStruct((2, _NP, 16), jnp.float32),
    )(deg3, acc, b, W)


def _tcpre3(deg3, acc, b, W):
    return pl.pallas_call(
        _tcpre3_body,
        grid=(_GRID,),
        in_specs=[
            _DEG_SPEC,
            _ACC_SPEC,
            pl.BlockSpec((1, 32), lambda i: (0, 0)),
            pl.BlockSpec((32, 8), lambda i: (0, 0)),
        ],
        out_specs=pl.BlockSpec((_B, 8), lambda i: (i, 0)),
        out_shape=jax.ShapeDtypeStruct((_NP, 8), jnp.float32),
    )(deg3, acc, b, W)


def _tcfin(deg3, acc, b):
    return pl.pallas_call(
        _tcfin_body,
        grid=(_GRID,),
        in_specs=[
            _DEG_SPEC,
            pl.BlockSpec((2, _B, 8), lambda i: (0, i, 0)),
            pl.BlockSpec((1, 8), lambda i: (0, 0)),
        ],
        out_specs=pl.BlockSpec((_B, 8), lambda i: (i, 0)),
        out_shape=jax.ShapeDtypeStruct((_NP, 8), jnp.float32),
    )(deg3, acc, b)



def kernel(x, edge_index, W1, b1, W2, b2, W3, b3):
    x_p = jnp.pad(x, ((0, _NP - _N), (0, 0)))
    src_h = edge_index[0]
    dst_h = edge_index[1]

    deg3 = _deg_kernel(dst_h).reshape(2, _NP, 1)
    g1 = _tc1(deg3, x_p, W1)
    acc1 = _conv16_kernel(g1.reshape(_NP2, 16), src_h, dst_h).reshape(2, _NP, 16)
    g2 = _tcmid(deg3, acc1, b1.reshape(1, 32), W2)
    acc2 = _conv16_kernel(g2.reshape(_NP2, 16), src_h, dst_h).reshape(2, _NP, 16)
    g3 = _tcpre3(deg3, acc2, b2.reshape(1, 32), W3)
    acc3 = _conv8_kernel(g3, jnp.zeros((_NP, 8), jnp.float32), src_h, dst_h)
    out = _tcfin(deg3, acc3, b3.reshape(1, 8))
    return out[:_N]

# --- scband reference (transcript-rebuilt; emitter-appended) ---
"""Pipeline reference for scband-gnnencoder-18021682774172 (READ-ONLY COPY).

The authoritative reference and input builder live on the scoring server;
editing this copy changes nothing except your own understanding.
"""

import jax, jax.numpy as jnp
import numpy as np

N = 100000
E = 1600000
IN_DIM = 3
HIDDEN = 32
LATENT = 8


def _glorot(key, shape):
    fan_in, fan_out = shape[0], shape[1]
    limit = np.sqrt(6.0 / (fan_in + fan_out))
    return jax.random.uniform(key, shape, minval=-limit, maxval=limit, dtype=jnp.float32)


def setup_inputs(seed: int = 0) -> dict:
    key = jax.random.key(seed)
    ks = jax.random.split(key, 8)
    x = jax.random.normal(ks[0], (N, IN_DIM), dtype=jnp.float32)
    edge_index = jax.random.randint(ks[1], (2, E), 0, N, dtype=jnp.int32)
    W1 = _glorot(ks[2], (IN_DIM, HIDDEN))
    b1 = jnp.zeros((HIDDEN,), dtype=jnp.float32)
    W2 = _glorot(ks[3], (HIDDEN, HIDDEN))
    b2 = jnp.zeros((HIDDEN,), dtype=jnp.float32)
    W3 = _glorot(ks[4], (HIDDEN, LATENT))
    b3 = jnp.zeros((LATENT,), dtype=jnp.float32)
    return {"x": x, "edge_index": edge_index, "W1": W1, "b1": b1, "W2": W2, "b2": b2, "W3": W3, "b3": b3}


def reference(x, edge_index, W1, b1, W2, b2, W3, b3):
    # GCNConv (torch_geometric semantics): add self-loops, symmetric normalization,
    # linear transform, message = norm * (x @ W)[src], scatter-add at dst, + bias.
    src = edge_index[0]
    dst = edge_index[1]
    loop = jnp.arange(N, dtype=src.dtype)
    src = jnp.concatenate([src, loop])
    dst = jnp.concatenate([dst, loop])
    deg = jnp.zeros((N,), dtype=jnp.float32).at[dst].add(1.0)
    deg_inv_sqrt = jnp.where(deg > 0, jax.lax.rsqrt(jnp.maximum(deg, 1e-12)), 0.0)
    norm = deg_inv_sqrt[src] * deg_inv_sqrt[dst]

    def conv(h, W, b):
        hw = h @ W
        msg = hw[src] * norm[:, None]
        out = jnp.zeros((N, W.shape[1]), dtype=jnp.float32).at[dst].add(msg)
        return out + b

    h = jax.nn.relu(conv(x, W1, b1))
    h = jax.nn.relu(conv(h, W2, b2))
    out = conv(h, W3, b3)
    return out

if __name__ == "__main__":
    import jax
    _d = setup_inputs()
    print(jax.jit(kernel)(*tuple(_d.values())))

</pallas_src>

<mosaic_0001>
#map = affine_map<(d0, d1) -> (0)>
#map1 = affine_map<(d0, d1) -> (0, 0)>
module attributes {stable_mosaic.version = 14 : i64} {
  func.func @_deg_kernel(%arg0: i32, %arg1: i32, %arg2: memref<1600000xi32, #tpu.memory_space<hbm>>, %arg3: memref<2x100352xf32, #tpu.memory_space<hbm>>, %arg4: memref<100352xf32, #tpu.memory_space<vmem_shared>>, %arg5: memref<6272xf32, #tpu.memory_space<vmem>>, %arg6: memref<80xf32, #tpu.memory_space<vmem>>, %arg7: memref<1x80xi32, #tpu.memory_space<vmem>>) attributes {dimension_semantics = [#tpu.dimension_semantics<core_parallel>, #tpu.dimension_semantics<subcore_parallel>], iteration_bounds = array<i64: 2, 16>, scalar_prefetch = 0 : i64, scratch_operands = 4 : i64, tpu.core_type = #tpu.core_type<sc_vector_subcore>, window_params = [{transform_indices = #map}, {transform_indices = #map1}]} {
    %scan3A = arith.constant 0 : i32
    %scan3A_0 = arith.constant 0 : i32
    %scan3A_1 = arith.constant 392 : i32
    %scan3A_2 = arith.addi %scan3A_0, %scan3A_1 : i32
    %scan3A_3 = arith.constant 1 : i32
    scf.for %scan3A_27 = %scan3A_0 to %scan3A_2 step %scan3A_3  : i32 {
      %broadcast_in_dim3A = arith.constant 0.000000e+00 : f32
      %broadcast_in_dim3A_28 = vector.broadcast %broadcast_in_dim3A : f32 to vector<16xf32>
      %mul3A_29 = arith.constant 16 : i32
      %mul3A_30 = arith.muli %scan3A_27, %mul3A_29 : i32
      %swap3A = arith.index_cast %mul3A_30 : i32 to index
      %swap3A_31 = tpu.vector_load %arg5[%swap3A] {strides = array<i32>} : memref<6272xf32, #tpu.memory_space<vmem>>, vector<16xf32>,
      %swap3A_32 = vector.shape_cast %swap3A_31 : vector<16xf32> to vector<16xf32>
      %swap3A_33 = vector.shape_cast %broadcast_in_dim3A_28 : vector<16xf32> to vector<16xf32>
      tpu.vector_store %arg5[%swap3A], %swap3A_33 {strides = array<i32>} : memref<6272xf32, #tpu.memory_space<vmem>>, vector<16xf32>,
    }
    %scan3A_4 = arith.constant 392 : i32
    %scan3A_5 = arith.constant 0 : i32
    %scan3A_6 = arith.constant 0 : i32
    %scan3A_7 = arith.constant 5 : i32
    %scan3A_8 = arith.addi %scan3A_6, %scan3A_7 : i32
    %scan3A_9 = arith.constant 1 : i32
    scf.for %scan3A_27 = %scan3A_6 to %scan3A_8 step %scan3A_9  : i32 {
      %broadcast_in_dim3A = arith.constant 1.000000e+00 : f32
      %broadcast_in_dim3A_28 = vector.broadcast %broadcast_in_dim3A : f32 to vector<16xf32>
      %mul3A_29 = arith.constant 16 : i32
      %mul3A_30 = arith.muli %scan3A_27, %mul3A_29 : i32
      %swap3A = arith.index_cast %mul3A_30 : i32 to index
      %swap3A_31 = tpu.vector_load %arg6[%swap3A] {strides = array<i32>} : memref<80xf32, #tpu.memory_space<vmem>>, vector<16xf32>,
      %swap3A_32 = vector.shape_cast %swap3A_31 : vector<16xf32> to vector<16xf32>
      %swap3A_33 = vector.shape_cast %broadcast_in_dim3A_28 : vector<16xf32> to vector<16xf32>
      tpu.vector_store %arg6[%swap3A], %swap3A_33 {strides = array<i32>} : memref<80xf32, #tpu.memory_space<vmem>>, vector<16xf32>,
    }
    %scan3A_10 = arith.constant 5 : i32
    %mul3A = arith.constant 6272 : i32
    %mul3A_11 = arith.muli %arg1, %mul3A : i32
    "tpu.region"() ({
      %run_scoped3A = tpu.sem_alloc : memref<!tpu.dma_semaphore, #tpu.memory_space<semaphore_mem>>
      %dma_start3A = tpu.memref_slice %arg4[%mul3A_11] : memref<100352xf32, #tpu.memory_space<vmem_shared>> -> memref<6272xf32, #tpu.memory_space<vmem_shared>>
      %dma_start3A_27 = tpu.memref_slice %arg4[%mul3A_11] : memref<100352xf32, #tpu.memory_space<vmem_shared>> -> memref<6272xf32, #tpu.memory_space<vmem_shared>>
      tpu.enqueue_dma source(%arg5 : memref<6272xf32, #tpu.memory_space<vmem>>) target(%dma_start3A_27 : memref<6272xf32, #tpu.memory_space<vmem_shared>>) target_semaphore(%run_scoped3A : memref<!tpu.dma_semaphore, #tpu.memory_space<semaphore_mem>>)
      %dma_wait3A = tpu.memref_slice %arg4[%mul3A_11] : memref<100352xf32, #tpu.memory_space<vmem_shared>> -> memref<6272xf32, #tpu.memory_space<vmem_shared>>
      %dma_wait3A_28 = tpu.memref_slice %arg4[%mul3A_11] : memref<100352xf32, #tpu.memory_space<vmem_shared>> -> memref<6272xf32, #tpu.memory_space<vmem_shared>>
      tpu.wait_dma2 semaphore(%run_scoped3A : memref<!tpu.dma_semaphore, #tpu.memory_space<semaphore_mem>>) src(%arg5 : memref<6272xf32, #tpu.memory_space<vmem>>) dst(%dma_wait3A_28 : memref<6272xf32, #tpu.memory_space<vmem_shared>>)
      tpu.yield
    }) : () -> ()
    %barrier3A = arith.constant 0 : index
    tpu.barrier barrier_id(%barrier3A)
    %mul3A_12 = arith.constant 16 : i32
    %mul3A_13 = arith.muli %arg0, %mul3A_12 : i32
    %add3A = arith.addi %mul3A_13, %arg1 : i32
    %mul3A_14 = arith.constant 50000 : i32
    %mul3A_15 = arith.muli %add3A, %mul3A_14 : i32
    %scan3A_16 = arith.constant 0 : i32
    %scan3A_17 = arith.constant 0 : i32
    %scan3A_18 = arith.constant 625 : i32
    %scan3A_19 = arith.addi %scan3A_17, %scan3A_18 : i32
    %scan3A_20 = arith.constant 1 : i32
    scf.for %scan3A_27 = %scan3A_17 to %scan3A_19 step %scan3A_20  : i32 {
      %mul3A_28 = arith.constant 80 : i32
      %mul3A_29 = arith.muli %scan3A_27, %mul3A_28 : i32
      %add3A_30 = arith.addi %mul3A_15, %mul3A_29 : i32
      %run_scoped3A = arith.constant 0 : i32
      "tpu.region"() ({
        %run_scoped3A_32 = tpu.sem_alloc : memref<!tpu.dma_semaphore, #tpu.memory_space<semaphore_mem>>
        %dma_start3A = arith.constant 0 : i32
        %dma_start3A_33 = tpu.memref_slice %arg7[%run_scoped3A, %dma_start3A] : memref<1x80xi32, #tpu.memory_space<vmem>> -> memref<1x80xi32, #tpu.memory_space<vmem>>
        %dma_start3A_34 = tpu.memref_squeeze %dma_start3A_33 : memref<1x80xi32, #tpu.memory_space<vmem>> -> memref<80xi32, #tpu.memory_space<vmem>>
        %dma_start3A_35 = tpu.memref_slice %arg2[%add3A_30] : memref<1600000xi32, #tpu.memory_space<hbm>> -> memref<80xi32, #tpu.memory_space<hbm>>
        %dma_start3A_36 = arith.constant 0 : i32
        %dma_start3A_37 = tpu.memref_slice %arg7[%run_scoped3A, %dma_start3A_36] : memref<1x80xi32, #tpu.memory_space<vmem>> -> memref<1x80xi32, #tpu.memory_space<vmem>>
        %dma_start3A_38 = tpu.memref_squeeze %dma_start3A_37 : memref<1x80xi32, #tpu.memory_space<vmem>> -> memref<80xi32, #tpu.memory_space<vmem>>
        %dma_start3A_39 = tpu.memref_slice %arg2[%add3A_30] : memref<1600000xi32, #tpu.memory_space<hbm>> -> memref<80xi32, #tpu.memory_space<hbm>>
        tpu.enqueue_dma source(%dma_start3A_39 : memref<80xi32, #tpu.memory_space<hbm>>) target(%dma_start3A_38 : memref<80xi32, #tpu.memory_space<vmem>>) target_semaphore(%run_scoped3A_32 : memref<!tpu.dma_semaphore, #tpu.memory_space<semaphore_mem>>)
        %dma_wait3A = arith.constant 0 : i32
        %dma_wait3A_40 = tpu.memref_slice %arg7[%run_scoped3A, %dma_wait3A] : memref<1x80xi32, #tpu.memory_space<vmem>> -> memref<1x80xi32, #tpu.memory_space<vmem>>
        %dma_wait3A_41 = tpu.memref_squeeze %dma_wait3A_40 : memref<1x80xi32, #tpu.memory_space<vmem>> -> memref<80xi32, #tpu.memory_space<vmem>>
        %dma_wait3A_42 = tpu.memref_slice %arg2[%add3A_30] : memref<1600000xi32, #tpu.memory_space<hbm>> -> memref<80xi32, #tpu.memory_space<hbm>>
        %dma_wait3A_43 = arith.constant 0 : i32
        %dma_wait3A_44 = tpu.memref_slice %arg7[%run_scoped3A, %dma_wait3A_43] : memref<1x80xi32, #tpu.memory_space<vmem>> -> memref<1x80xi32, #tpu.memory_space<vmem>>
        %dma_wait3A_45 = tpu.memref_squeeze %dma_wait3A_44 : memref<1x80xi32, #tpu.memory_space<vmem>> -> memref<80xi32, #tpu.memory_space<vmem>>
        %dma_wait3A_46 = tpu.memref_slice %arg2[%add3A_30] : memref<1600000xi32, #tpu.memory_space<hbm>> -> memref<80xi32, #tpu.memory_space<hbm>>
        tpu.wait_dma2 semaphore(%run_scoped3A_32 : memref<!tpu.dma_semaphore, #tpu.memory_space<semaphore_mem>>) src(%dma_wait3A_46 : memref<80xi32, #tpu.memory_space<hbm>>) dst(%dma_wait3A_45 : memref<80xi32, #tpu.memory_space<vmem>>)
        tpu.yield
      }) : () -> ()
      %run_scoped3A_31 = arith.constant 0 : i32
      "tpu.region"() ({
        %run_scoped3A_32 = tpu.sem_alloc : memref<!tpu.dma_semaphore, #tpu.memory_space<semaphore_mem>>
        %dma_start3A = arith.constant 0 : i32
        %dma_start3A_33 = tpu.memref_slice %arg7[%run_scoped3A_31, %dma_start3A] : memref<1x80xi32, #tpu.memory_space<vmem>> -> memref<1x80xi32, #tpu.memory_space<vmem>>
        %dma_start3A_34 = tpu.memref_squeeze %dma_start3A_33 : memref<1x80xi32, #tpu.memory_space<vmem>> -> memref<80xi32, #tpu.memory_space<vmem>>
        %dma_start3A_35 = arith.constant 0 : i32
        %dma_start3A_36 = tpu.memref_slice %arg4[%dma_start3A_35] : memref<100352xf32, #tpu.memory_space<vmem_shared>> -> memref<100352xf32, #tpu.memory_space<vmem_shared>>
        tpu.enqueue_indirect_dma source(%arg6 : memref<80xf32, #tpu.memory_space<vmem>>) target(%dma_start3A_36 : memref<100352xf32, #tpu.memory_space<vmem_shared>>) offsets(%dma_start3A_34 : memref<80xi32, #tpu.memory_space<vmem>>) semaphore(%run_scoped3A_32 : memref<!tpu.dma_semaphore, #tpu.memory_space<semaphore_mem>>) {add = true}
        %dma_wait3A = arith.constant 0 : i32
        %dma_wait3A_37 = tpu.memref_slice %arg7[%run_scoped3A_31, %dma_wait3A] : memref<1x80xi32, #tpu.memory_space<vmem>> -> memref<1x80xi32, #tpu.memory_space<vmem>>
        %dma_wait3A_38 = tpu.memref_squeeze %dma_wait3A_37 : memref<1x80xi32, #tpu.memory_space<vmem>> -> memref<80xi32, #tpu.memory_space<vmem>>
        %dma_wait3A_39 = arith.constant 0 : i32
        %dma_wait3A_40 = tpu.memref_slice %arg4[%dma_wait3A_39] : memref<100352xf32, #tpu.memory_space<vmem_shared>> -> memref<100352xf32, #tpu.memory_space<vmem_shared>>
        tpu.wait_indirect_dma semaphore(%run_scoped3A_32 : memref<!tpu.dma_semaphore, #tpu.memory_space<semaphore_mem>>) src(%arg6 : memref<80xf32, #tpu.memory_space<vmem>>) dst(%dma_wait3A_40 : memref<100352xf32, #tpu.memory_space<vmem_shared>>)
        tpu.yield
      }) : () -> ()
    }
    %scan3A_21 = arith.constant 625 : i32
    %barrier3A_22 = arith.constant 0 : index
    tpu.barrier barrier_id(%barrier3A_22)
    %mul3A_23 = arith.constant 6272 : i32
    %mul3A_24 = arith.muli %arg1, %mul3A_23 : i32
    "tpu.region"() ({
      %run_scoped3A = tpu.sem_alloc : memref<!tpu.dma_semaphore, #tpu.memory_space<semaphore_mem>>
      %dma_start3A = tpu.memref_slice %arg4[%mul3A_24] : memref<100352xf32, #tpu.memory_space<vmem_shared>> -> memref<6272xf32, #tpu.memory_space<vmem_shared>>
      %dma_start3A_27 = tpu.memref_slice %arg4[%mul3A_24] : memref<100352xf32, #tpu.memory_space<vmem_shared>> -> memref<6272xf32, #tpu.memory_space<vmem_shared>>
      tpu.enqueue_dma source(%dma_start3A_27 : memref<6272xf32, #tpu.memory_space<vmem_shared>>) target(%arg5 : memref<6272xf32, #tpu.memory_space<vmem>>) target_semaphore(%run_scoped3A : memref<!tpu.dma_semaphore, #tpu.memory_space<semaphore_mem>>)
      %dma_wait3A = tpu.memref_slice %arg4[%mul3A_24] : memref<100352xf32, #tpu.memory_space<vmem_shared>> -> memref<6272xf32, #tpu.memory_space<vmem_shared>>
      %dma_wait3A_28 = tpu.memref_slice %arg4[%mul3A_24] : memref<100352xf32, #tpu.memory_space<vmem_shared>> -> memref<6272xf32, #tpu.memory_space<vmem_shared>>
      tpu.wait_dma2 semaphore(%run_scoped3A : memref<!tpu.dma_semaphore, #tpu.memory_space<semaphore_mem>>) src(%dma_wait3A_28 : memref<6272xf32, #tpu.memory_space<vmem_shared>>) dst(%arg5 : memref<6272xf32, #tpu.memory_space<vmem>>)
      tpu.yield
    }) : () -> ()
    %mul3A_25 = arith.constant 6272 : i32
    %mul3A_26 = arith.muli %arg1, %mul3A_25 : i32
    "tpu.region"() ({
      %run_scoped3A = tpu.sem_alloc : memref<!tpu.dma_semaphore, #tpu.memory_space<semaphore_mem>>
      %dma_start3A = tpu.memref_slice %arg3[%arg0, %mul3A_26] : memref<2x100352xf32, #tpu.memory_space<hbm>> -> memref<1x6272xf32, #tpu.memory_space<hbm>>
      %dma_start3A_27 = tpu.memref_squeeze %dma_start3A : memref<1x6272xf32, #tpu.memory_space<hbm>> -> memref<6272xf32, #tpu.memory_space<hbm>>
      %dma_start3A_28 = tpu.memref_slice %arg3[%arg0, %mul3A_26] : memref<2x100352xf32, #tpu.memory_space<hbm>> -> memref<1x6272xf32, #tpu.memory_space<hbm>>
      %dma_start3A_29 = tpu.memref_squeeze %dma_start3A_28 : memref<1x6272xf32, #tpu.memory_space<hbm>> -> memref<6272xf32, #tpu.memory_space<hbm>>
      tpu.enqueue_dma source(%arg5 : memref<6272xf32, #tpu.memory_space<vmem>>) target(%dma_start3A_29 : memref<6272xf32, #tpu.memory_space<hbm>>) target_semaphore(%run_scoped3A : memref<!tpu.dma_semaphore, #tpu.memory_space<semaphore_mem>>)
      %dma_wait3A = tpu.memref_slice %arg3[%arg0, %mul3A_26] : memref<2x100352xf32, #tpu.memory_space<hbm>> -> memref<1x6272xf32, #tpu.memory_space<hbm>>
      %dma_wait3A_30 = tpu.memref_squeeze %dma_wait3A : memref<1x6272xf32, #tpu.memory_space<hbm>> -> memref<6272xf32, #tpu.memory_space<hbm>>
      %dma_wait3A_31 = tpu.memref_slice %arg3[%arg0, %mul3A_26] : memref<2x100352xf32, #tpu.memory_space<hbm>> -> memref<1x6272xf32, #tpu.memory_space<hbm>>
      %dma_wait3A_32 = tpu.memref_squeeze %dma_wait3A_31 : memref<1x6272xf32, #tpu.memory_space<hbm>> -> memref<6272xf32, #tpu.memory_space<hbm>>
      tpu.wait_dma2 semaphore(%run_scoped3A : memref<!tpu.dma_semaphore, #tpu.memory_space<semaphore_mem>>) src(%arg5 : memref<6272xf32, #tpu.memory_space<vmem>>) dst(%dma_wait3A_32 : memref<6272xf32, #tpu.memory_space<hbm>>)
      tpu.yield
    }) : () -> ()
    return
  }
}

#map = affine_map<(d0, d1) -> (0, 0)>
#map1 = affine_map<(d0, d1) -> (0)>
#map2 = affine_map<(d0, d1) -> (0, 0, 0)>
module attributes {stable_mosaic.version = 14 : i64} {
  func.func @_conv8_kernel(%arg0: i32, %arg1: i32, %arg2: memref<100352x8xf32, #tpu.memory_space<hbm>>, %arg3: memref<100352x8xf32, #tpu.memory_space<hbm>>, %arg4: memref<1600000xi32, #tpu.memory_space<hbm>>, %arg5: memref<1600000xi32, #tpu.memory_space<hbm>>, %arg6: memref<2x100352x8xf32, #tpu.memory_space<hbm>>, %arg7: memref<100352x8xf32, #tpu.memory_space<vmem_shared>>, %arg8: memref<784x8xf32, #tpu.memory_space<vmem>>, %arg9: memref<80x8xf32, #tpu.memory_space<vmem>>, %arg10: memref<80xi32, #tpu.memory_space<vmem>>, %arg11: memref<1x80xi32, #tpu.memory_space<vmem>>) attributes {dimension_semantics = [#tpu.dimension_semantics<core_parallel>, #tpu.dimension_semantics<subcore_parallel>], iteration_bounds = array<i64: 2, 16>, scalar_prefetch = 0 : i64, scratch_operands = 5 : i64, tpu.core_type = #tpu.core_type<sc_vector_subcore>, window_params = [{transform_indices = #map}, {transform_indices = #map}, {transform_indices = #map1}, {transform_indices = #map1}, {transform_indices = #map2}]} {
    %mul3A = arith.constant 6272 : i32
    %mul3A_0 = arith.muli %arg1, %mul3A : i32
    %eq3A = arith.constant 0 : i32
    %eq3A_1 = arith.cmpi eq, %arg0, %eq3A : i32
    %convert_element_type3A = arith.extui %eq3A_1 : i1 to i32
    %cond3A = arith.constant 0 : i32
    %cond3A_2 = arith.cmpi ne, %convert_element_type3A, %cond3A : i32
    scf.if %cond3A_2 {
      %scan3A_24 = arith.constant 0 : i32
      %scan3A_25 = arith.constant 0 : i32
      %scan3A_26 = arith.constant 8 : i32
      %scan3A_27 = arith.addi %scan3A_25, %scan3A_26 : i32
      %scan3A_28 = arith.constant 1 : i32
      scf.for %scan3A_30 = %scan3A_25 to %scan3A_27 step %scan3A_28  : i32 {
        %mul3A_31 = arith.constant 784 : i32
        %mul3A_32 = arith.muli %scan3A_30, %mul3A_31 : i32
        %add3A_33 = arith.addi %mul3A_0, %mul3A_32 : i32
        "tpu.region"() ({
          %run_scoped3A = tpu.sem_alloc : memref<!tpu.dma_semaphore, #tpu.memory_space<semaphore_mem>>
          %dma_start3A = arith.constant 0 : i32
          %dma_start3A_34 = tpu.memref_slice %arg2[%add3A_33, %dma_start3A] : memref<100352x8xf32, #tpu.memory_space<hbm>> -> memref<784x8xf32, #tpu.memory_space<hbm>>
          %dma_start3A_35 = arith.constant 0 : i32
          %dma_start3A_36 = tpu.memref_slice %arg2[%add3A_33, %dma_start3A_35] : memref<100352x8xf32, #tpu.memory_space<hbm>> -> memref<784x8xf32, #tpu.memory_space<hbm>>
          tpu.enqueue_dma source(%dma_start3A_36 : memref<784x8xf32, #tpu.memory_space<hbm>>) target(%arg8 : memref<784x8xf32, #tpu.memory_space<vmem>>) target_semaphore(%run_scoped3A : memref<!tpu.dma_semaphore, #tpu.memory_space<semaphore_mem>>)
          %dma_wait3A = arith.constant 0 : i32
          %dma_wait3A_37 = tpu.memref_slice %arg2[%add3A_33, %dma_wait3A] : memref<100352x8xf32, #tpu.memory_space<hbm>> -> memref<784x8xf32, #tpu.memory_space<hbm>>
          %dma_wait3A_38 = arith.constant 0 : i32
          %dma_wait3A_39 = tpu.memref_slice %arg2[%add3A_33, %dma_wait3A_38] : memref<100352x8xf32, #tpu.memory_space<hbm>> -> memref<784x8xf32, #tpu.memory_space<hbm>>
          tpu.wait_dma2 semaphore(%run_scoped3A : memref<!tpu.dma_semaphore, #tpu.memory_space<semaphore_mem>>) src(%dma_wait3A_39 : memref<784x8xf32, #tpu.memory_space<hbm>>) dst(%arg8 : memref<784x8xf32, #tpu.memory_space<vmem>>)
          tpu.yield
        }) : () -> ()
        "tpu.region"() ({
          %run_scoped3A = tpu.sem_alloc : memref<!tpu.dma_semaphore, #tpu.memory_space<semaphore_mem>>
          %dma_start3A = arith.constant 0 : i32
          %dma_start3A_34 = tpu.memref_slice %arg7[%add3A_33, %dma_start3A] : memref<100352x8xf32, #tpu.memory_space<vmem_shared>> -> memref<784x8xf32, #tpu.memory_space<vmem_shared>>
          %dma_start3A_35 = arith.constant 0 : i32
          %dma_start3A_36 = tpu.memref_slice %arg7[%add3A_33, %dma_start3A_35] : memref<100352x8xf32, #tpu.memory_space<vmem_shared>> -> memref<784x8xf32, #tpu.memory_space<vmem_shared>>
          tpu.enqueue_dma source(%arg8 : memref<784x8xf32, #tpu.memory_space<vmem>>) target(%dma_start3A_36 : memref<784x8xf32, #tpu.memory_space<vmem_shared>>) target_semaphore(%run_scoped3A : memref<!tpu.dma_semaphore, #tpu.memory_space<semaphore_mem>>)
          %dma_wait3A = arith.constant 0 : i32
          %dma_wait3A_37 = tpu.memref_slice %arg7[%add3A_33, %dma_wait3A] : memref<100352x8xf32, #tpu.memory_space<vmem_shared>> -> memref<784x8xf32, #tpu.memory_space<vmem_shared>>
          %dma_wait3A_38 = arith.constant 0 : i32
          %dma_wait3A_39 = tpu.memref_slice %arg7[%add3A_33, %dma_wait3A_38] : memref<100352x8xf32, #tpu.memory_space<vmem_shared>> -> memref<784x8xf32, #tpu.memory_space<vmem_shared>>
          tpu.wait_dma2 semaphore(%run_scoped3A : memref<!tpu.dma_semaphore, #tpu.memory_space<semaphore_mem>>) src(%arg8 : memref<784x8xf32, #tpu.memory_space<vmem>>) dst(%dma_wait3A_39 : memref<784x8xf32, #tpu.memory_space<vmem_shared>>)
          tpu.yield
        }) : () -> ()
      }
      %scan3A_29 = arith.constant 8 : i32
    } else {
    }
    %eq3A_3 = arith.constant 1 : i32
    %eq3A_4 = arith.cmpi eq, %arg0, %eq3A_3 : i32
    %convert_element_type3A_5 = arith.extui %eq3A_4 : i1 to i32
    %cond3A_6 = arith.constant 0 : i32
    %cond3A_7 = arith.cmpi ne, %convert_element_type3A_5, %cond3A_6 : i32
    scf.if %cond3A_7 {
      %scan3A_24 = arith.constant 0 : i32
      %scan3A_25 = arith.constant 0 : i32
      %scan3A_26 = arith.constant 8 : i32
      %scan3A_27 = arith.addi %scan3A_25, %scan3A_26 : i32
      %scan3A_28 = arith.constant 1 : i32
      scf.for %scan3A_30 = %scan3A_25 to %scan3A_27 step %scan3A_28  : i32 {
        %mul3A_31 = arith.constant 784 : i32
        %mul3A_32 = arith.muli %scan3A_30, %mul3A_31 : i32
        %add3A_33 = arith.addi %mul3A_0, %mul3A_32 : i32
        "tpu.region"() ({
          %run_scoped3A = tpu.sem_alloc : memref<!tpu.dma_semaphore, #tpu.memory_space<semaphore_mem>>
          %dma_start3A = arith.constant 0 : i32
          %dma_start3A_34 = tpu.memref_slice %arg3[%add3A_33, %dma_start3A] : memref<100352x8xf32, #tpu.memory_space<hbm>> -> memref<784x8xf32, #tpu.memory_space<hbm>>
          %dma_start3A_35 = arith.constant 0 : i32
          %dma_start3A_36 = tpu.memref_slice %arg3[%add3A_33, %dma_start3A_35] : memref<100352x8xf32, #tpu.memory_space<hbm>> -> memref<784x8xf32, #tpu.memory_space<hbm>>
          tpu.enqueue_dma source(%dma_start3A_36 : memref<784x8xf32, #tpu.memory_space<hbm>>) target(%arg8 : memref<784x8xf32, #tpu.memory_space<vmem>>) target_semaphore(%run_scoped3A : memref<!tpu.dma_semaphore, #tpu.memory_space<semaphore_mem>>)
          %dma_wait3A = arith.constant 0 : i32
          %dma_wait3A_37 = tpu.memref_slice %arg3[%add3A_33, %dma_wait3A] : memref<100352x8xf32, #tpu.memory_space<hbm>> -> memref<784x8xf32, #tpu.memory_space<hbm>>
          %dma_wait3A_38 = arith.constant 0 : i32
          %dma_wait3A_39 = tpu.memref_slice %arg3[%add3A_33, %dma_wait3A_38] : memref<100352x8xf32, #tpu.memory_space<hbm>> -> memref<784x8xf32, #tpu.memory_space<hbm>>
          tpu.wait_dma2 semaphore(%run_scoped3A : memref<!tpu.dma_semaphore, #tpu.memory_space<semaphore_mem>>) src(%dma_wait3A_39 : memref<784x8xf32, #tpu.memory_space<hbm>>) dst(%arg8 : memref<784x8xf32, #tpu.memory_space<vmem>>)
          tpu.yield
        }) : () -> ()
        "tpu.region"() ({
          %run_scoped3A = tpu.sem_alloc : memref<!tpu.dma_semaphore, #tpu.memory_space<semaphore_mem>>
          %dma_start3A = arith.constant 0 : i32
          %dma_start3A_34 = tpu.memref_slice %arg7[%add3A_33, %dma_start3A] : memref<100352x8xf32, #tpu.memory_space<vmem_shared>> -> memref<784x8xf32, #tpu.memory_space<vmem_shared>>
          %dma_start3A_35 = arith.constant 0 : i32
          %dma_start3A_36 = tpu.memref_slice %arg7[%add3A_33, %dma_start3A_35] : memref<100352x8xf32, #tpu.memory_space<vmem_shared>> -> memref<784x8xf32, #tpu.memory_space<vmem_shared>>
          tpu.enqueue_dma source(%arg8 : memref<784x8xf32, #tpu.memory_space<vmem>>) target(%dma_start3A_36 : memref<784x8xf32, #tpu.memory_space<vmem_shared>>) target_semaphore(%run_scoped3A : memref<!tpu.dma_semaphore, #tpu.memory_space<semaphore_mem>>)
          %dma_wait3A = arith.constant 0 : i32
          %dma_wait3A_37 = tpu.memref_slice %arg7[%add3A_33, %dma_wait3A] : memref<100352x8xf32, #tpu.memory_space<vmem_shared>> -> memref<784x8xf32, #tpu.memory_space<vmem_shared>>
          %dma_wait3A_38 = arith.constant 0 : i32
          %dma_wait3A_39 = tpu.memref_slice %arg7[%add3A_33, %dma_wait3A_38] : memref<100352x8xf32, #tpu.memory_space<vmem_shared>> -> memref<784x8xf32, #tpu.memory_space<vmem_shared>>
          tpu.wait_dma2 semaphore(%run_scoped3A : memref<!tpu.dma_semaphore, #tpu.memory_space<semaphore_mem>>) src(%arg8 : memref<784x8xf32, #tpu.memory_space<vmem>>) dst(%dma_wait3A_39 : memref<784x8xf32, #tpu.memory_space<vmem_shared>>)
          tpu.yield
        }) : () -> ()
      }
      %scan3A_29 = arith.constant 8 : i32
    } else {
    }
    %barrier3A = arith.constant 0 : index
    tpu.barrier barrier_id(%barrier3A)
    %mul3A_8 = arith.constant 16 : i32
    %mul3A_9 = arith.muli %arg0, %mul3A_8 : i32
    %add3A = arith.addi %mul3A_9, %arg1 : i32
    %mul3A_10 = arith.constant 50000 : i32
    %mul3A_11 = arith.muli %add3A, %mul3A_10 : i32
    %scan3A = arith.constant 0 : i32
    %scan3A_12 = arith.constant 0 : i32
    %scan3A_13 = arith.constant 625 : i32
    %scan3A_14 = arith.addi %scan3A_12, %scan3A_13 : i32
    %scan3A_15 = arith.constant 1 : i32
    scf.for %scan3A_24 = %scan3A_12 to %scan3A_14 step %scan3A_15  : i32 {
      %mul3A_25 = arith.constant 80 : i32
      %mul3A_26 = arith.muli %scan3A_24, %mul3A_25 : i32
      %add3A_27 = arith.addi %mul3A_11, %mul3A_26 : i32
      "tpu.region"() ({
        %run_scoped3A_29 = tpu.sem_alloc : memref<!tpu.dma_semaphore, #tpu.memory_space<semaphore_mem>>
        %dma_start3A = tpu.memref_slice %arg4[%add3A_27] : memref<1600000xi32, #tpu.memory_space<hbm>> -> memref<80xi32, #tpu.memory_space<hbm>>
        %dma_start3A_30 = tpu.memref_slice %arg4[%add3A_27] : memref<1600000xi32, #tpu.memory_space<hbm>> -> memref<80xi32, #tpu.memory_space<hbm>>
        tpu.enqueue_dma source(%dma_start3A_30 : memref<80xi32, #tpu.memory_space<hbm>>) target(%arg10 : memref<80xi32, #tpu.memory_space<vmem>>) target_semaphore(%run_scoped3A_29 : memref<!tpu.dma_semaphore, #tpu.memory_space<semaphore_mem>>)
        %dma_wait3A = tpu.memref_slice %arg4[%add3A_27] : memref<1600000xi32, #tpu.memory_space<hbm>> -> memref<80xi32, #tpu.memory_space<hbm>>
        %dma_wait3A_31 = tpu.memref_slice %arg4[%add3A_27] : memref<1600000xi32, #tpu.memory_space<hbm>> -> memref<80xi32, #tpu.memory_space<hbm>>
        tpu.wait_dma2 semaphore(%run_scoped3A_29 : memref<!tpu.dma_semaphore, #tpu.memory_space<semaphore_mem>>) src(%dma_wait3A_31 : memref<80xi32, #tpu.memory_space<hbm>>) dst(%arg10 : memref<80xi32, #tpu.memory_space<vmem>>)
        tpu.yield
      }) : () -> ()
      %run_scoped3A = arith.constant 0 : i32
      "tpu.region"() ({
        %run_scoped3A_29 = tpu.sem_alloc : memref<!tpu.dma_semaphore, #tpu.memory_space<semaphore_mem>>
        %dma_start3A = arith.constant 0 : i32
        %dma_start3A_30 = tpu.memref_slice %arg11[%run_scoped3A, %dma_start3A] : memref<1x80xi32, #tpu.memory_space<vmem>> -> memref<1x80xi32, #tpu.memory_space<vmem>>
        %dma_start3A_31 = tpu.memref_squeeze %dma_start3A_30 : memref<1x80xi32, #tpu.memory_space<vmem>> -> memref<80xi32, #tpu.memory_space<vmem>>
        %dma_start3A_32 = tpu.memref_slice %arg5[%add3A_27] : memref<1600000xi32, #tpu.memory_space<hbm>> -> memref<80xi32, #tpu.memory_space<hbm>>
        %dma_start3A_33 = arith.constant 0 : i32
        %dma_start3A_34 = tpu.memref_slice %arg11[%run_scoped3A, %dma_start3A_33] : memref<1x80xi32, #tpu.memory_space<vmem>> -> memref<1x80xi32, #tpu.memory_space<vmem>>
        %dma_start3A_35 = tpu.memref_squeeze %dma_start3A_34 : memref<1x80xi32, #tpu.memory_space<vmem>> -> memref<80xi32, #tpu.memory_space<vmem>>
        %dma_start3A_36 = tpu.memref_slice %arg5[%add3A_27] : memref<1600000xi32, #tpu.memory_space<hbm>> -> memref<80xi32, #tpu.memory_space<hbm>>
        tpu.enqueue_dma source(%dma_start3A_36 : memref<80xi32, #tpu.memory_space<hbm>>) target(%dma_start3A_35 : memref<80xi32, #tpu.memory_space<vmem>>) target_semaphore(%run_scoped3A_29 : memref<!tpu.dma_semaphore, #tpu.memory_space<semaphore_mem>>)
        %dma_wait3A = arith.constant 0 : i32
        %dma_wait3A_37 = tpu.memref_slice %arg11[%run_scoped3A, %dma_wait3A] : memref<1x80xi32, #tpu.memory_space<vmem>> -> memref<1x80xi32, #tpu.memory_space<vmem>>
        %dma_wait3A_38 = tpu.memref_squeeze %dma_wait3A_37 : memref<1x80xi32, #tpu.memory_space<vmem>> -> memref<80xi32, #tpu.memory_space<vmem>>
        %dma_wait3A_39 = tpu.memref_slice %arg5[%add3A_27] : memref<1600000xi32, #tpu.memory_space<hbm>> -> memref<80xi32, #tpu.memory_space<hbm>>
        %dma_wait3A_40 = arith.constant 0 : i32
        %dma_wait3A_41 = tpu.memref_slice %arg11[%run_scoped3A, %dma_wait3A_40] : memref<1x80xi32, #tpu.memory_space<vmem>> -> memref<1x80xi32, #tpu.memory_space<vmem>>
        %dma_wait3A_42 = tpu.memref_squeeze %dma_wait3A_41 : memref<1x80xi32, #tpu.memory_space<vmem>> -> memref<80xi32, #tpu.memory_space<vmem>>
        %dma_wait3A_43 = tpu.memref_slice %arg5[%add3A_27] : memref<1600000xi32, #tpu.memory_space<hbm>> -> memref<80xi32, #tpu.memory_space<hbm>>
        tpu.wait_dma2 semaphore(%run_scoped3A_29 : memref<!tpu.dma_semaphore, #tpu.memory_space<semaphore_mem>>) src(%dma_wait3A_43 : memref<80xi32, #tpu.memory_space<hbm>>) dst(%dma_wait3A_42 : memref<80xi32, #tpu.memory_space<vmem>>)
        tpu.yield
      }) : () -> ()
      "tpu.region"() ({
        %run_scoped3A_29 = tpu.sem_alloc : memref<!tpu.dma_semaphore, #tpu.memory_space<semaphore_mem>>
        %dma_start3A = arith.constant 0 : i32
        %dma_start3A_30 = arith.constant 0 : i32
        %dma_start3A_31 = tpu.memref_slice %arg2[%dma_start3A, %dma_start3A_30] : memref<100352x8xf32, #tpu.memory_space<hbm>> -> memref<100352x8xf32, #tpu.memory_space<hbm>>
        tpu.enqueue_indirect_dma source(%dma_start3A_31 : memref<100352x8xf32, #tpu.memory_space<hbm>>) target(%arg9 : memref<80x8xf32, #tpu.memory_space<vmem>>) offsets(%arg10 : memref<80xi32, #tpu.memory_space<vmem>>) semaphore(%run_scoped3A_29 : memref<!tpu.dma_semaphore, #tpu.memory_space<semaphore_mem>>)
        %dma_wait3A = arith.constant 0 : i32
        %dma_wait3A_32 = arith.constant 0 : i32
        %dma_wait3A_33 = tpu.memref_slice %arg2[%dma_wait3A, %dma_wait3A_32] : memref<100352x8xf32, #tpu.memory_space<hbm>> -> memref<100352x8xf32, #tpu.memory_space<hbm>>
        tpu.wait_indirect_dma semaphore(%run_scoped3A_29 : memref<!tpu.dma_semaphore, #tpu.memory_space<semaphore_mem>>) src(%dma_wait3A_33 : memref<100352x8xf32, #tpu.memory_space<hbm>>) dst(%arg9 : memref<80x8xf32, #tpu.memory_space<vmem>>)
        tpu.yield
      }) : () -> ()
      %run_scoped3A_28 = arith.constant 0 : i32
      "tpu.region"() ({
        %run_scoped3A_29 = tpu.sem_alloc : memref<!tpu.dma_semaphore, #tpu.memory_space<semaphore_mem>>
        %dma_start3A = arith.constant 0 : i32
        %dma_start3A_30 = tpu.memref_slice %arg11[%run_scoped3A_28, %dma_start3A] : memref<1x80xi32, #tpu.memory_space<vmem>> -> memref<1x80xi32, #tpu.memory_space<vmem>>
        %dma_start3A_31 = tpu.memref_squeeze %dma_start3A_30 : memref<1x80xi32, #tpu.memory_space<vmem>> -> memref<80xi32, #tpu.memory_space<vmem>>
        %dma_start3A_32 = arith.constant 0 : i32
        %dma_start3A_33 = arith.constant 0 : i32
        %dma_start3A_34 = tpu.memref_slice %arg7[%dma_start3A_32, %dma_start3A_33] : memref<100352x8xf32, #tpu.memory_space<vmem_shared>> -> memref<100352x8xf32, #tpu.memory_space<vmem_shared>>
        tpu.enqueue_indirect_dma source(%arg9 : memref<80x8xf32, #tpu.memory_space<vmem>>) target(%dma_start3A_34 : memref<100352x8xf32, #tpu.memory_space<vmem_shared>>) offsets(%dma_start3A_31 : memref<80xi32, #tpu.memory_space<vmem>>) semaphore(%run_scoped3A_29 : memref<!tpu.dma_semaphore, #tpu.memory_space<semaphore_mem>>) {add = true}
        %dma_wait3A = arith.constant 0 : i32
        %dma_wait3A_35 = tpu.memref_slice %arg11[%run_scoped3A_28, %dma_wait3A] : memref<1x80xi32, #tpu.memory_space<vmem>> -> memref<1x80xi32, #tpu.memory_space<vmem>>
        %dma_wait3A_36 = tpu.memref_squeeze %dma_wait3A_35 : memref<1x80xi32, #tpu.memory_space<vmem>> -> memref<80xi32, #tpu.memory_space<vmem>>
        %dma_wait3A_37 = arith.constant 0 : i32
        %dma_wait3A_38 = arith.constant 0 : i32
        %dma_wait3A_39 = tpu.memref_slice %arg7[%dma_wait3A_37, %dma_wait3A_38] : memref<100352x8xf32, #tpu.memory_space<vmem_shared>> -> memref<100352x8xf32, #tpu.memory_space<vmem_shared>>
        tpu.wait_indirect_dma semaphore(%run_scoped3A_29 : memref<!tpu.dma_semaphore, #tpu.memory_space<semaphore_mem>>) src(%arg9 : memref<80x8xf32, #tpu.memory_space<vmem>>) dst(%dma_wait3A_39 : memref<100352x8xf32, #tpu.memory_space<vmem_shared>>)
        tpu.yield
      }) : () -> ()
    }
    %scan3A_16 = arith.constant 625 : i32
    %barrier3A_17 = arith.constant 0 : index
    tpu.barrier barrier_id(%barrier3A_17)
    %scan3A_18 = arith.constant 0 : i32
    %scan3A_19 = arith.constant 0 : i32
    %scan3A_20 = arith.constant 8 : i32
    %scan3A_21 = arith.addi %scan3A_19, %scan3A_20 : i32
    %scan3A_22 = arith.constant 1 : i32
    scf.for %scan3A_24 = %scan3A_19 to %scan3A_21 step %scan3A_22  : i32 {
      %mul3A_25 = arith.constant 784 : i32
      %mul3A_26 = arith.muli %scan3A_24, %mul3A_25 : i32
      %add3A_27 = arith.addi %mul3A_0, %mul3A_26 : i32
      "tpu.region"() ({
        %run_scoped3A = tpu.sem_alloc : memref<!tpu.dma_semaphore, #tpu.memory_space<semaphore_mem>>
        %dma_start3A = arith.constant 0 : i32
        %dma_start3A_28 = tpu.memref_slice %arg7[%add3A_27, %dma_start3A] : memref<100352x8xf32, #tpu.memory_space<vmem_shared>> -> memref<784x8xf32, #tpu.memory_space<vmem_shared>>
        %dma_start3A_29 = arith.constant 0 : i32
        %dma_start3A_30 = tpu.memref_slice %arg7[%add3A_27, %dma_start3A_29] : memref<100352x8xf32, #tpu.memory_space<vmem_shared>> -> memref<784x8xf32, #tpu.memory_space<vmem_shared>>
        tpu.enqueue_dma source(%dma_start3A_30 : memref<784x8xf32, #tpu.memory_space<vmem_shared>>) target(%arg8 : memref<784x8xf32, #tpu.memory_space<vmem>>) target_semaphore(%run_scoped3A : memref<!tpu.dma_semaphore, #tpu.memory_space<semaphore_mem>>)
        %dma_wait3A = arith.constant 0 : i32
        %dma_wait3A_31 = tpu.memref_slice %arg7[%add3A_27, %dma_wait3A] : memref<100352x8xf32, #tpu.memory_space<vmem_shared>> -> memref<784x8xf32, #tpu.memory_space<vmem_shared>>
        %dma_wait3A_32 = arith.constant 0 : i32
        %dma_wait3A_33 = tpu.memref_slice %arg7[%add3A_27, %dma_wait3A_32] : memref<100352x8xf32, #tpu.memory_space<vmem_shared>> -> memref<784x8xf32, #tpu.memory_space<vmem_shared>>
        tpu.wait_dma2 semaphore(%run_scoped3A : memref<!tpu.dma_semaphore, #tpu.memory_space<semaphore_mem>>) src(%dma_wait3A_33 : memref<784x8xf32, #tpu.memory_space<vmem_shared>>) dst(%arg8 : memref<784x8xf32, #tpu.memory_space<vmem>>)
        tpu.yield
      }) : () -> ()
      "tpu.region"() ({
        %run_scoped3A = tpu.sem_alloc : memref<!tpu.dma_semaphore, #tpu.memory_space<semaphore_mem>>
        %dma_start3A = arith.constant 0 : i32
        %dma_start3A_28 = tpu.memref_slice %arg6[%arg0, %add3A_27, %dma_start3A] : memref<2x100352x8xf32, #tpu.memory_space<hbm>> -> memref<1x784x8xf32, #tpu.memory_space<hbm>>
        %dma_start3A_29 = tpu.memref_squeeze %dma_start3A_28 : memref<1x784x8xf32, #tpu.memory_space<hbm>> -> memref<784x8xf32, #tpu.memory_space<hbm>>
        %dma_start3A_30 = arith.constant 0 : i32
        %dma_start3A_31 = tpu.memref_slice %arg6[%arg0, %add3A_27, %dma_start3A_30] : memref<2x100352x8xf32, #tpu.memory_space<hbm>> -> memref<1x784x8xf32, #tpu.memory_space<hbm>>
        %dma_start3A_32 = tpu.memref_squeeze %dma_start3A_31 : memref<1x784x8xf32, #tpu.memory_space<hbm>> -> memref<784x8xf32, #tpu.memory_space<hbm>>
        tpu.enqueue_dma source(%arg8 : memref<784x8xf32, #tpu.memory_space<vmem>>) target(%dma_start3A_32 : memref<784x8xf32, #tpu.memory_space<hbm>>) target_semaphore(%run_scoped3A : memref<!tpu.dma_semaphore, #tpu.memory_space<semaphore_mem>>)
        %dma_wait3A = arith.constant 0 : i32
        %dma_wait3A_33 = tpu.memref_slice %arg6[%arg0, %add3A_27, %dma_wait3A] : memref<2x100352x8xf32, #tpu.memory_space<hbm>> -> memref<1x784x8xf32, #tpu.memory_space<hbm>>
        %dma_wait3A_34 = tpu.memref_squeeze %dma_wait3A_33 : memref<1x784x8xf32, #tpu.memory_space<hbm>> -> memref<784x8xf32, #tpu.memory_space<hbm>>
        %dma_wait3A_35 = arith.constant 0 : i32
        %dma_wait3A_36 = tpu.memref_slice %arg6[%arg0, %add3A_27, %dma_wait3A_35] : memref<2x100352x8xf32, #tpu.memory_space<hbm>> -> memref<1x784x8xf32, #tpu.memory_space<hbm>>
        %dma_wait3A_37 = tpu.memref_squeeze %dma_wait3A_36 : memref<1x784x8xf32, #tpu.memory_space<hbm>> -> memref<784x8xf32, #tpu.memory_space<hbm>>
        tpu.wait_dma2 semaphore(%run_scoped3A : memref<!tpu.dma_semaphore, #tpu.memory_space<semaphore_mem>>) src(%arg8 : memref<784x8xf32, #tpu.memory_space<vmem>>) dst(%dma_wait3A_37 : memref<784x8xf32, #tpu.memory_space<hbm>>)
        tpu.yield
      }) : () -> ()
    }
    %scan3A_23 = arith.constant 8 : i32
    return
  }
}

#map = affine_map<(d0, d1) -> (0, 0)>
#map1 = affine_map<(d0, d1) -> (0)>
module attributes {stable_mosaic.version = 14 : i64} {
  func.func @_conv16_kernel(%arg0: i32, %arg1: i32, %arg2: memref<200704x16xf32, #tpu.memory_space<hbm>>, %arg3: memref<1600000xi32, #tpu.memory_space<hbm>>, %arg4: memref<1600000xi32, #tpu.memory_space<hbm>>, %arg5: memref<200704x16xf32, #tpu.memory_space<hbm>>, %arg6: memref<100352x16xf32, #tpu.memory_space<vmem_shared>>, %arg7: memref<784x16xf32, #tpu.memory_space<vmem>>, %arg8: memref<80x16xf32, #tpu.memory_space<vmem>>, %arg9: memref<80xi32, #tpu.memory_space<vmem>>, %arg10: memref<80xi32, #tpu.memory_space<vmem>>, %arg11: memref<1x80xi32, #tpu.memory_space<vmem>>) attributes {dimension_semantics = [#tpu.dimension_semantics<core_parallel>, #tpu.dimension_semantics<subcore_parallel>], iteration_bounds = array<i64: 2, 16>, scalar_prefetch = 0 : i64, scratch_operands = 6 : i64, tpu.core_type = #tpu.core_type<sc_vector_subcore>, window_params = [{transform_indices = #map}, {transform_indices = #map1}, {transform_indices = #map1}, {transform_indices = #map}]} {
    %mul3A = arith.constant 6272 : i32
    %mul3A_0 = arith.muli %arg1, %mul3A : i32
    %mul3A_1 = arith.constant 100352 : i32
    %mul3A_2 = arith.muli %arg0, %mul3A_1 : i32
    %scan3A = arith.constant 0 : i32
    %scan3A_3 = arith.constant 0 : i32
    %scan3A_4 = arith.constant 8 : i32
    %scan3A_5 = arith.addi %scan3A_3, %scan3A_4 : i32
    %scan3A_6 = arith.constant 1 : i32
    scf.for %scan3A_23 = %scan3A_3 to %scan3A_5 step %scan3A_6  : i32 {
      %mul3A_24 = arith.constant 784 : i32
      %mul3A_25 = arith.muli %scan3A_23, %mul3A_24 : i32
      %add3A = arith.addi %mul3A_0, %mul3A_25 : i32
      %add3A_26 = arith.addi %mul3A_2, %add3A : i32
      "tpu.region"() ({
        %run_scoped3A = tpu.sem_alloc : memref<!tpu.dma_semaphore, #tpu.memory_space<semaphore_mem>>
        %dma_start3A = arith.constant 0 : i32
        %dma_start3A_27 = tpu.memref_slice %arg2[%add3A_26, %dma_start3A] : memref<200704x16xf32, #tpu.memory_space<hbm>> -> memref<784x16xf32, #tpu.memory_space<hbm>>
        %dma_start3A_28 = arith.constant 0 : i32
        %dma_start3A_29 = tpu.memref_slice %arg2[%add3A_26, %dma_start3A_28] : memref<200704x16xf32, #tpu.memory_space<hbm>> -> memref<784x16xf32, #tpu.memory_space<hbm>>
        tpu.enqueue_dma source(%dma_start3A_29 : memref<784x16xf32, #tpu.memory_space<hbm>>) target(%arg7 : memref<784x16xf32, #tpu.memory_space<vmem>>) target_semaphore(%run_scoped3A : memref<!tpu.dma_semaphore, #tpu.memory_space<semaphore_mem>>)
        %dma_wait3A = arith.constant 0 : i32
        %dma_wait3A_30 = tpu.memref_slice %arg2[%add3A_26, %dma_wait3A] : memref<200704x16xf32, #tpu.memory_space<hbm>> -> memref<784x16xf32, #tpu.memory_space<hbm>>
        %dma_wait3A_31 = arith.constant 0 : i32
        %dma_wait3A_32 = tpu.memref_slice %arg2[%add3A_26, %dma_wait3A_31] : memref<200704x16xf32, #tpu.memory_space<hbm>> -> memref<784x16xf32, #tpu.memory_space<hbm>>
        tpu.wait_dma2 semaphore(%run_scoped3A : memref<!tpu.dma_semaphore, #tpu.memory_space<semaphore_mem>>) src(%dma_wait3A_32 : memref<784x16xf32, #tpu.memory_space<hbm>>) dst(%arg7 : memref<784x16xf32, #tpu.memory_space<vmem>>)
        tpu.yield
      }) : () -> ()
      "tpu.region"() ({
        %run_scoped3A = tpu.sem_alloc : memref<!tpu.dma_semaphore, #tpu.memory_space<semaphore_mem>>
        %dma_start3A = arith.constant 0 : i32
        %dma_start3A_27 = tpu.memref_slice %arg6[%add3A, %dma_start3A] : memref<100352x16xf32, #tpu.memory_space<vmem_shared>> -> memref<784x16xf32, #tpu.memory_space<vmem_shared>>
        %dma_start3A_28 = arith.constant 0 : i32
        %dma_start3A_29 = tpu.memref_slice %arg6[%add3A, %dma_start3A_28] : memref<100352x16xf32, #tpu.memory_space<vmem_shared>> -> memref<784x16xf32, #tpu.memory_space<vmem_shared>>
        tpu.enqueue_dma source(%arg7 : memref<784x16xf32, #tpu.memory_space<vmem>>) target(%dma_start3A_29 : memref<784x16xf32, #tpu.memory_space<vmem_shared>>) target_semaphore(%run_scoped3A : memref<!tpu.dma_semaphore, #tpu.memory_space<semaphore_mem>>)
        %dma_wait3A = arith.constant 0 : i32
        %dma_wait3A_30 = tpu.memref_slice %arg6[%add3A, %dma_wait3A] : memref<100352x16xf32, #tpu.memory_space<vmem_shared>> -> memref<784x16xf32, #tpu.memory_space<vmem_shared>>
        %dma_wait3A_31 = arith.constant 0 : i32
        %dma_wait3A_32 = tpu.memref_slice %arg6[%add3A, %dma_wait3A_31] : memref<100352x16xf32, #tpu.memory_space<vmem_shared>> -> memref<784x16xf32, #tpu.memory_space<vmem_shared>>
        tpu.wait_dma2 semaphore(%run_scoped3A : memref<!tpu.dma_semaphore, #tpu.memory_space<semaphore_mem>>) src(%arg7 : memref<784x16xf32, #tpu.memory_space<vmem>>) dst(%dma_wait3A_32 : memref<784x16xf32, #tpu.memory_space<vmem_shared>>)
        tpu.yield
      }) : () -> ()
    }
    %scan3A_7 = arith.constant 8 : i32
    %barrier3A = arith.constant 0 : index
    tpu.barrier barrier_id(%barrier3A)
    %mul3A_8 = arith.constant 100000 : i32
    %mul3A_9 = arith.muli %arg1, %mul3A_8 : i32
    %scan3A_10 = arith.constant 0 : i32
    %scan3A_11 = arith.constant 0 : i32
    %scan3A_12 = arith.constant 1250 : i32
    %scan3A_13 = arith.addi %scan3A_11, %scan3A_12 : i32
    %scan3A_14 = arith.constant 1 : i32
    scf.for %scan3A_23 = %scan3A_11 to %scan3A_13 step %scan3A_14  : i32 {
      %mul3A_24 = arith.constant 80 : i32
      %mul3A_25 = arith.muli %scan3A_23, %mul3A_24 : i32
      %add3A = arith.addi %mul3A_9, %mul3A_25 : i32
      "tpu.region"() ({
        %run_scoped3A_70 = tpu.sem_alloc : memref<!tpu.dma_semaphore, #tpu.memory_space<semaphore_mem>>
        %dma_start3A = tpu.memref_slice %arg3[%add3A] : memref<1600000xi32, #tpu.memory_space<hbm>> -> memref<80xi32, #tpu.memory_space<hbm>>
        %dma_start3A_71 = tpu.memref_slice %arg3[%add3A] : memref<1600000xi32, #tpu.memory_space<hbm>> -> memref<80xi32, #tpu.memory_space<hbm>>
        tpu.enqueue_dma source(%dma_start3A_71 : memref<80xi32, #tpu.memory_space<hbm>>) target(%arg9 : memref<80xi32, #tpu.memory_space<vmem>>) target_semaphore(%run_scoped3A_70 : memref<!tpu.dma_semaphore, #tpu.memory_space<semaphore_mem>>)
        %dma_wait3A = tpu.memref_slice %arg3[%add3A] : memref<1600000xi32, #tpu.memory_space<hbm>> -> memref<80xi32, #tpu.memory_space<hbm>>
        %dma_wait3A_72 = tpu.memref_slice %arg3[%add3A] : memref<1600000xi32, #tpu.memory_space<hbm>> -> memref<80xi32, #tpu.memory_space<hbm>>
        tpu.wait_dma2 semaphore(%run_scoped3A_70 : memref<!tpu.dma_semaphore, #tpu.memory_space<semaphore_mem>>) src(%dma_wait3A_72 : memref<80xi32, #tpu.memory_space<hbm>>) dst(%arg9 : memref<80xi32, #tpu.memory_space<vmem>>)
        tpu.yield
      }) : () -> ()
      %run_scoped3A = arith.constant 0 : i32
      "tpu.region"() ({
        %run_scoped3A_70 = tpu.sem_alloc : memref<!tpu.dma_semaphore, #tpu.memory_space<semaphore_mem>>
        %dma_start3A = arith.constant 0 : i32
        %dma_start3A_71 = tpu.memref_slice %arg11[%run_scoped3A, %dma_start3A] : memref<1x80xi32, #tpu.memory_space<vmem>> -> memref<1x80xi32, #tpu.memory_space<vmem>>
        %dma_start3A_72 = tpu.memref_squeeze %dma_start3A_71 : memref<1x80xi32, #tpu.memory_space<vmem>> -> memref<80xi32, #tpu.memory_space<vmem>>
        %dma_start3A_73 = tpu.memref_slice %arg4[%add3A] : memref<1600000xi32, #tpu.memory_space<hbm>> -> memref<80xi32, #tpu.memory_space<hbm>>
        %dma_start3A_74 = arith.constant 0 : i32
        %dma_start3A_75 = tpu.memref_slice %arg11[%run_scoped3A, %dma_start3A_74] : memref<1x80xi32, #tpu.memory_space<vmem>> -> memref<1x80xi32, #tpu.memory_space<vmem>>
        %dma_start3A_76 = tpu.memref_squeeze %dma_start3A_75 : memref<1x80xi32, #tpu.memory_space<vmem>> -> memref<80xi32, #tpu.memory_space<vmem>>
        %dma_start3A_77 = tpu.memref_slice %arg4[%add3A] : memref<1600000xi32, #tpu.memory_space<hbm>> -> memref<80xi32, #tpu.memory_space<hbm>>
        tpu.enqueue_dma source(%dma_start3A_77 : memref<80xi32, #tpu.memory_space<hbm>>) target(%dma_start3A_76 : memref<80xi32, #tpu.memory_space<vmem>>) target_semaphore(%run_scoped3A_70 : memref<!tpu.dma_semaphore, #tpu.memory_space<semaphore_mem>>)
        %dma_wait3A = arith.constant 0 : i32
        %dma_wait3A_78 = tpu.memref_slice %arg11[%run_scoped3A, %dma_wait3A] : memref<1x80xi32, #tpu.memory_space<vmem>> -> memref<1x80xi32, #tpu.memory_space<vmem>>
        %dma_wait3A_79 = tpu.memref_squeeze %dma_wait3A_78 : memref<1x80xi32, #tpu.memory_space<vmem>> -> memref<80xi32, #tpu.memory_space<vmem>>
        %dma_wait3A_80 = tpu.memref_slice %arg4[%add3A] : memref<1600000xi32, #tpu.memory_space<hbm>> -> memref<80xi32, #tpu.memory_space<hbm>>
        %dma_wait3A_81 = arith.constant 0 : i32
        %dma_wait3A_82 = tpu.memref_slice %arg11[%run_scoped3A, %dma_wait3A_81] : memref<1x80xi32, #tpu.memory_space<vmem>> -> memref<1x80xi32, #tpu.memory_space<vmem>>
        %dma_wait3A_83 = tpu.memref_squeeze %dma_wait3A_82 : memref<1x80xi32, #tpu.memory_space<vmem>> -> memref<80xi32, #tpu.memory_space<vmem>>
        %dma_wait3A_84 = tpu.memref_slice %arg4[%add3A] : memref<1600000xi32, #tpu.memory_space<hbm>> -> memref<80xi32, #tpu.memory_space<hbm>>
        tpu.wait_dma2 semaphore(%run_scoped3A_70 : memref<!tpu.dma_semaphore, #tpu.memory_space<semaphore_mem>>) src(%dma_wait3A_84 : memref<80xi32, #tpu.memory_space<hbm>>) dst(%dma_wait3A_83 : memref<80xi32, #tpu.memory_space<vmem>>)
        tpu.yield
      }) : () -> ()
      %get3A = arith.constant 0 : index
      %get3A_26 = tpu.vector_load %arg9[%get3A] {strides = array<i32>} : memref<80xi32, #tpu.memory_space<vmem>>, vector<16xi32>,
      %get3A_27 = vector.shape_cast %get3A_26 : vector<16xi32> to vector<16xi32>
      %add3A_28 = vector.broadcast %mul3A_2 : i32 to vector<16xi32>
      %add3A_29 = arith.addi %get3A_27, %add3A_28 : vector<16xi32>
      %swap3A = arith.constant 0 : index
      %swap3A_30 = tpu.vector_load %arg10[%swap3A] {strides = array<i32>} : memref<80xi32, #tpu.memory_space<vmem>>, vector<16xi32>,
      %swap3A_31 = vector.shape_cast %swap3A_30 : vector<16xi32> to vector<16xi32>
      %swap3A_32 = vector.shape_cast %add3A_29 : vector<16xi32> to vector<16xi32>
      tpu.vector_store %arg10[%swap3A], %swap3A_32 {strides = array<i32>} : memref<80xi32, #tpu.memory_space<vmem>>, vector<16xi32>,
      %get3A_33 = arith.constant 16 : index
      %get3A_34 = tpu.vector_load %arg9[%get3A_33] {strides = array<i32>} : memref<80xi32, #tpu.memory_space<vmem>>, vector<16xi32>,
      %get3A_35 = vector.shape_cast %get3A_34 : vector<16xi32> to vector<16xi32>
      %add3A_36 = vector.broadcast %mul3A_2 : i32 to vector<16xi32>
      %add3A_37 = arith.addi %get3A_35, %add3A_36 : vector<16xi32>
      %swap3A_38 = arith.constant 16 : index
      %swap3A_39 = tpu.vector_load %arg10[%swap3A_38] {strides = array<i32>} : memref<80xi32, #tpu.memory_space<vmem>>, vector<16xi32>,
      %swap3A_40 = vector.shape_cast %swap3A_39 : vector<16xi32> to vector<16xi32>
      %swap3A_41 = vector.shape_cast %add3A_37 : vector<16xi32> to vector<16xi32>
      tpu.vector_store %arg10[%swap3A_38], %swap3A_41 {strides = array<i32>} : memref<80xi32, #tpu.memory_space<vmem>>, vector<16xi32>,
      %get3A_42 = arith.constant 32 : index
      %get3A_43 = tpu.vector_load %arg9[%get3A_42] {strides = array<i32>} : memref<80xi32, #tpu.memory_space<vmem>>, vector<16xi32>,
      %get3A_44 = vector.shape_cast %get3A_43 : vector<16xi32> to vector<16xi32>
      %add3A_45 = vector.broadcast %mul3A_2 : i32 to vector<16xi32>
      %add3A_46 = arith.addi %get3A_44, %add3A_45 : vector<16xi32>
      %swap3A_47 = arith.constant 32 : index
      %swap3A_48 = tpu.vector_load %arg10[%swap3A_47] {strides = array<i32>} : memref<80xi32, #tpu.memory_space<vmem>>, vector<16xi32>,
      %swap3A_49 = vector.shape_cast %swap3A_48 : vector<16xi32> to vector<16xi32>
      %swap3A_50 = vector.shape_cast %add3A_46 : vector<16xi32> to vector<16xi32>
      tpu.vector_store %arg10[%swap3A_47], %swap3A_50 {strides = array<i32>} : memref<80xi32, #tpu.memory_space<vmem>>, vector<16xi32>,
      %get3A_51 = arith.constant 48 : index
      %get3A_52 = tpu.vector_load %arg9[%get3A_51] {strides = array<i32>} : memref<80xi32, #tpu.memory_space<vmem>>, vector<16xi32>,
      %get3A_53 = vector.shape_cast %get3A_52 : vector<16xi32> to vector<16xi32>
      %add3A_54 = vector.broadcast %mul3A_2 : i32 to vector<16xi32>
      %add3A_55 = arith.addi %get3A_53, %add3A_54 : vector<16xi32>
      %swap3A_56 = arith.constant 48 : index
      %swap3A_57 = tpu.vector_load %arg10[%swap3A_56] {strides = array<i32>} : memref<80xi32, #tpu.memory_space<vmem>>, vector<16xi32>,
      %swap3A_58 = vector.shape_cast %swap3A_57 : vector<16xi32> to vector<16xi32>
      %swap3A_59 = vector.shape_cast %add3A_55 : vector<16xi32> to vector<16xi32>
      tpu.vector_store %arg10[%swap3A_56], %swap3A_59 {strides = array<i32>} : memref<80xi32, #tpu.memory_space<vmem>>, vector<16xi32>,
      %get3A_60 = arith.constant 64 : index
      %get3A_61 = tpu.vector_load %arg9[%get3A_60] {strides = array<i32>} : memref<80xi32, #tpu.memory_space<vmem>>, vector<16xi32>,
      %get3A_62 = vector.shape_cast %get3A_61 : vector<16xi32> to vector<16xi32>
      %add3A_63 = vector.broadcast %mul3A_2 : i32 to vector<16xi32>
      %add3A_64 = arith.addi %get3A_62, %add3A_63 : vector<16xi32>
      %swap3A_65 = arith.constant 64 : index
      %swap3A_66 = tpu.vector_load %arg10[%swap3A_65] {strides = array<i32>} : memref<80xi32, #tpu.memory_space<vmem>>, vector<16xi32>,
      %swap3A_67 = vector.shape_cast %swap3A_66 : vector<16xi32> to vector<16xi32>
      %swap3A_68 = vector.shape_cast %add3A_64 : vector<16xi32> to vector<16xi32>
      tpu.vector_store %arg10[%swap3A_65], %swap3A_68 {strides = array<i32>} : memref<80xi32, #tpu.memory_space<vmem>>, vector<16xi32>,
      "tpu.region"() ({
        %run_scoped3A_70 = tpu.sem_alloc : memref<!tpu.dma_semaphore, #tpu.memory_space<semaphore_mem>>
        %dma_start3A = arith.constant 0 : i32
        %dma_start3A_71 = arith.constant 0 : i32
        %dma_start3A_72 = tpu.memref_slice %arg2[%dma_start3A, %dma_start3A_71] : memref<200704x16xf32, #tpu.memory_space<hbm>> -> memref<200704x16xf32, #tpu.memory_space<hbm>>
        tpu.enqueue_indirect_dma source(%dma_start3A_72 : memref<200704x16xf32, #tpu.memory_space<hbm>>) target(%arg8 : memref<80x16xf32, #tpu.memory_space<vmem>>) offsets(%arg10 : memref<80xi32, #tpu.memory_space<vmem>>) semaphore(%run_scoped3A_70 : memref<!tpu.dma_semaphore, #tpu.memory_space<semaphore_mem>>)
        %dma_wait3A = arith.constant 0 : i32
        %dma_wait3A_73 = arith.constant 0 : i32
        %dma_wait3A_74 = tpu.memref_slice %arg2[%dma_wait3A, %dma_wait3A_73] : memref<200704x16xf32, #tpu.memory_space<hbm>> -> memref<200704x16xf32, #tpu.memory_space<hbm>>
        tpu.wait_indirect_dma semaphore(%run_scoped3A_70 : memref<!tpu.dma_semaphore, #tpu.memory_space<semaphore_mem>>) src(%dma_wait3A_74 : memref<200704x16xf32, #tpu.memory_space<hbm>>) dst(%arg8 : memref<80x16xf32, #tpu.memory_space<vmem>>)
        tpu.yield
      }) : () -> ()
      %run_scoped3A_69 = arith.constant 0 : i32
      "tpu.region"() ({
        %run_scoped3A_70 = tpu.sem_alloc : memref<!tpu.dma_semaphore, #tpu.memory_space<semaphore_mem>>
        %dma_start3A = arith.constant 0 : i32
        %dma_start3A_71 = tpu.memref_slice %arg11[%run_scoped3A_69, %dma_start3A] : memref<1x80xi32, #tpu.memory_space<vmem>> -> memref<1x80xi32, #tpu.memory_space<vmem>>
        %dma_start3A_72 = tpu.memref_squeeze %dma_start3A_71 : memref<1x80xi32, #tpu.memory_space<vmem>> -> memref<80xi32, #tpu.memory_space<vmem>>
        %dma_start3A_73 = arith.constant 0 : i32
        %dma_start3A_74 = arith.constant 0 : i32
        %dma_start3A_75 = tpu.memref_slice %arg6[%dma_start3A_73, %dma_start3A_74] : memref<100352x16xf32, #tpu.memory_space<vmem_shared>> -> memref<100352x16xf32, #tpu.memory_space<vmem_shared>>
        tpu.enqueue_indirect_dma source(%arg8 : memref<80x16xf32, #tpu.memory_space<vmem>>) target(%dma_start3A_75 : memref<100352x16xf32, #tpu.memory_space<vmem_shared>>) offsets(%dma_start3A_72 : memref<80xi32, #tpu.memory_space<vmem>>) semaphore(%run_scoped3A_70 : memref<!tpu.dma_semaphore, #tpu.memory_space<semaphore_mem>>) {add = true}
        %dma_wait3A = arith.constant 0 : i32
        %dma_wait3A_76 = tpu.memref_slice %arg11[%run_scoped3A_69, %dma_wait3A] : memref<1x80xi32, #tpu.memory_space<vmem>> -> memref<1x80xi32, #tpu.memory_space<vmem>>
        %dma_wait3A_77 = tpu.memref_squeeze %dma_wait3A_76 : memref<1x80xi32, #tpu.memory_space<vmem>> -> memref<80xi32, #tpu.memory_space<vmem>>
        %dma_wait3A_78 = arith.constant 0 : i32
        %dma_wait3A_79 = arith.constant 0 : i32
        %dma_wait3A_80 = tpu.memref_slice %arg6[%dma_wait3A_78, %dma_wait3A_79] : memref<100352x16xf32, #tpu.memory_space<vmem_shared>> -> memref<100352x16xf32, #tpu.memory_space<vmem_shared>>
        tpu.wait_indirect_dma semaphore(%run_scoped3A_70 : memref<!tpu.dma_semaphore, #tpu.memory_space<semaphore_mem>>) src(%arg8 : memref<80x16xf32, #tpu.memory_space<vmem>>) dst(%dma_wait3A_80 : memref<100352x16xf32, #tpu.memory_space<vmem_shared>>)
        tpu.yield
      }) : () -> ()
    }
    %scan3A_15 = arith.constant 1250 : i32
    %barrier3A_16 = arith.constant 0 : index
    tpu.barrier barrier_id(%barrier3A_16)
    %scan3A_17 = arith.constant 0 : i32
    %scan3A_18 = arith.constant 0 : i32
    %scan3A_19 = arith.constant 8 : i32
    %scan3A_20 = arith.addi %scan3A_18, %scan3A_19 : i32
    %scan3A_21 = arith.constant 1 : i32
    scf.for %scan3A_23 = %scan3A_18 to %scan3A_20 step %scan3A_21  : i32 {
      %mul3A_24 = arith.constant 784 : i32
      %mul3A_25 = arith.muli %scan3A_23, %mul3A_24 : i32
      %add3A = arith.addi %mul3A_0, %mul3A_25 : i32
      "tpu.region"() ({
        %run_scoped3A = tpu.sem_alloc : memref<!tpu.dma_semaphore, #tpu.memory_space<semaphore_mem>>
        %dma_start3A = arith.constant 0 : i32
        %dma_start3A_27 = tpu.memref_slice %arg6[%add3A, %dma_start3A] : memref<100352x16xf32, #tpu.memory_space<vmem_shared>> -> memref<784x16xf32, #tpu.memory_space<vmem_shared>>
        %dma_start3A_28 = arith.constant 0 : i32
        %dma_start3A_29 = tpu.memref_slice %arg6[%add3A, %dma_start3A_28] : memref<100352x16xf32, #tpu.memory_space<vmem_shared>> -> memref<784x16xf32, #tpu.memory_space<vmem_shared>>
        tpu.enqueue_dma source(%dma_start3A_29 : memref<784x16xf32, #tpu.memory_space<vmem_shared>>) target(%arg7 : memref<784x16xf32, #tpu.memory_space<vmem>>) target_semaphore(%run_scoped3A : memref<!tpu.dma_semaphore, #tpu.memory_space<semaphore_mem>>)
        %dma_wait3A = arith.constant 0 : i32
        %dma_wait3A_30 = tpu.memref_slice %arg6[%add3A, %dma_wait3A] : memref<100352x16xf32, #tpu.memory_space<vmem_shared>> -> memref<784x16xf32, #tpu.memory_space<vmem_shared>>
        %dma_wait3A_31 = arith.constant 0 : i32
        %dma_wait3A_32 = tpu.memref_slice %arg6[%add3A, %dma_wait3A_31] : memref<100352x16xf32, #tpu.memory_space<vmem_shared>> -> memref<784x16xf32, #tpu.memory_space<vmem_shared>>
        tpu.wait_dma2 semaphore(%run_scoped3A : memref<!tpu.dma_semaphore, #tpu.memory_space<semaphore_mem>>) src(%dma_wait3A_32 : memref<784x16xf32, #tpu.memory_space<vmem_shared>>) dst(%arg7 : memref<784x16xf32, #tpu.memory_space<vmem>>)
        tpu.yield
      }) : () -> ()
      %add3A_26 = arith.addi %mul3A_2, %add3A : i32
      "tpu.region"() ({
        %run_scoped3A = tpu.sem_alloc : memref<!tpu.dma_semaphore, #tpu.memory_space<semaphore_mem>>
        %dma_start3A = arith.constant 0 : i32
        %dma_start3A_27 = tpu.memref_slice %arg5[%add3A_26, %dma_start3A] : memref<200704x16xf32, #tpu.memory_space<hbm>> -> memref<784x16xf32, #tpu.memory_space<hbm>>
        %dma_start3A_28 = arith.constant 0 : i32
        %dma_start3A_29 = tpu.memref_slice %arg5[%add3A_26, %dma_start3A_28] : memref<200704x16xf32, #tpu.memory_space<hbm>> -> memref<784x16xf32, #tpu.memory_space<hbm>>
        tpu.enqueue_dma source(%arg7 : memref<784x16xf32, #tpu.memory_space<vmem>>) target(%dma_start3A_29 : memref<784x16xf32, #tpu.memory_space<hbm>>) target_semaphore(%run_scoped3A : memref<!tpu.dma_semaphore, #tpu.memory_space<semaphore_mem>>)
        %dma_wait3A = arith.constant 0 : i32
        %dma_wait3A_30 = tpu.memref_slice %arg5[%add3A_26, %dma_wait3A] : memref<200704x16xf32, #tpu.memory_space<hbm>> -> memref<784x16xf32, #tpu.memory_space<hbm>>
        %dma_wait3A_31 = arith.constant 0 : i32
        %dma_wait3A_32 = tpu.memref_slice %arg5[%add3A_26, %dma_wait3A_31] : memref<200704x16xf32, #tpu.memory_space<hbm>> -> memref<784x16xf32, #tpu.memory_space<hbm>>
        tpu.wait_dma2 semaphore(%run_scoped3A : memref<!tpu.dma_semaphore, #tpu.memory_space<semaphore_mem>>) src(%arg7 : memref<784x16xf32, #tpu.memory_space<vmem>>) dst(%dma_wait3A_32 : memref<784x16xf32, #tpu.memory_space<hbm>>)
        tpu.yield
      }) : () -> ()
    }
    %scan3A_22 = arith.constant 8 : i32
    return
  }
}

#map = affine_map<(d0, d1) -> (0, 0)>
#map1 = affine_map<(d0, d1) -> (0)>
module attributes {stable_mosaic.version = 14 : i64} {
  func.func @_conv16_kernel(%arg0: i32, %arg1: i32, %arg2: memref<200704x16xf32, #tpu.memory_space<hbm>>, %arg3: memref<1600000xi32, #tpu.memory_space<hbm>>, %arg4: memref<1600000xi32, #tpu.memory_space<hbm>>, %arg5: memref<200704x16xf32, #tpu.memory_space<hbm>>, %arg6: memref<100352x16xf32, #tpu.memory_space<vmem_shared>>, %arg7: memref<784x16xf32, #tpu.memory_space<vmem>>, %arg8: memref<80x16xf32, #tpu.memory_space<vmem>>, %arg9: memref<80xi32, #tpu.memory_space<vmem>>, %arg10: memref<80xi32, #tpu.memory_space<vmem>>, %arg11: memref<1x80xi32, #tpu.memory_space<vmem>>) attributes {dimension_semantics = [#tpu.dimension_semantics<core_parallel>, #tpu.dimension_semantics<subcore_parallel>], iteration_bounds = array<i64: 2, 16>, scalar_prefetch = 0 : i64, scratch_operands = 6 : i64, tpu.core_type = #tpu.core_type<sc_vector_subcore>, window_params = [{transform_indices = #map}, {transform_indices = #map1}, {transform_indices = #map1}, {transform_indices = #map}]} {
    %mul3A = arith.constant 6272 : i32
    %mul3A_0 = arith.muli %arg1, %mul3A : i32
    %mul3A_1 = arith.constant 100352 : i32
    %mul3A_2 = arith.muli %arg0, %mul3A_1 : i32
    %scan3A = arith.constant 0 : i32
    %scan3A_3 = arith.constant 0 : i32
    %scan3A_4 = arith.constant 8 : i32
    %scan3A_5 = arith.addi %scan3A_3, %scan3A_4 : i32
    %scan3A_6 = arith.constant 1 : i32
    scf.for %scan3A_23 = %scan3A_3 to %scan3A_5 step %scan3A_6  : i32 {
      %mul3A_24 = arith.constant 784 : i32
      %mul3A_25 = arith.muli %scan3A_23, %mul3A_24 : i32
      %add3A = arith.addi %mul3A_0, %mul3A_25 : i32
      %add3A_26 = arith.addi %mul3A_2, %add3A : i32
      "tpu.region"() ({
        %run_scoped3A = tpu.sem_alloc : memref<!tpu.dma_semaphore, #tpu.memory_space<semaphore_mem>>
        %dma_start3A = arith.constant 0 : i32
        %dma_start3A_27 = tpu.memref_slice %arg2[%add3A_26, %dma_start3A] : memref<200704x16xf32, #tpu.memory_space<hbm>> -> memref<784x16xf32, #tpu.memory_space<hbm>>
        %dma_start3A_28 = arith.constant 0 : i32
        %dma_start3A_29 = tpu.memref_slice %arg2[%add3A_26, %dma_start3A_28] : memref<200704x16xf32, #tpu.memory_space<hbm>> -> memref<784x16xf32, #tpu.memory_space<hbm>>
        tpu.enqueue_dma source(%dma_start3A_29 : memref<784x16xf32, #tpu.memory_space<hbm>>) target(%arg7 : memref<784x16xf32, #tpu.memory_space<vmem>>) target_semaphore(%run_scoped3A : memref<!tpu.dma_semaphore, #tpu.memory_space<semaphore_mem>>)
        %dma_wait3A = arith.constant 0 : i32
        %dma_wait3A_30 = tpu.memref_slice %arg2[%add3A_26, %dma_wait3A] : memref<200704x16xf32, #tpu.memory_space<hbm>> -> memref<784x16xf32, #tpu.memory_space<hbm>>
        %dma_wait3A_31 = arith.constant 0 : i32
        %dma_wait3A_32 = tpu.memref_slice %arg2[%add3A_26, %dma_wait3A_31] : memref<200704x16xf32, #tpu.memory_space<hbm>> -> memref<784x16xf32, #tpu.memory_space<hbm>>
        tpu.wait_dma2 semaphore(%run_scoped3A : memref<!tpu.dma_semaphore, #tpu.memory_space<semaphore_mem>>) src(%dma_wait3A_32 : memref<784x16xf32, #tpu.memory_space<hbm>>) dst(%arg7 : memref<784x16xf32, #tpu.memory_space<vmem>>)
        tpu.yield
      }) : () -> ()
      "tpu.region"() ({
        %run_scoped3A = tpu.sem_alloc : memref<!tpu.dma_semaphore, #tpu.memory_space<semaphore_mem>>
        %dma_start3A = arith.constant 0 : i32
        %dma_start3A_27 = tpu.memref_slice %arg6[%add3A, %dma_start3A] : memref<100352x16xf32, #tpu.memory_space<vmem_shared>> -> memref<784x16xf32, #tpu.memory_space<vmem_shared>>
        %dma_start3A_28 = arith.constant 0 : i32
        %dma_start3A_29 = tpu.memref_slice %arg6[%add3A, %dma_start3A_28] : memref<100352x16xf32, #tpu.memory_space<vmem_shared>> -> memref<784x16xf32, #tpu.memory_space<vmem_shared>>
        tpu.enqueue_dma source(%arg7 : memref<784x16xf32, #tpu.memory_space<vmem>>) target(%dma_start3A_29 : memref<784x16xf32, #tpu.memory_space<vmem_shared>>) target_semaphore(%run_scoped3A : memref<!tpu.dma_semaphore, #tpu.memory_space<semaphore_mem>>)
        %dma_wait3A = arith.constant 0 : i32
        %dma_wait3A_30 = tpu.memref_slice %arg6[%add3A, %dma_wait3A] : memref<100352x16xf32, #tpu.memory_space<vmem_shared>> -> memref<784x16xf32, #tpu.memory_space<vmem_shared>>
        %dma_wait3A_31 = arith.constant 0 : i32
        %dma_wait3A_32 = tpu.memref_slice %arg6[%add3A, %dma_wait3A_31] : memref<100352x16xf32, #tpu.memory_space<vmem_shared>> -> memref<784x16xf32, #tpu.memory_space<vmem_shared>>
        tpu.wait_dma2 semaphore(%run_scoped3A : memref<!tpu.dma_semaphore, #tpu.memory_space<semaphore_mem>>) src(%arg7 : memref<784x16xf32, #tpu.memory_space<vmem>>) dst(%dma_wait3A_32 : memref<784x16xf32, #tpu.memory_space<vmem_shared>>)
        tpu.yield
      }) : () -> ()
    }
    %scan3A_7 = arith.constant 8 : i32
    %barrier3A = arith.constant 0 : index
    tpu.barrier barrier_id(%barrier3A)
    %mul3A_8 = arith.constant 100000 : i32
    %mul3A_9 = arith.muli %arg1, %mul3A_8 : i32
    %scan3A_10 = arith.constant 0 : i32
    %scan3A_11 = arith.constant 0 : i32
    %scan3A_12 = arith.constant 1250 : i32
    %scan3A_13 = arith.addi %scan3A_11, %scan3A_12 : i32
    %scan3A_14 = arith.constant 1 : i32
    scf.for %scan3A_23 = %scan3A_11 to %scan3A_13 step %scan3A_14  : i32 {
      %mul3A_24 = arith.constant 80 : i32
      %mul3A_25 = arith.muli %scan3A_23, %mul3A_24 : i32
      %add3A = arith.addi %mul3A_9, %mul3A_25 : i32
      "tpu.region"() ({
        %run_scoped3A_70 = tpu.sem_alloc : memref<!tpu.dma_semaphore, #tpu.memory_space<semaphore_mem>>
        %dma_start3A = tpu.memref_slice %arg3[%add3A] : memref<1600000xi32, #tpu.memory_space<hbm>> -> memref<80xi32, #tpu.memory_space<hbm>>
        %dma_start3A_71 = tpu.memref_slice %arg3[%add3A] : memref<1600000xi32, #tpu.memory_space<hbm>> -> memref<80xi32, #tpu.memory_space<hbm>>
        tpu.enqueue_dma source(%dma_start3A_71 : memref<80xi32, #tpu.memory_space<hbm>>) target(%arg9 : memref<80xi32, #tpu.memory_space<vmem>>) target_semaphore(%run_scoped3A_70 : memref<!tpu.dma_semaphore, #tpu.memory_space<semaphore_mem>>)
        %dma_wait3A = tpu.memref_slice %arg3[%add3A] : memref<1600000xi32, #tpu.memory_space<hbm>> -> memref<80xi32, #tpu.memory_space<hbm>>
        %dma_wait3A_72 = tpu.memref_slice %arg3[%add3A] : memref<1600000xi32, #tpu.memory_space<hbm>> -> memref<80xi32, #tpu.memory_space<hbm>>
        tpu.wait_dma2 semaphore(%run_scoped3A_70 : memref<!tpu.dma_semaphore, #tpu.memory_space<semaphore_mem>>) src(%dma_wait3A_72 : memref<80xi32, #tpu.memory_space<hbm>>) dst(%arg9 : memref<80xi32, #tpu.memory_space<vmem>>)
        tpu.yield
      }) : () -> ()
      %run_scoped3A = arith.constant 0 : i32
      "tpu.region"() ({
        %run_scoped3A_70 = tpu.sem_alloc : memref<!tpu.dma_semaphore, #tpu.memory_space<semaphore_mem>>
        %dma_start3A = arith.constant 0 : i32
        %dma_start3A_71 = tpu.memref_slice %arg11[%run_scoped3A, %dma_start3A] : memref<1x80xi32, #tpu.memory_space<vmem>> -> memref<1x80xi32, #tpu.memory_space<vmem>>
        %dma_start3A_72 = tpu.memref_squeeze %dma_start3A_71 : memref<1x80xi32, #tpu.memory_space<vmem>> -> memref<80xi32, #tpu.memory_space<vmem>>
        %dma_start3A_73 = tpu.memref_slice %arg4[%add3A] : memref<1600000xi32, #tpu.memory_space<hbm>> -> memref<80xi32, #tpu.memory_space<hbm>>
        %dma_start3A_74 = arith.constant 0 : i32
        %dma_start3A_75 = tpu.memref_slice %arg11[%run_scoped3A, %dma_start3A_74] : memref<1x80xi32, #tpu.memory_space<vmem>> -> memref<1x80xi32, #tpu.memory_space<vmem>>
        %dma_start3A_76 = tpu.memref_squeeze %dma_start3A_75 : memref<1x80xi32, #tpu.memory_space<vmem>> -> memref<80xi32, #tpu.memory_space<vmem>>
        %dma_start3A_77 = tpu.memref_slice %arg4[%add3A] : memref<1600000xi32, #tpu.memory_space<hbm>> -> memref<80xi32, #tpu.memory_space<hbm>>
        tpu.enqueue_dma source(%dma_start3A_77 : memref<80xi32, #tpu.memory_space<hbm>>) target(%dma_start3A_76 : memref<80xi32, #tpu.memory_space<vmem>>) target_semaphore(%run_scoped3A_70 : memref<!tpu.dma_semaphore, #tpu.memory_space<semaphore_mem>>)
        %dma_wait3A = arith.constant 0 : i32
        %dma_wait3A_78 = tpu.memref_slice %arg11[%run_scoped3A, %dma_wait3A] : memref<1x80xi32, #tpu.memory_space<vmem>> -> memref<1x80xi32, #tpu.memory_space<vmem>>
        %dma_wait3A_79 = tpu.memref_squeeze %dma_wait3A_78 : memref<1x80xi32, #tpu.memory_space<vmem>> -> memref<80xi32, #tpu.memory_space<vmem>>
        %dma_wait3A_80 = tpu.memref_slice %arg4[%add3A] : memref<1600000xi32, #tpu.memory_space<hbm>> -> memref<80xi32, #tpu.memory_space<hbm>>
        %dma_wait3A_81 = arith.constant 0 : i32
        %dma_wait3A_82 = tpu.memref_slice %arg11[%run_scoped3A, %dma_wait3A_81] : memref<1x80xi32, #tpu.memory_space<vmem>> -> memref<1x80xi32, #tpu.memory_space<vmem>>
        %dma_wait3A_83 = tpu.memref_squeeze %dma_wait3A_82 : memref<1x80xi32, #tpu.memory_space<vmem>> -> memref<80xi32, #tpu.memory_space<vmem>>
        %dma_wait3A_84 = tpu.memref_slice %arg4[%add3A] : memref<1600000xi32, #tpu.memory_space<hbm>> -> memref<80xi32, #tpu.memory_space<hbm>>
        tpu.wait_dma2 semaphore(%run_scoped3A_70 : memref<!tpu.dma_semaphore, #tpu.memory_space<semaphore_mem>>) src(%dma_wait3A_84 : memref<80xi32, #tpu.memory_space<hbm>>) dst(%dma_wait3A_83 : memref<80xi32, #tpu.memory_space<vmem>>)
        tpu.yield
      }) : () -> ()
      %get3A = arith.constant 0 : index
      %get3A_26 = tpu.vector_load %arg9[%get3A] {strides = array<i32>} : memref<80xi32, #tpu.memory_space<vmem>>, vector<16xi32>,
      %get3A_27 = vector.shape_cast %get3A_26 : vector<16xi32> to vector<16xi32>
      %add3A_28 = vector.broadcast %mul3A_2 : i32 to vector<16xi32>
      %add3A_29 = arith.addi %get3A_27, %add3A_28 : vector<16xi32>
      %swap3A = arith.constant 0 : index
      %swap3A_30 = tpu.vector_load %arg10[%swap3A] {strides = array<i32>} : memref<80xi32, #tpu.memory_space<vmem>>, vector<16xi32>,
      %swap3A_31 = vector.shape_cast %swap3A_30 : vector<16xi32> to vector<16xi32>
      %swap3A_32 = vector.shape_cast %add3A_29 : vector<16xi32> to vector<16xi32>
      tpu.vector_store %arg10[%swap3A], %swap3A_32 {strides = array<i32>} : memref<80xi32, #tpu.memory_space<vmem>>, vector<16xi32>,
      %get3A_33 = arith.constant 16 : index
      %get3A_34 = tpu.vector_load %arg9[%get3A_33] {strides = array<i32>} : memref<80xi32, #tpu.memory_space<vmem>>, vector<16xi32>,
      %get3A_35 = vector.shape_cast %get3A_34 : vector<16xi32> to vector<16xi32>
      %add3A_36 = vector.broadcast %mul3A_2 : i32 to vector<16xi32>
      %add3A_37 = arith.addi %get3A_35, %add3A_36 : vector<16xi32>
      %swap3A_38 = arith.constant 16 : index
      %swap3A_39 = tpu.vector_load %arg10[%swap3A_38] {strides = array<i32>} : memref<80xi32, #tpu.memory_space<vmem>>, vector<16xi32>,
      %swap3A_40 = vector.shape_cast %swap3A_39 : vector<16xi32> to vector<16xi32>
      %swap3A_41 = vector.shape_cast %add3A_37 : vector<16xi32> to vector<16xi32>
      tpu.vector_store %arg10[%swap3A_38], %swap3A_41 {strides = array<i32>} : memref<80xi32, #tpu.memory_space<vmem>>, vector<16xi32>,
      %get3A_42 = arith.constant 32 : index
      %get3A_43 = tpu.vector_load %arg9[%get3A_42] {strides = array<i32>} : memref<80xi32, #tpu.memory_space<vmem>>, vector<16xi32>,
      %get3A_44 = vector.shape_cast %get3A_43 : vector<16xi32> to vector<16xi32>
      %add3A_45 = vector.broadcast %mul3A_2 : i32 to vector<16xi32>
      %add3A_46 = arith.addi %get3A_44, %add3A_45 : vector<16xi32>
      %swap3A_47 = arith.constant 32 : index
      %swap3A_48 = tpu.vector_load %arg10[%swap3A_47] {strides = array<i32>} : memref<80xi32, #tpu.memory_space<vmem>>, vector<16xi32>,
      %swap3A_49 = vector.shape_cast %swap3A_48 : vector<16xi32> to vector<16xi32>
      %swap3A_50 = vector.shape_cast %add3A_46 : vector<16xi32> to vector<16xi32>
      tpu.vector_store %arg10[%swap3A_47], %swap3A_50 {strides = array<i32>} : memref<80xi32, #tpu.memory_space<vmem>>, vector<16xi32>,
      %get3A_51 = arith.constant 48 : index
      %get3A_52 = tpu.vector_load %arg9[%get3A_51] {strides = array<i32>} : memref<80xi32, #tpu.memory_space<vmem>>, vector<16xi32>,
      %get3A_53 = vector.shape_cast %get3A_52 : vector<16xi32> to vector<16xi32>
      %add3A_54 = vector.broadcast %mul3A_2 : i32 to vector<16xi32>
      %add3A_55 = arith.addi %get3A_53, %add3A_54 : vector<16xi32>
      %swap3A_56 = arith.constant 48 : index
      %swap3A_57 = tpu.vector_load %arg10[%swap3A_56] {strides = array<i32>} : memref<80xi32, #tpu.memory_space<vmem>>, vector<16xi32>,
      %swap3A_58 = vector.shape_cast %swap3A_57 : vector<16xi32> to vector<16xi32>
      %swap3A_59 = vector.shape_cast %add3A_55 : vector<16xi32> to vector<16xi32>
      tpu.vector_store %arg10[%swap3A_56], %swap3A_59 {strides = array<i32>} : memref<80xi32, #tpu.memory_space<vmem>>, vector<16xi32>,
      %get3A_60 = arith.constant 64 : index
      %get3A_61 = tpu.vector_load %arg9[%get3A_60] {strides = array<i32>} : memref<80xi32, #tpu.memory_space<vmem>>, vector<16xi32>,
      %get3A_62 = vector.shape_cast %get3A_61 : vector<16xi32> to vector<16xi32>
      %add3A_63 = vector.broadcast %mul3A_2 : i32 to vector<16xi32>
      %add3A_64 = arith.addi %get3A_62, %add3A_63 : vector<16xi32>
      %swap3A_65 = arith.constant 64 : index
      %swap3A_66 = tpu.vector_load %arg10[%swap3A_65] {strides = array<i32>} : memref<80xi32, #tpu.memory_space<vmem>>, vector<16xi32>,
      %swap3A_67 = vector.shape_cast %swap3A_66 : vector<16xi32> to vector<16xi32>
      %swap3A_68 = vector.shape_cast %add3A_64 : vector<16xi32> to vector<16xi32>
      tpu.vector_store %arg10[%swap3A_65], %swap3A_68 {strides = array<i32>} : memref<80xi32, #tpu.memory_space<vmem>>, vector<16xi32>,
      "tpu.region"() ({
        %run_scoped3A_70 = tpu.sem_alloc : memref<!tpu.dma_semaphore, #tpu.memory_space<semaphore_mem>>
        %dma_start3A = arith.constant 0 : i32
        %dma_start3A_71 = arith.constant 0 : i32
        %dma_start3A_72 = tpu.memref_slice %arg2[%dma_start3A, %dma_start3A_71] : memref<200704x16xf32, #tpu.memory_space<hbm>> -> memref<200704x16xf32, #tpu.memory_space<hbm>>
        tpu.enqueue_indirect_dma source(%dma_start3A_72 : memref<200704x16xf32, #tpu.memory_space<hbm>>) target(%arg8 : memref<80x16xf32, #tpu.memory_space<vmem>>) offsets(%arg10 : memref<80xi32, #tpu.memory_space<vmem>>) semaphore(%run_scoped3A_70 : memref<!tpu.dma_semaphore, #tpu.memory_space<semaphore_mem>>)
        %dma_wait3A = arith.constant 0 : i32
        %dma_wait3A_73 = arith.constant 0 : i32
        %dma_wait3A_74 = tpu.memref_slice %arg2[%dma_wait3A, %dma_wait3A_73] : memref<200704x16xf32, #tpu.memory_space<hbm>> -> memref<200704x16xf32, #tpu.memory_space<hbm>>
        tpu.wait_indirect_dma semaphore(%run_scoped3A_70 : memref<!tpu.dma_semaphore, #tpu.memory_space<semaphore_mem>>) src(%dma_wait3A_74 : memref<200704x16xf32, #tpu.memory_space<hbm>>) dst(%arg8 : memref<80x16xf32, #tpu.memory_space<vmem>>)
        tpu.yield
      }) : () -> ()
      %run_scoped3A_69 = arith.constant 0 : i32
      "tpu.region"() ({
        %run_scoped3A_70 = tpu.sem_alloc : memref<!tpu.dma_semaphore, #tpu.memory_space<semaphore_mem>>
        %dma_start3A = arith.constant 0 : i32
        %dma_start3A_71 = tpu.memref_slice %arg11[%run_scoped3A_69, %dma_start3A] : memref<1x80xi32, #tpu.memory_space<vmem>> -> memref<1x80xi32, #tpu.memory_space<vmem>>
        %dma_start3A_72 = tpu.memref_squeeze %dma_start3A_71 : memref<1x80xi32, #tpu.memory_space<vmem>> -> memref<80xi32, #tpu.memory_space<vmem>>
        %dma_start3A_73 = arith.constant 0 : i32
        %dma_start3A_74 = arith.constant 0 : i32
        %dma_start3A_75 = tpu.memref_slice %arg6[%dma_start3A_73, %dma_start3A_74] : memref<100352x16xf32, #tpu.memory_space<vmem_shared>> -> memref<100352x16xf32, #tpu.memory_space<vmem_shared>>
        tpu.enqueue_indirect_dma source(%arg8 : memref<80x16xf32, #tpu.memory_space<vmem>>) target(%dma_start3A_75 : memref<100352x16xf32, #tpu.memory_space<vmem_shared>>) offsets(%dma_start3A_72 : memref<80xi32, #tpu.memory_space<vmem>>) semaphore(%run_scoped3A_70 : memref<!tpu.dma_semaphore, #tpu.memory_space<semaphore_mem>>) {add = true}
        %dma_wait3A = arith.constant 0 : i32
        %dma_wait3A_76 = tpu.memref_slice %arg11[%run_scoped3A_69, %dma_wait3A] : memref<1x80xi32, #tpu.memory_space<vmem>> -> memref<1x80xi32, #tpu.memory_space<vmem>>
        %dma_wait3A_77 = tpu.memref_squeeze %dma_wait3A_76 : memref<1x80xi32, #tpu.memory_space<vmem>> -> memref<80xi32, #tpu.memory_space<vmem>>
        %dma_wait3A_78 = arith.constant 0 : i32
        %dma_wait3A_79 = arith.constant 0 : i32
        %dma_wait3A_80 = tpu.memref_slice %arg6[%dma_wait3A_78, %dma_wait3A_79] : memref<100352x16xf32, #tpu.memory_space<vmem_shared>> -> memref<100352x16xf32, #tpu.memory_space<vmem_shared>>
        tpu.wait_indirect_dma semaphore(%run_scoped3A_70 : memref<!tpu.dma_semaphore, #tpu.memory_space<semaphore_mem>>) src(%arg8 : memref<80x16xf32, #tpu.memory_space<vmem>>) dst(%dma_wait3A_80 : memref<100352x16xf32, #tpu.memory_space<vmem_shared>>)
        tpu.yield
      }) : () -> ()
    }
    %scan3A_15 = arith.constant 1250 : i32
    %barrier3A_16 = arith.constant 0 : index
    tpu.barrier barrier_id(%barrier3A_16)
    %scan3A_17 = arith.constant 0 : i32
    %scan3A_18 = arith.constant 0 : i32
    %scan3A_19 = arith.constant 8 : i32
    %scan3A_20 = arith.addi %scan3A_18, %scan3A_19 : i32
    %scan3A_21 = arith.constant 1 : i32
    scf.for %scan3A_23 = %scan3A_18 to %scan3A_20 step %scan3A_21  : i32 {
      %mul3A_24 = arith.constant 784 : i32
      %mul3A_25 = arith.muli %scan3A_23, %mul3A_24 : i32
      %add3A = arith.addi %mul3A_0, %mul3A_25 : i32
      "tpu.region"() ({
        %run_scoped3A = tpu.sem_alloc : memref<!tpu.dma_semaphore, #tpu.memory_space<semaphore_mem>>
        %dma_start3A = arith.constant 0 : i32
        %dma_start3A_27 = tpu.memref_slice %arg6[%add3A, %dma_start3A] : memref<100352x16xf32, #tpu.memory_space<vmem_shared>> -> memref<784x16xf32, #tpu.memory_space<vmem_shared>>
        %dma_start3A_28 = arith.constant 0 : i32
        %dma_start3A_29 = tpu.memref_slice %arg6[%add3A, %dma_start3A_28] : memref<100352x16xf32, #tpu.memory_space<vmem_shared>> -> memref<784x16xf32, #tpu.memory_space<vmem_shared>>
        tpu.enqueue_dma source(%dma_start3A_29 : memref<784x16xf32, #tpu.memory_space<vmem_shared>>) target(%arg7 : memref<784x16xf32, #tpu.memory_space<vmem>>) target_semaphore(%run_scoped3A : memref<!tpu.dma_semaphore, #tpu.memory_space<semaphore_mem>>)
        %dma_wait3A = arith.constant 0 : i32
        %dma_wait3A_30 = tpu.memref_slice %arg6[%add3A, %dma_wait3A] : memref<100352x16xf32, #tpu.memory_space<vmem_shared>> -> memref<784x16xf32, #tpu.memory_space<vmem_shared>>
        %dma_wait3A_31 = arith.constant 0 : i32
        %dma_wait3A_32 = tpu.memref_slice %arg6[%add3A, %dma_wait3A_31] : memref<100352x16xf32, #tpu.memory_space<vmem_shared>> -> memref<784x16xf32, #tpu.memory_space<vmem_shared>>
        tpu.wait_dma2 semaphore(%run_scoped3A : memref<!tpu.dma_semaphore, #tpu.memory_space<semaphore_mem>>) src(%dma_wait3A_32 : memref<784x16xf32, #tpu.memory_space<vmem_shared>>) dst(%arg7 : memref<784x16xf32, #tpu.memory_space<vmem>>)
        tpu.yield
      }) : () -> ()
      %add3A_26 = arith.addi %mul3A_2, %add3A : i32
      "tpu.region"() ({
        %run_scoped3A = tpu.sem_alloc : memref<!tpu.dma_semaphore, #tpu.memory_space<semaphore_mem>>
        %dma_start3A = arith.constant 0 : i32
        %dma_start3A_27 = tpu.memref_slice %arg5[%add3A_26, %dma_start3A] : memref<200704x16xf32, #tpu.memory_space<hbm>> -> memref<784x16xf32, #tpu.memory_space<hbm>>
        %dma_start3A_28 = arith.constant 0 : i32
        %dma_start3A_29 = tpu.memref_slice %arg5[%add3A_26, %dma_start3A_28] : memref<200704x16xf32, #tpu.memory_space<hbm>> -> memref<784x16xf32, #tpu.memory_space<hbm>>
        tpu.enqueue_dma source(%arg7 : memref<784x16xf32, #tpu.memory_space<vmem>>) target(%dma_start3A_29 : memref<784x16xf32, #tpu.memory_space<hbm>>) target_semaphore(%run_scoped3A : memref<!tpu.dma_semaphore, #tpu.memory_space<semaphore_mem>>)
        %dma_wait3A = arith.constant 0 : i32
        %dma_wait3A_30 = tpu.memref_slice %arg5[%add3A_26, %dma_wait3A] : memref<200704x16xf32, #tpu.memory_space<hbm>> -> memref<784x16xf32, #tpu.memory_space<hbm>>
        %dma_wait3A_31 = arith.constant 0 : i32
        %dma_wait3A_32 = tpu.memref_slice %arg5[%add3A_26, %dma_wait3A_31] : memref<200704x16xf32, #tpu.memory_space<hbm>> -> memref<784x16xf32, #tpu.memory_space<hbm>>
        tpu.wait_dma2 semaphore(%run_scoped3A : memref<!tpu.dma_semaphore, #tpu.memory_space<semaphore_mem>>) src(%arg7 : memref<784x16xf32, #tpu.memory_space<vmem>>) dst(%dma_wait3A_32 : memref<784x16xf32, #tpu.memory_space<hbm>>)
        tpu.yield
      }) : () -> ()
    }
    %scan3A_22 = arith.constant 8 : i32
    return
  }
}

module attributes {stable_mosaic.version = 14 : i64} {
  func.func @_tc1_body(%arg0: i32, %arg1: memref<2x1024x1xf32, #tpu.memory_space<vmem>>, %arg2: memref<1024x3xf32, #tpu.memory_space<vmem>>, %arg3: memref<3x32xf32, #tpu.memory_space<vmem>>, %arg4: memref<2x1024x16xf32, #tpu.memory_space<vmem>>) attributes {dimension_semantics = [#tpu.dimension_semantics<arbitrary>], iteration_bounds = array<i64: 98>, scalar_prefetch = 0 : i64, scratch_operands = 0 : i64, tpu.core_type = #tpu.core_type<tc>, window_params = [{transform_indices = @transform_0, window_bounds = array<i64: 2, 1024, 1>}, {transform_indices = @transform_1, window_bounds = array<i64: 1024, 3>}, {pipeline_mode = #tpu.pipeline_mode<synchronous>, transform_indices = @transform_2, window_bounds = array<i64: 3, 32>}, {transform_indices = @transform_3, window_bounds = array<i64: 2, 1024, 16>}]} {
    %get3A = arith.constant 0 : index
    %get3A_0 = arith.constant 0 : index
    %get3A_1 = arith.constant 0 : index
    %get3A_2 = vector.load %arg1[%get3A, %get3A_0, %get3A_1] : memref<2x1024x1xf32, #tpu.memory_space<vmem>>, vector<1x1024x1xf32>
    %get3A_3 = vector.shape_cast %get3A_2 : vector<1x1024x1xf32> to vector<1024x1xf32>
    %get3A_4 = arith.constant 1 : index
    %get3A_5 = arith.constant 0 : index
    %get3A_6 = arith.constant 0 : index
    %get3A_7 = vector.load %arg1[%get3A_4, %get3A_5, %get3A_6] : memref<2x1024x1xf32, #tpu.memory_space<vmem>>, vector<1x1024x1xf32>
    %get3A_8 = vector.shape_cast %get3A_7 : vector<1x1024x1xf32> to vector<1024x1xf32>
    %add3A = arith.addf %get3A_3, %get3A_8 : vector<1024x1xf32>
    %add3A_9 = arith.constant 1.000000e+00 : f32
    %add3A_10 = vector.broadcast %add3A_9 : f32 to vector<1024x1xf32>
    %add3A_11 = arith.addf %add3A, %add3A_10 : vector<1024x1xf32>
    %rsqrt3A = math.rsqrt %add3A_11 : vector<1024x1xf32>
    %get3A_12 = arith.constant 0 : index
    %get3A_13 = arith.constant 0 : index
    %get3A_14 = vector.load %arg2[%get3A_12, %get3A_13] : memref<1024x3xf32, #tpu.memory_space<vmem>>, vector<1024x3xf32>
    %get3A_15 = arith.constant 0 : index
    %get3A_16 = arith.constant 0 : index
    %get3A_17 = vector.load %arg3[%get3A_15, %get3A_16] : memref<3x32xf32, #tpu.memory_space<vmem>>, vector<3x32xf32>
    %slice3A = vector.extract_strided_slice %get3A_14 {offsets = [0, 0], sizes = [1024, 1], strides = [1, 1]} : vector<1024x3xf32> to vector<1024x1xf32>
    %slice3A_18 = vector.extract_strided_slice %get3A_17 {offsets = [0, 0], sizes = [1, 32], strides = [1, 1]} : vector<3x32xf32> to vector<1x32xf32>
    %mul3A = vector.broadcast %slice3A : vector<1024x1xf32> to vector<1024x32xf32>
    %mul3A_19 = vector.broadcast %slice3A_18 : vector<1x32xf32> to vector<1024x32xf32>
    %mul3A_20 = arith.mulf %mul3A, %mul3A_19 : vector<1024x32xf32>
    %slice3A_21 = vector.extract_strided_slice %get3A_14 {offsets = [0, 1], sizes = [1024, 1], strides = [1, 1]} : vector<1024x3xf32> to vector<1024x1xf32>
    %slice3A_22 = vector.extract_strided_slice %get3A_17 {offsets = [1, 0], sizes = [1, 32], strides = [1, 1]} : vector<3x32xf32> to vector<1x32xf32>
    %mul3A_23 = vector.broadcast %slice3A_21 : vector<1024x1xf32> to vector<1024x32xf32>
    %mul3A_24 = vector.broadcast %slice3A_22 : vector<1x32xf32> to vector<1024x32xf32>
    %mul3A_25 = arith.mulf %mul3A_23, %mul3A_24 : vector<1024x32xf32>
    %add3A_26 = arith.addf %mul3A_20, %mul3A_25 : vector<1024x32xf32>
    %slice3A_27 = vector.extract_strided_slice %get3A_14 {offsets = [0, 2], sizes = [1024, 1], strides = [1, 1]} : vector<1024x3xf32> to vector<1024x1xf32>
    %slice3A_28 = vector.extract_strided_slice %get3A_17 {offsets = [2, 0], sizes = [1, 32], strides = [1, 1]} : vector<3x32xf32> to vector<1x32xf32>
    %mul3A_29 = vector.broadcast %slice3A_27 : vector<1024x1xf32> to vector<1024x32xf32>
    %mul3A_30 = vector.broadcast %slice3A_28 : vector<1x32xf32> to vector<1024x32xf32>
    %mul3A_31 = arith.mulf %mul3A_29, %mul3A_30 : vector<1024x32xf32>
    %add3A_32 = arith.addf %add3A_26, %mul3A_31 : vector<1024x32xf32>
    %mul3A_33 = vector.broadcast %rsqrt3A : vector<1024x1xf32> to vector<1024x32xf32>
    %mul3A_34 = arith.mulf %mul3A_33, %add3A_32 : vector<1024x32xf32>
    %slice3A_35 = vector.extract_strided_slice %mul3A_34 {offsets = [0, 0], sizes = [1024, 16], strides = [1, 1]} : vector<1024x32xf32> to vector<1024x16xf32>
    %swap3A = arith.constant 0 : index
    %swap3A_36 = arith.constant 0 : index
    %swap3A_37 = arith.constant 0 : index
    %swap3A_38 = vector.load %arg4[%swap3A, %swap3A_36, %swap3A_37] : memref<2x1024x16xf32, #tpu.memory_space<vmem>>, vector<1x1024x16xf32>
    %swap3A_39 = vector.shape_cast %swap3A_38 : vector<1x1024x16xf32> to vector<1024x16xf32>
    %swap3A_40 = vector.shape_cast %slice3A_35 : vector<1024x16xf32> to vector<1x1024x16xf32>
    tpu.vector_store %arg4[%swap3A, %swap3A_36, %swap3A_37], %swap3A_40 {strides = array<i32>} : memref<2x1024x16xf32, #tpu.memory_space<vmem>>, vector<1x1024x16xf32>,
    %slice3A_41 = vector.extract_strided_slice %mul3A_34 {offsets = [0, 16], sizes = [1024, 16], strides = [1, 1]} : vector<1024x32xf32> to vector<1024x16xf32>
    %swap3A_42 = arith.constant 1 : index
    %swap3A_43 = arith.constant 0 : index
    %swap3A_44 = arith.constant 0 : index
    %swap3A_45 = vector.load %arg4[%swap3A_42, %swap3A_43, %swap3A_44] : memref<2x1024x16xf32, #tpu.memory_space<vmem>>, vector<1x1024x16xf32>
    %swap3A_46 = vector.shape_cast %swap3A_45 : vector<1x1024x16xf32> to vector<1024x16xf32>
    %swap3A_47 = vector.shape_cast %slice3A_41 : vector<1024x16xf32> to vector<1x1024x16xf32>
    tpu.vector_store %arg4[%swap3A_42, %swap3A_43, %swap3A_44], %swap3A_47 {strides = array<i32>} : memref<2x1024x16xf32, #tpu.memory_space<vmem>>, vector<1x1024x16xf32>,
    return
  }
  func.func @transform_0(%arg0: i32) -> (i32, i32, i32) {
    %c0_i32 = arith.constant 0 : i32
    %c0_i32_0 = arith.constant 0 : i32
    %c0_i32_1 = arith.constant 0 : i32
    return %c0_i32, %arg0, %c0_i32_0 : i32, i32, i32
  }
  func.func @transform_1(%arg0: i32) -> (i32, i32) {
    %c0_i32 = arith.constant 0 : i32
    %c0_i32_0 = arith.constant 0 : i32
    return %arg0, %c0_i32 : i32, i32
  }
  func.func @transform_2(%arg0: i32) -> (i32, i32) {
    %c0_i32 = arith.constant 0 : i32
    %c0_i32_0 = arith.constant 0 : i32
    %c0_i32_1 = arith.constant 0 : i32
    return %c0_i32, %c0_i32_0 : i32, i32
  }
  func.func @transform_3(%arg0: i32) -> (i32, i32, i32) {
    %c0_i32 = arith.constant 0 : i32
    %c0_i32_0 = arith.constant 0 : i32
    %c0_i32_1 = arith.constant 0 : i32
    return %c0_i32, %arg0, %c0_i32_0 : i32, i32, i32
  }
}

module attributes {stable_mosaic.version = 14 : i64} {
  func.func @_tcmid_body(%arg0: i32, %arg1: memref<2x1024x1xf32, #tpu.memory_space<vmem>>, %arg2: memref<2x1024x16xf32, #tpu.memory_space<vmem>>, %arg3: memref<1x32xf32, #tpu.memory_space<vmem>>, %arg4: memref<32x32xf32, #tpu.memory_space<vmem>>, %arg5: memref<2x1024x16xf32, #tpu.memory_space<vmem>>) attributes {dimension_semantics = [#tpu.dimension_semantics<arbitrary>], iteration_bounds = array<i64: 98>, scalar_prefetch = 0 : i64, scratch_operands = 0 : i64, tpu.core_type = #tpu.core_type<tc>, window_params = [{transform_indices = @transform_0, window_bounds = array<i64: 2, 1024, 1>}, {transform_indices = @transform_1, window_bounds = array<i64: 2, 1024, 16>}, {pipeline_mode = #tpu.pipeline_mode<synchronous>, transform_indices = @transform_2, window_bounds = array<i64: 1, 32>}, {pipeline_mode = #tpu.pipeline_mode<synchronous>, transform_indices = @transform_3, window_bounds = array<i64: 32, 32>}, {transform_indices = @transform_4, window_bounds = array<i64: 2, 1024, 16>}]} {
    %get3A = arith.constant 0 : index
    %get3A_0 = arith.constant 0 : index
    %get3A_1 = arith.constant 0 : index
    %get3A_2 = vector.load %arg1[%get3A, %get3A_0, %get3A_1] : memref<2x1024x1xf32, #tpu.memory_space<vmem>>, vector<1x1024x1xf32>
    %get3A_3 = vector.shape_cast %get3A_2 : vector<1x1024x1xf32> to vector<1024x1xf32>
    %get3A_4 = arith.constant 1 : index
    %get3A_5 = arith.constant 0 : index
    %get3A_6 = arith.constant 0 : index
    %get3A_7 = vector.load %arg1[%get3A_4, %get3A_5, %get3A_6] : memref<2x1024x1xf32, #tpu.memory_space<vmem>>, vector<1x1024x1xf32>
    %get3A_8 = vector.shape_cast %get3A_7 : vector<1x1024x1xf32> to vector<1024x1xf32>
    %add3A = arith.addf %get3A_3, %get3A_8 : vector<1024x1xf32>
    %add3A_9 = arith.constant 1.000000e+00 : f32
    %add3A_10 = vector.broadcast %add3A_9 : f32 to vector<1024x1xf32>
    %add3A_11 = arith.addf %add3A, %add3A_10 : vector<1024x1xf32>
    %rsqrt3A = math.rsqrt %add3A_11 : vector<1024x1xf32>
    %get3A_12 = arith.constant 0 : index
    %get3A_13 = arith.constant 0 : index
    %get3A_14 = arith.constant 0 : index
    %get3A_15 = vector.load %arg2[%get3A_12, %get3A_13, %get3A_14] : memref<2x1024x16xf32, #tpu.memory_space<vmem>>, vector<1x1024x16xf32>
    %get3A_16 = vector.shape_cast %get3A_15 : vector<1x1024x16xf32> to vector<1024x16xf32>
    %get3A_17 = arith.constant 1 : index
    %get3A_18 = arith.constant 0 : index
    %get3A_19 = arith.constant 0 : index
    %get3A_20 = vector.load %arg2[%get3A_17, %get3A_18, %get3A_19] : memref<2x1024x16xf32, #tpu.memory_space<vmem>>, vector<1x1024x16xf32>
    %get3A_21 = vector.shape_cast %get3A_20 : vector<1x1024x16xf32> to vector<1024x16xf32>
    %concatenate3A = tpu.concatenate %get3A_16, %get3A_21 in 1 : vector<1024x16xf32>, vector<1024x16xf32> -> vector<1024x32xf32>
    %mul3A = vector.broadcast %rsqrt3A : vector<1024x1xf32> to vector<1024x32xf32>
    %mul3A_22 = arith.mulf %mul3A, %concatenate3A : vector<1024x32xf32>
    %get3A_23 = arith.constant 0 : index
    %get3A_24 = arith.constant 0 : index
    %get3A_25 = vector.load %arg3[%get3A_23, %get3A_24] : memref<1x32xf32, #tpu.memory_space<vmem>>, vector<1x32xf32>
    %add3A_26 = vector.broadcast %get3A_25 : vector<1x32xf32> to vector<1024x32xf32>
    %add3A_27 = arith.addf %mul3A_22, %add3A_26 : vector<1024x32xf32>
    %max3A = arith.constant 0.000000e+00 : f32
    %max3A_28 = vector.broadcast %max3A : f32 to vector<1024x32xf32>
    %max3A_29 = arith.maximumf %add3A_27, %max3A_28 : vector<1024x32xf32>
    %get3A_30 = arith.constant 0 : index
    %get3A_31 = arith.constant 0 : index
    %get3A_32 = vector.load %arg4[%get3A_30, %get3A_31] : memref<32x32xf32, #tpu.memory_space<vmem>>, vector<32x32xf32>
    %dot_general3A = arith.constant dense<0.000000e+00> : vector<1024x32xf32>
    %dot_general3A_33 = tpu.matmul %max3A_29, %get3A_32, %dot_general3A {dimension_numbers = #tpu.dot_dimension_numbers<[1], [0], [0], [1], [0, 0, 1, 1], [], []>, transpose_lhs_hint = false} : vector<1024x32xf32>, vector<32x32xf32>, vector<1024x32xf32> -> vector<1024x32xf32>
    %mul3A_34 = vector.broadcast %rsqrt3A : vector<1024x1xf32> to vector<1024x32xf32>
    %mul3A_35 = arith.mulf %mul3A_34, %dot_general3A_33 : vector<1024x32xf32>
    %slice3A = vector.extract_strided_slice %mul3A_35 {offsets = [0, 0], sizes = [1024, 16], strides = [1, 1]} : vector<1024x32xf32> to vector<1024x16xf32>
    %swap3A = arith.constant 0 : index
    %swap3A_36 = arith.constant 0 : index
    %swap3A_37 = arith.constant 0 : index
    %swap3A_38 = vector.load %arg5[%swap3A, %swap3A_36, %swap3A_37] : memref<2x1024x16xf32, #tpu.memory_space<vmem>>, vector<1x1024x16xf32>
    %swap3A_39 = vector.shape_cast %swap3A_38 : vector<1x1024x16xf32> to vector<1024x16xf32>
    %swap3A_40 = vector.shape_cast %slice3A : vector<1024x16xf32> to vector<1x1024x16xf32>
    tpu.vector_store %arg5[%swap3A, %swap3A_36, %swap3A_37], %swap3A_40 {strides = array<i32>} : memref<2x1024x16xf32, #tpu.memory_space<vmem>>, vector<1x1024x16xf32>,
    %slice3A_41 = vector.extract_strided_slice %mul3A_35 {offsets = [0, 16], sizes = [1024, 16], strides = [1, 1]} : vector<1024x32xf32> to vector<1024x16xf32>
    %swap3A_42 = arith.constant 1 : index
    %swap3A_43 = arith.constant 0 : index
    %swap3A_44 = arith.constant 0 : index
    %swap3A_45 = vector.load %arg5[%swap3A_42, %swap3A_43, %swap3A_44] : memref<2x1024x16xf32, #tpu.memory_space<vmem>>, vector<1x1024x16xf32>
    %swap3A_46 = vector.shape_cast %swap3A_45 : vector<1x1024x16xf32> to vector<1024x16xf32>
    %swap3A_47 = vector.shape_cast %slice3A_41 : vector<1024x16xf32> to vector<1x1024x16xf32>
    tpu.vector_store %arg5[%swap3A_42, %swap3A_43, %swap3A_44], %swap3A_47 {strides = array<i32>} : memref<2x1024x16xf32, #tpu.memory_space<vmem>>, vector<1x1024x16xf32>,
    return
  }
  func.func @transform_0(%arg0: i32) -> (i32, i32, i32) {
    %c0_i32 = arith.constant 0 : i32
    %c0_i32_0 = arith.constant 0 : i32
    %c0_i32_1 = arith.constant 0 : i32
    return %c0_i32, %arg0, %c0_i32_0 : i32, i32, i32
  }
  func.func @transform_1(%arg0: i32) -> (i32, i32, i32) {
    %c0_i32 = arith.constant 0 : i32
    %c0_i32_0 = arith.constant 0 : i32
    %c0_i32_1 = arith.constant 0 : i32
    return %c0_i32, %arg0, %c0_i32_0 : i32, i32, i32
  }
  func.func @transform_2(%arg0: i32) -> (i32, i32) {
    %c0_i32 = arith.constant 0 : i32
    %c0_i32_0 = arith.constant 0 : i32
    %c0_i32_1 = arith.constant 0 : i32
    return %c0_i32, %c0_i32_0 : i32, i32
  }
  func.func @transform_3(%arg0: i32) -> (i32, i32) {
    %c0_i32 = arith.constant 0 : i32
    %c0_i32_0 = arith.constant 0 : i32
    %c0_i32_1 = arith.constant 0 : i32
    return %c0_i32, %c0_i32_0 : i32, i32
  }
  func.func @transform_4(%arg0: i32) -> (i32, i32, i32) {
    %c0_i32 = arith.constant 0 : i32
    %c0_i32_0 = arith.constant 0 : i32
    %c0_i32_1 = arith.constant 0 : i32
    return %c0_i32, %arg0, %c0_i32_0 : i32, i32, i32
  }
}

module attributes {stable_mosaic.version = 14 : i64} {
  func.func @_tcpre3_body(%arg0: i32, %arg1: memref<2x1024x1xf32, #tpu.memory_space<vmem>>, %arg2: memref<2x1024x16xf32, #tpu.memory_space<vmem>>, %arg3: memref<1x32xf32, #tpu.memory_space<vmem>>, %arg4: memref<32x8xf32, #tpu.memory_space<vmem>>, %arg5: memref<1024x8xf32, #tpu.memory_space<vmem>>) attributes {dimension_semantics = [#tpu.dimension_semantics<arbitrary>], iteration_bounds = array<i64: 98>, scalar_prefetch = 0 : i64, scratch_operands = 0 : i64, tpu.core_type = #tpu.core_type<tc>, window_params = [{transform_indices = @transform_0, window_bounds = array<i64: 2, 1024, 1>}, {transform_indices = @transform_1, window_bounds = array<i64: 2, 1024, 16>}, {pipeline_mode = #tpu.pipeline_mode<synchronous>, transform_indices = @transform_2, window_bounds = array<i64: 1, 32>}, {pipeline_mode = #tpu.pipeline_mode<synchronous>, transform_indices = @transform_3, window_bounds = array<i64: 32, 8>}, {transform_indices = @transform_4, window_bounds = array<i64: 1024, 8>}]} {
    %get3A = arith.constant 0 : index
    %get3A_0 = arith.constant 0 : index
    %get3A_1 = arith.constant 0 : index
    %get3A_2 = vector.load %arg1[%get3A, %get3A_0, %get3A_1] : memref<2x1024x1xf32, #tpu.memory_space<vmem>>, vector<1x1024x1xf32>
    %get3A_3 = vector.shape_cast %get3A_2 : vector<1x1024x1xf32> to vector<1024x1xf32>
    %get3A_4 = arith.constant 1 : index
    %get3A_5 = arith.constant 0 : index
    %get3A_6 = arith.constant 0 : index
    %get3A_7 = vector.load %arg1[%get3A_4, %get3A_5, %get3A_6] : memref<2x1024x1xf32, #tpu.memory_space<vmem>>, vector<1x1024x1xf32>
    %get3A_8 = vector.shape_cast %get3A_7 : vector<1x1024x1xf32> to vector<1024x1xf32>
    %add3A = arith.addf %get3A_3, %get3A_8 : vector<1024x1xf32>
    %add3A_9 = arith.constant 1.000000e+00 : f32
    %add3A_10 = vector.broadcast %add3A_9 : f32 to vector<1024x1xf32>
    %add3A_11 = arith.addf %add3A, %add3A_10 : vector<1024x1xf32>
    %rsqrt3A = math.rsqrt %add3A_11 : vector<1024x1xf32>
    %get3A_12 = arith.constant 0 : index
    %get3A_13 = arith.constant 0 : index
    %get3A_14 = arith.constant 0 : index
    %get3A_15 = vector.load %arg2[%get3A_12, %get3A_13, %get3A_14] : memref<2x1024x16xf32, #tpu.memory_space<vmem>>, vector<1x1024x16xf32>
    %get3A_16 = vector.shape_cast %get3A_15 : vector<1x1024x16xf32> to vector<1024x16xf32>
    %get3A_17 = arith.constant 1 : index
    %get3A_18 = arith.constant 0 : index
    %get3A_19 = arith.constant 0 : index
    %get3A_20 = vector.load %arg2[%get3A_17, %get3A_18, %get3A_19] : memref<2x1024x16xf32, #tpu.memory_space<vmem>>, vector<1x1024x16xf32>
    %get3A_21 = vector.shape_cast %get3A_20 : vector<1x1024x16xf32> to vector<1024x16xf32>
    %concatenate3A = tpu.concatenate %get3A_16, %get3A_21 in 1 : vector<1024x16xf32>, vector<1024x16xf32> -> vector<1024x32xf32>
    %mul3A = vector.broadcast %rsqrt3A : vector<1024x1xf32> to vector<1024x32xf32>
    %mul3A_22 = arith.mulf %mul3A, %concatenate3A : vector<1024x32xf32>
    %get3A_23 = arith.constant 0 : index
    %get3A_24 = arith.constant 0 : index
    %get3A_25 = vector.load %arg3[%get3A_23, %get3A_24] : memref<1x32xf32, #tpu.memory_space<vmem>>, vector<1x32xf32>
    %add3A_26 = vector.broadcast %get3A_25 : vector<1x32xf32> to vector<1024x32xf32>
    %add3A_27 = arith.addf %mul3A_22, %add3A_26 : vector<1024x32xf32>
    %max3A = arith.constant 0.000000e+00 : f32
    %max3A_28 = vector.broadcast %max3A : f32 to vector<1024x32xf32>
    %max3A_29 = arith.maximumf %add3A_27, %max3A_28 : vector<1024x32xf32>
    %get3A_30 = arith.constant 0 : index
    %get3A_31 = arith.constant 0 : index
    %get3A_32 = vector.load %arg4[%get3A_30, %get3A_31] : memref<32x8xf32, #tpu.memory_space<vmem>>, vector<32x8xf32>
    %dot_general3A = arith.constant dense<0.000000e+00> : vector<1024x8xf32>
    %dot_general3A_33 = tpu.matmul %max3A_29, %get3A_32, %dot_general3A {dimension_numbers = #tpu.dot_dimension_numbers<[1], [0], [0], [1], [0, 0, 1, 1], [], []>, transpose_lhs_hint = false} : vector<1024x32xf32>, vector<32x8xf32>, vector<1024x8xf32> -> vector<1024x8xf32>
    %mul3A_34 = vector.broadcast %rsqrt3A : vector<1024x1xf32> to vector<1024x8xf32>
    %mul3A_35 = arith.mulf %mul3A_34, %dot_general3A_33 : vector<1024x8xf32>
    %swap3A = arith.constant 0 : index
    %swap3A_36 = arith.constant 0 : index
    %swap3A_37 = vector.load %arg5[%swap3A, %swap3A_36] : memref<1024x8xf32, #tpu.memory_space<vmem>>, vector<1024x8xf32>
    tpu.vector_store %arg5[%swap3A, %swap3A_36], %mul3A_35 {strides = array<i32>} : memref<1024x8xf32, #tpu.memory_space<vmem>>, vector<1024x8xf32>,
    return
  }
  func.func @transform_0(%arg0: i32) -> (i32, i32, i32) {
    %c0_i32 = arith.constant 0 : i32
    %c0_i32_0 = arith.constant 0 : i32
    %c0_i32_1 = arith.constant 0 : i32
    return %c0_i32, %arg0, %c0_i32_0 : i32, i32, i32
  }
  func.func @transform_1(%arg0: i32) -> (i32, i32, i32) {
    %c0_i32 = arith.constant 0 : i32
    %c0_i32_0 = arith.constant 0 : i32
    %c0_i32_1 = arith.constant 0 : i32
    return %c0_i32, %arg0, %c0_i32_0 : i32, i32, i32
  }
  func.func @transform_2(%arg0: i32) -> (i32, i32) {
    %c0_i32 = arith.constant 0 : i32
    %c0_i32_0 = arith.constant 0 : i32
    %c0_i32_1 = arith.constant 0 : i32
    return %c0_i32, %c0_i32_0 : i32, i32
  }
  func.func @transform_3(%arg0: i32) -> (i32, i32) {
    %c0_i32 = arith.constant 0 : i32
    %c0_i32_0 = arith.constant 0 : i32
    %c0_i32_1 = arith.constant 0 : i32
    return %c0_i32, %c0_i32_0 : i32, i32
  }
  func.func @transform_4(%arg0: i32) -> (i32, i32) {
    %c0_i32 = arith.constant 0 : i32
    %c0_i32_0 = arith.constant 0 : i32
    return %arg0, %c0_i32 : i32, i32
  }
}

module attributes {stable_mosaic.version = 14 : i64} {
  func.func @_tcfin_body(%arg0: i32, %arg1: memref<2x1024x1xf32, #tpu.memory_space<vmem>>, %arg2: memref<2x1024x8xf32, #tpu.memory_space<vmem>>, %arg3: memref<1x8xf32, #tpu.memory_space<vmem>>, %arg4: memref<1024x8xf32, #tpu.memory_space<vmem>>) attributes {dimension_semantics = [#tpu.dimension_semantics<arbitrary>], iteration_bounds = array<i64: 98>, scalar_prefetch = 0 : i64, scratch_operands = 0 : i64, tpu.core_type = #tpu.core_type<tc>, window_params = [{transform_indices = @transform_0, window_bounds = array<i64: 2, 1024, 1>}, {transform_indices = @transform_1, window_bounds = array<i64: 2, 1024, 8>}, {pipeline_mode = #tpu.pipeline_mode<synchronous>, transform_indices = @transform_2, window_bounds = array<i64: 1, 8>}, {transform_indices = @transform_3, window_bounds = array<i64: 1024, 8>}]} {
    %get3A = arith.constant 0 : index
    %get3A_0 = arith.constant 0 : index
    %get3A_1 = arith.constant 0 : index
    %get3A_2 = vector.load %arg1[%get3A, %get3A_0, %get3A_1] : memref<2x1024x1xf32, #tpu.memory_space<vmem>>, vector<1x1024x1xf32>
    %get3A_3 = vector.shape_cast %get3A_2 : vector<1x1024x1xf32> to vector<1024x1xf32>
    %get3A_4 = arith.constant 1 : index
    %get3A_5 = arith.constant 0 : index
    %get3A_6 = arith.constant 0 : index
    %get3A_7 = vector.load %arg1[%get3A_4, %get3A_5, %get3A_6] : memref<2x1024x1xf32, #tpu.memory_space<vmem>>, vector<1x1024x1xf32>
    %get3A_8 = vector.shape_cast %get3A_7 : vector<1x1024x1xf32> to vector<1024x1xf32>
    %add3A = arith.addf %get3A_3, %get3A_8 : vector<1024x1xf32>
    %add3A_9 = arith.constant 1.000000e+00 : f32
    %add3A_10 = vector.broadcast %add3A_9 : f32 to vector<1024x1xf32>
    %add3A_11 = arith.addf %add3A, %add3A_10 : vector<1024x1xf32>
    %rsqrt3A = math.rsqrt %add3A_11 : vector<1024x1xf32>
    %get3A_12 = arith.constant 0 : index
    %get3A_13 = arith.constant 0 : index
    %get3A_14 = arith.constant 0 : index
    %get3A_15 = vector.load %arg2[%get3A_12, %get3A_13, %get3A_14] : memref<2x1024x8xf32, #tpu.memory_space<vmem>>, vector<1x1024x8xf32>
    %get3A_16 = vector.shape_cast %get3A_15 : vector<1x1024x8xf32> to vector<1024x8xf32>
    %get3A_17 = arith.constant 1 : index
    %get3A_18 = arith.constant 0 : index
    %get3A_19 = arith.constant 0 : index
    %get3A_20 = vector.load %arg2[%get3A_17, %get3A_18, %get3A_19] : memref<2x1024x8xf32, #tpu.memory_space<vmem>>, vector<1x1024x8xf32>
    %get3A_21 = vector.shape_cast %get3A_20 : vector<1x1024x8xf32> to vector<1024x8xf32>
    %add3A_22 = arith.addf %get3A_16, %get3A_21 : vector<1024x8xf32>
    %mul3A = vector.broadcast %rsqrt3A : vector<1024x1xf32> to vector<1024x8xf32>
    %mul3A_23 = arith.mulf %mul3A, %add3A_22 : vector<1024x8xf32>
    %get3A_24 = arith.constant 0 : index
    %get3A_25 = arith.constant 0 : index
    %get3A_26 = vector.load %arg3[%get3A_24, %get3A_25] : memref<1x8xf32, #tpu.memory_space<vmem>>, vector<1x8xf32>
    %add3A_27 = vector.broadcast %get3A_26 : vector<1x8xf32> to vector<1024x8xf32>
    %add3A_28 = arith.addf %mul3A_23, %add3A_27 : vector<1024x8xf32>
    %swap3A = arith.constant 0 : index
    %swap3A_29 = arith.constant 0 : index
    %swap3A_30 = vector.load %arg4[%swap3A, %swap3A_29] : memref<1024x8xf32, #tpu.memory_space<vmem>>, vector<1024x8xf32>
    tpu.vector_store %arg4[%swap3A, %swap3A_29], %add3A_28 {strides = array<i32>} : memref<1024x8xf32, #tpu.memory_space<vmem>>, vector<1024x8xf32>,
    return
  }
  func.func @transform_0(%arg0: i32) -> (i32, i32, i32) {
    %c0_i32 = arith.constant 0 : i32
    %c0_i32_0 = arith.constant 0 : i32
    %c0_i32_1 = arith.constant 0 : i32
    return %c0_i32, %arg0, %c0_i32_0 : i32, i32, i32
  }
  func.func @transform_1(%arg0: i32) -> (i32, i32, i32) {
    %c0_i32 = arith.constant 0 : i32
    %c0_i32_0 = arith.constant 0 : i32
    %c0_i32_1 = arith.constant 0 : i32
    return %c0_i32, %arg0, %c0_i32_0 : i32, i32, i32
  }
  func.func @transform_2(%arg0: i32) -> (i32, i32) {
    %c0_i32 = arith.constant 0 : i32
    %c0_i32_0 = arith.constant 0 : i32
    %c0_i32_1 = arith.constant 0 : i32
    return %c0_i32, %c0_i32_0 : i32, i32
  }
  func.func @transform_3(%arg0: i32) -> (i32, i32) {
    %c0_i32 = arith.constant 0 : i32
    %c0_i32_0 = arith.constant 0 : i32
    return %arg0, %c0_i32 : i32, i32
  }
}

</mosaic_0001>

<sc_bundles>
// kernel: kernel.10.cloned.1.call-start
scs
__scs_entry_jumppad:
0x0: {  	(pc) =	sbr.rel $0x88, $3  }
0x1: {  	(tag) =	ssettag $0x0;
	lr =	simm.s32 $0x1  }
0x2: {  	[smem:$0x3F99] =	sst lr;
	_ =	strace $0xD0000000  }
0x3: {  	_ = 	snop  }
0x4: {  	_ = 	snop  }
0x5: {  	_ = 	snop  }
0x6: {  	_ = 	snop  }
0x7: {  	_ = 	snop  }
__scs_overlays_trampoline_lowered:
0x8: {  	[smem:$0x3FA8] =	sst s0  }
0x9: {  	[smem:$0x3FA9] =	sst s1  }
0xa: {  	[smem:$0x3FAA] =	sst s2  }
0xb: {  	[smem:$0x3FAB] =	sst s3  }
0xc: {  	[smem:$0x3FAC] =	sst s4  }
0xd: {  	[smem:$0x3FAD] =	sst s5  }
0xe: {  	[smem:$0x3FAE] =	sst s6  }
0xf: {  	[smem:$0x3FAF] =	sst s7  }
0x10: {  	[smem:$0x3FB0] =	sst s8  }
0x11: {  	[smem:$0x3FB1] =	sst s9;
	s0 =	simm.s32 @!p0 $0x0  }
0x12: {  	s1 =	sld [smem:$0x3F97];
	s0 =	simm.s32 @p0 $0x1  }
0x13: {  	[smem:$0x3FB2] =	sst s0;
	s0 =	simm.s32 @!p1 $0x0  }
0x14: {  	s2 =	sld [smem:$0x3F96];
	s0 =	simm.s32 @p1 $0x1  }
0x15: {  	[smem:$0x3FB3] =	sst s0;
	s0 =	simm.s32 @!p2 $0x0  }
0x16: {  	s3 =	sld [smem:$0x3FDB];
	s0 =	simm.s32 @p2 $0x1  }
0x17: {  	s4 =	simm.s32 $0x1BF5;
	[smem:$0x3FB5] =	sst s0  }
0x18: {  	s0 =	sld [smem:$0x3F98];
	_ =	swait.ge [sflag:s4], $0x0  }
0x19: {  	s7 =	sld [smem:$0x3F99]  }
0x1a: {  	s8 =	sadd.s32 $0xFFFFE003, lr  }
0x1b: {  	s9 =	sadd.s32 $0xFFFFFEF7, lr;
	s5 =	simm.s32 $0xFFFFFFFF;
	p2 =	slt.u32 s8, $0xFFFFF086  }
0x1c: {  	p1 =	slt.u32 s9, $0xF7A;
	s5 =	simm.s32 @!p2 $0x0  }
0x1d: {  	s5 =	simm.s32 @p1 $0x1;
	p0 =	seq.s32 s7, s2  }
0x1e: {  	s7 =	smul.u32 @!p0 $0xF7A, s2;
	p2 =	seq.s32 @!p0 s5, $0x0  }
0x1f: {  	s9 =	smul.u32 $0xF7A, s1;
	s8 =	simm.s32 @!p0 $0x1BF5;
	p2 =	por !p2, p0  }
0x20: {  	[sflag:s8] =	ssyncset.s32 @!p0 $0xFFFFF086;
	s6 =	sadd.s32 @!p0 s3, s7;
	s7 =	simm.s32 @!p0 $0x108  }
0x21: {  	s3 =	sadd.s32 s3, s9;
	s6 =	sadd.s32 @!p0 $0x88, s6;
	s7 =	simm.s32 @p2 $0x1082  }
0x22: {  	[simem:s7], [sflag:s8] =	dma.local @!p0 [hbm:s6], $0xF7A  }
0x23: {  	s9 =	sor.u32 $0xD0000000, s2;
	s6 =	simm.s32 $0x108;
	_ =	swait.ge @!p0 [sflag:s8], $0x0  }
0x24: {  	s3 =	sadd.s32 $0x88, s3;
	s6 =	simm.s32 @!p1 $0x1082;
	[sflag:s4] =	ssyncset.s32 $0xFFFFF086  }
0x25: {  	[simem:s6], [sflag:s4] =	dma.local [hbm:s3], $0xF7A  }
0x26: {  	[smem:$0x3F99] =	sst s1;
	(tag) =	ssettag s2;
	_ =	strace s9  }
0x27: {  	s1 =	sld [smem:$0x3FA9]  }
0x28: {  	s2 =	sld [smem:$0x3FAA]  }
0x29: {  	s4 =	sld [smem:$0x3FAC]  }
0x2a: {  	p0 =	seq.s32 s5, $0x0;
	s5 =	sld [smem:$0x3FAD]  }
0x2b: {  	s6 =	sld [smem:$0x3FAE]  }
0x2c: {  	s7 =	sld [smem:$0x3FAF]  }
0x2d: {  	s3 =	simm.s32 $0x108;
	s8 =	sld [smem:$0x3FB0]  }
0x2e: {  	s3 =	simm.s32 @!p0 $0x1082;
	s9 =	sld [smem:$0x3FB1]  }
0x2f: {  	lr =	sadd.s32 s0, s3;
	s0 =	sld [smem:$0x3FA8]  }
0x30: {  	s3 =	sld [smem:$0x3FAB]  }
0x31: {  	[smem:$0x3FB4] =	sst s10  }
0x32: {  	s10 =	sld [smem:$0x3FB2];
	_ =	sdelay $0x3  }
0x33: {  	p0 =	seq.s32 s10, $0x1;
	s10 =	sld [smem:$0x3FB4];
	_ =	sdelay $0x3  }
0x34: {  	[smem:$0x3FB4] =	sst s10  }
0x35: {  	s10 =	sld [smem:$0x3FB3];
	_ =	sdelay $0x3  }
0x36: {  	p1 =	seq.s32 s10, $0x1;
	s10 =	sld [smem:$0x3FB4];
	_ =	sdelay $0x3  }
0x37: {  	[smem:$0x3FB4] =	sst s10  }
0x38: {  	s10 =	sld [smem:$0x3FB5]  }
0x39: {  	_ = 	snop;
	(pc) =	sbr.ind lr, $3  }
0x3a: {  	_ = 	snop  }
0x3b: {  	_ = 	snop  }
0x3c: {  	p2 =	seq.s32 s10, $0x1;
	s10 =	sld [smem:$0x3FB4]  }
0x3d: {  	_ =	shalt  }
0x3e: {  	_ =	shalt  }
0x3f: {  	_ =	shalt  }
0x40: {  	_ =	shalt  }
0x41: {  	_ =	shalt  }
0x42: {  	_ =	shalt  }
0x43: {  	_ =	shalt  }
0x44: {  	_ =	shalt  }
0x45: {  	_ =	shalt  }
0x46: {  	_ =	shalt  }
0x47: {  	_ =	shalt  }
0x48: {  	_ =	shalt  }
0x49: {  	_ =	shalt  }
0x4a: {  	_ =	shalt  }
0x4b: {  	_ =	shalt  }
0x4c: {  	_ =	shalt  }
0x4d: {  	_ =	shalt  }
0x4e: {  	_ =	shalt  }
0x4f: {  	_ =	shalt  }
0x50: {  	_ =	shalt  }
0x51: {  	_ =	shalt  }
0x52: {  	_ =	shalt  }
0x53: {  	_ =	shalt  }
0x54: {  	_ =	shalt  }
0x55: {  	_ =	shalt  }
0x56: {  	_ =	shalt  }
0x57: {  	_ =	shalt  }
0x58: {  	_ =	shalt  }
0x59: {  	_ =	shalt  }
0x5a: {  	_ =	shalt  }
0x5b: {  	_ =	shalt  }
0x5c: {  	_ =	shalt  }
0x5d: {  	_ =	shalt  }
0x5e: {  	_ =	shalt  }
0x5f: {  	_ =	shalt  }
0x60: {  	_ =	shalt  }
0x61: {  	_ =	shalt  }
0x62: {  	_ =	shalt  }
0x63: {  	_ =	shalt  }
0x64: {  	_ =	shalt  }
0x65: {  	_ =	shalt  }
0x66: {  	_ =	shalt  }
0x67: {  	_ =	shalt  }
0x68: {  	_ =	shalt  }
0x69: {  	_ =	shalt  }
0x6a: {  	_ =	shalt  }
0x6b: {  	_ =	shalt  }
0x6c: {  	_ =	shalt  }
0x6d: {  	_ =	shalt  }
0x6e: {  	_ =	shalt  }
0x6f: {  	_ =	shalt  }
0x70: {  	_ =	shalt  }
0x71: {  	_ =	shalt  }
0x72: {  	_ =	shalt  }
0x73: {  	_ =	shalt  }
0x74: {  	_ =	shalt  }
0x75: {  	_ =	shalt  }
0x76: {  	_ =	shalt  }
0x77: {  	_ =	shalt  }
0x78: {  	_ =	shalt  }
0x79: {  	_ =	shalt  }
0x7a: {  	_ =	shalt  }
0x7b: {  	_ =	shalt  }
0x7c: {  	_ =	shalt  }
0x7d: {  	_ =	shalt  }
0x7e: {  	_ =	shalt  }
0x7f: {  	_ =	shalt  }
0x80: {  	_ =	shalt  }
0x81: {  	_ =	shalt  }
0x82: {  	_ =	shalt  }
0x83: {  	_ =	shalt  }
0x84: {  	_ =	shalt  }
0x85: {  	_ =	shalt  }
0x86: {  	_ =	shalt  }
0x87: {  	_ =	shalt  }
.Lfunc_end0:
.L_simem_size_0:
called_computation_lowered:
.L_overlay_start_0:
0x88: {  	s2 =	sld [smem:$0x3FD9]  }
0x89: {  	s3 =	sld [smem:$0x3FFE];
	_ =	sdelay $0x1  }
0x8a: {  	s1 =	srdreg.scid  }
0x8b: {  	s0 =	sand.u32 $0x1, s1  }
0x8c: {  	s17 =	sshll.u32 s0, $0xA;
	s2 =	sadd.s32 s3, s2  }
0x8d: {  	s2 =	sadd.s32 s2, s17  }
0x8e: {  	[smem:$0x3FC0] =	sst s2  }
0x8f: {  	_ = 	snop  }
0x90: {  	s2 =	sld [smem:$0x3FD0];
	(tm) =	ssettm $0x1  }
0x91: {  	s18 =	sld [smem:$0x3FFB];
	_ =	sdelay $0x3  }
0x92: {  	_ =	strace s18  }
0x93: {  	s3 =	sld [smem:$0x3FFC];
	_ =	sdelay $0x3  }
0x94: {  	_ =	strace s3  }
0x95: {  	s3 =	sld [smem:$0x3FFD];
	_ =	sdelay $0x3  }
0x96: {  	_ =	strace s3  }
0x97: {  	_ =	strace $0x8FFFFFFF  }
0x98: {  	s19 =	sld [smem:$0x3FDB];
	_ =	sdelay $0x1  }
0x99: {  	s4 =	simm.s32 $_scs_section_size  }
0x9a: {  	s5 =	simm.s32 $_size__tile_overlayer_lowered;
	s6 =	simm.s32 $_tile_overlayer_lowered  }
0x9b: {  	s22 =	simm.s32 $0x1BFF;
	s21 =	sshll.u32 s6, $0x1;
	s3 =	sadd.s32 s4, s19  }
0x9c: {  	s7 =	simm.s32 $0x0;
	s20 =	sshll.u32 s5, $0x1;
	s5 =	sadd.s32 s21, s3  }
0x9d: {  	[timem:s7], [sflag:s22] =	dma.local [hbm:s5], s20  }
0x9e: {  	_ =	swait.ge [sflag:s22], s20  }
0x9f: {  	s4 =	ssub.s32 $0x0, s20;
	[sflag:s22] =	ssyncset.done $0x0  }
0xa0: {  	[sflag:s22] =	ssyncadd.s32 s4;
	_ =	sdelay $0x1  }
0xa1: {  	s23 =	simm.s32 $0x1B8B  }
0xa2: {  	_ =	swait.ge [sflag:s23], $0x1  }
0xa3: {  	[sflag:s23] =	ssyncset.done $0x0  }
0xa4: {  	s25 =	simm.s32 $0x1B8E;
	s24 =	sld [smem:$0x3FFE];
	[sflag:s23] =	ssyncadd.s32 $0xFFFFFFFF  }
0xa5: {  	s26 =	simm.s32 $execute0_lowered;
	[smem:$0x3FD2] =	sst s25  }
0xa6: {  	s5 =	sshll.u32 s26, $0x1;
	_ =	strace $0x80000046;
	[dreg:$0x1] =	wrdreg $0xFFFFFFFF  }
0xa7: {  	s28 =	simm.s32 $_size_execute0_lowered;
	s3 =	sadd.s32 s3, s5;
	[dreg:$0x0] =	wrdreg $0x0  }
0xa8: {  	s5 =	sshll.u32 s28, $0x1;
	[dreg:$0x2] =	wrdreg s3  }
0xa9: {  	[dreg:$0x3] =	wrdreg s5  }
0xaa: {  	[dreg:$0x4] =	wrdreg $0xC0  }
0xab: {  	_ =	task [dreg:s7], $0x5FFFF  }
0xac: {  	[dreg:$0x1] =	wrdreg $0xFFFFFFFF  }
0xad: {  	[dreg:$0x0] =	wrdreg $0x60  }
0xae: {  	[dreg:$0x2] =	wrdreg s24  }
0xaf: {  	[dreg:$0x3] =	wrdreg s2  }
0xb0: {  	[dreg:$0x4] =	wrdreg $0x0  }
0xb1: {  	[dreg:$0x5] =	wrdreg $0x9  }
0xb2: {  	_ =	task.clear_ibuf [dreg:s7], $0x6FFFF;
	_ =	strace $0x90000046  }
0xb3: {  	s29 =	simm.s32 $0x9;
	_ =	strace $0x80000048  }
0xb4: {  	_ =	swait.ge [sflag:s29], $0x1  }
0xb5: {  	[sflag:s29] =	ssyncadd.s32 $0xFFFFFFFF  }
0xb6: {  	_ =	strace $0x90000048  }
0xb7: {  	_ =	sfence  }
0xb8: {  	s30 =	sld [smem:$0x0];
	_ =	sdelay $0x2  }
0xb9: {  	s31 =	sshll.u32 s1, $0xD;
	s1 =	sshrl.u32 s1, $0x2  }
0xba: {  	s3 =	sand.u32 $0x4000, s31;
	s1 =	sadd.s32 s1, s30  }
0xbb: {  	s0 =	sor.u32 s3, s0;
	s1 =	sshll.u32 s1, $0x11  }
0xbc: {  	s0 =	sor.u32 s1, s0  }
0xbd: {  	s0 =	sadd.s32 $0x8F2B, s0  }
0xbe: {  	[sflag:s0] =	ssyncadd.remote.s32 $0x1  }
0xbf: {  	_ =	sfence.sel $0xFFFF  }
0xc0: {  	[dreg:$0x0] =	wrdreg $0xFFFFFFFF;
	(pc) =	sbr.abs _section_cstart, $3  }
0xc1: {  	[dreg:$0x1] =	wrdreg $0xFFFFFFFF  }
0xc2: {  	_ =	task.clear_ibuf [dreg:s7], $0x2FFFF;
	_ =	strace $0x9FFFFFFF  }
0xc3: {  	(tm) =	ssettm $0x7FFFFFFF  }
tec
execute0_lowered:
.L_overlay_start_1:
0x0: {  	(tag) =	ssettag $0x1  }
0x1: {  	s4 =	rddreg [dreg:$0x0]  }
0x2: {  	s5 =	rddreg [dreg:$0x1]  }
0x3: {  	s0 =	srdreg.scid;
	s2 =	rddreg [dreg:$0x2]  }
0x4: {  	s1 =	rddreg [dreg:$0x3];
	s6 =	sand.u32 $0x1, s0  }
0x5: {  	s0 =	stileid.u32;
	s7 =	smul.u32 $0xC3500, s6  }
0x6: {  	s3 =	simm.s32 $0x0;
	s10 =	simm.s32 $0x3150;
	s8 =	smul.u32 $0xC350, s0  }
0x7: {  	s11 =	simm.s32 $0x50;
	s12 =	simm.s32 $0x3100;
	s9 =	smul.u32 $0x1880, s0  }
0x8: {  	[smem:$0x7FF] =	sst s3;
	s30 =	smul.u32 $0x18800, s6;
	s6 =	ssub.s32 $0x2, s6  }
0x9: {  	s13 =	simm.s32 $0x0;
	_ =	strace $0x80000047;
	s31 =	sshrl.u32 s6, $0x1  }
0xa: {  	s7 =	sadd.s32 s8, s7;
	s8 =	sadd.s32 s9, s30;
	s6 =	ssub.s32 s6, s31  }
0xb: {  	s7 =	sshrl.u32 s7, $0x3;
	s8 =	sshrl.u32 s8, $0x3;
	s6 =	smax.u32 s6, $0x1  }
0xc: {  	s7 =	sadd.s32 s7, s4;
	s4 =	sadd.s32 s9, s2;
	s5 =	sadd.s32 s5, s8  }
0xd: {  	v0 =	vimm.f32 $0.0e+00;
	v1 =	vimm.f32 $1.000000000e+00;
	s8 =	simm.s32 $0x1880;
	s9 =	simm.s32 $0x1;
	s7 =	sadd.s32 $0x32400, s7  }
.LBB2_1:
0xe: {  	s14 =	simm.s32 $0x40;
	s15 =	simm.s32 $0x0  }
.LBB2_2:
0xf: {  	p0 =	sne.s32 s14, $0x61C0;
	[tilespmem:s15+$0x1880] =	vst v0;
	s15 =	smov.u32 s14;
	s14 =	sadd.s32 $0x40, s14  }
.Ltmp0:
0x10: {  	(pc) =	sbr.rel @p0 .LBB2_2-.Ltmp0, $2  }
0x11: {  	_ =	sdelay $0x2  }
0x12: {  	s15 =	sshra.s32 s15, $0x2  }
0x13: {  	[tilespmem:s15+$0x1880] =	vst v0  }
0x14: {  	[tilespmem:$0x3100] =	vst v1  }
0x15: {  	[tilespmem:$0x3110] =	vst v1  }
0x16: {  	[tilespmem:$0x3120] =	vst v1  }
0x17: {  	[tilespmem:$0x3130] =	vst v1  }
0x18: {  	[tilespmem:$0x3140] =	vst v1  }
0x19: {  	[spmem:s4] =	stream.linear.scatter [tilespmem:s8], [sflag:$0x1], $0x1880, $0x38;
	[tilespmem:$0x31A0] =	vst v63  }
0x1a: {  	_ =	swait.ge [sflag:s9], $0x1880  }
0x1b: {  	[sflag:s9] =	ssyncset.done $0x0  }
0x1c: {  	[sflag:s9] =	ssyncadd.s32 $0xFFFFE780  }
0x1d: {  	s14 =	sadd.s32 $0x0, s7;
	[bflag:$0x0] =	sbarrier.arrive $0xFFFF  }
0x1e: {  	[tilespmem:s10], [sflag:$0x1] =	stream.linear.gather [hbm4b:s14+s3], $0x50, $0x38;
	[tilespmem:$0x31A0] =	vst v63  }
0x1f: {  	_ =	swait.ge [sflag:s9], $0x50  }
0x20: {  	[sflag:s9] =	ssyncset.done $0x0  }
0x21: {  	[sflag:s9] =	ssyncadd.s32 $0xFFFFFFB0  }
0x22: {  	[spmem:s2] =	stream.indirect.scatter.add.f32 [tilespmem:s12], [sflag:$0x1], $0x1, s10, s11, $0xb8;
	[tilespmem:$0x31A0] =	vst v63  }
0x23: {  	_ =	swait.ge [sflag:s9], $0x50  }
0x24: {  	s15 =	simm.s32 $0x14;
	s14 =	simm.s32 $0xA;
	[sflag:s9] =	ssyncset.done $0x0  }
.LBB2_4:
0x25: {  	s16 =	sadd.s32 s14, s7  }
0x26: {  	[sflag:s9] =	ssyncadd.s32 $0xFFFFFFB0;
	s14 =	smov.u32 s15;
	s17 =	sadd.s32 $0xA, s15  }
0x27: {  	[tilespmem:s10], [sflag:$0x1] =	stream.linear.gather [hbm4b:s16+s3], $0x50, $0x38;
	[tilespmem:$0x31A0] =	vst v63  }
0x28: {  	p0 =	sne.s32 s15, $0x1860;
	_ =	swait.ge [sflag:s9], $0x50  }
.Ltmp1:
0x29: {  	[sflag:s9] =	ssyncset.done $0x0;
	(pc) =	sbr.rel @p0 .LBB2_4-.Ltmp1, $4  }
0x2a: {  	[sflag:s9] =	ssyncadd.s32 $0xFFFFFFB0  }
0x2b: {  	[spmem:s2] =	stream.indirect.scatter.add.f32 [tilespmem:s12], [sflag:$0x1], $0x1, s10, s11, $0xb8;
	[tilespmem:$0x31A0] =	vst v63  }
0x2c: {  	_ =	swait.ge [sflag:s9], $0x50  }
0x2d: {  	s15 =	smov.u32 s17;
	[sflag:s9] =	ssyncset.done $0x0  }
0x2e: {  	s14 =	sadd.s32 s14, s7;
	[sflag:s9] =	ssyncadd.s32 $0xFFFFFFB0  }
0x2f: {  	[tilespmem:s10], [sflag:$0x1] =	stream.linear.gather [hbm4b:s14+s3], $0x50, $0x38;
	[tilespmem:$0x31A0] =	vst v63  }
0x30: {  	_ =	swait.ge [sflag:s9], $0x50  }
0x31: {  	[sflag:s9] =	ssyncset.done $0x0  }
0x32: {  	[sflag:s9] =	ssyncadd.s32 $0xFFFFFFB0  }
0x33: {  	[spmem:s2] =	stream.indirect.scatter.add.f32 [tilespmem:s12], [sflag:$0x1], $0x1, s10, s11, $0xb8;
	[tilespmem:$0x31A0] =	vst v63  }
0x34: {  	_ =	swait.ge [sflag:s9], $0x50  }
0x35: {  	[sflag:s9] =	ssyncset.done $0x0  }
0x36: {  	[sflag:s9] =	ssyncadd.s32 $0xFFFFFFB0  }
0x37: {  	[bflag:$0x0] =	sbarrier.arrive $0xFFFF  }
0x38: {  	[tilespmem:s8], [sflag:$0x1] =	stream.linear.gather [spmem:s4], $0x1880, $0x38;
	[tilespmem:$0x31A0] =	vst v63  }
0x39: {  	s13 =	sadd.s32 $0x1, s13;
	_ =	swait.ge [sflag:s9], $0x1880  }
0x3a: {  	p0 =	sne.s32 s13, s6;
	[sflag:s9] =	ssyncset.done $0x0  }
.Ltmp2:
0x3b: {  	[sflag:s9] =	ssyncadd.s32 $0xFFFFE780;
	(pc) =	sbr.rel @p0 .LBB2_1-.Ltmp2, $4  }
0x3c: {  	[hbm4b:s5+s3] =	stream.linear.scatter [tilespmem:s8], [sflag:$0x1], $0x1880, $0x38;
	[tilespmem:$0x31A0] =	vst v63  }
0x3d: {  	_ =	swait.ge [sflag:s9], $0x1880  }
0x3e: {  	[sflag:s9] =	ssyncset.done $0x0  }
0x3f: {  	[sflag:s9] =	ssyncadd.s32 $0xFFFFE780  }
0x40: {  	_ =	sfence.sel $0x180000  }
0x41: {  	[bflag:$0x0] =	sbarrier.arrive $0xFFFF  }
0x42: {  	p0 =	sne.s32 s0, $0x0;
	_ =	strace $0x90000047  }
0x43: {  	s0 =	sadd.s32 @!p0 $0x100000, s1;
	[bflag:$0x2] =	sbarrier.arrive $0xFFFF  }
0x44: {  	[sflag:s0] =	ssyncadd.tile.s32 @!p0 $0x1;
	_ =	shalt  }
.Lfunc_end2:
_tile_overlayer_lowered:
.L_overlay_start_2:
0x45: {  	(tag) =	ssettag $0x2  }
0x46: {  	s0 =	rddreg [dreg:$0x0];
	s2 =	stileid.u32  }
0x47: {  	s1 =	rddreg [dreg:$0x1];
	p0 =	sne.s32 s2, $0x0  }
0x48: {  	s3 =	rddreg [dreg:$0x2];
	[bflag:$0x3] =	sbarrier.arrive $0xFFFF;
	s2 =	simm.s32 @!p0 $0x1C01  }
0x49: {  	[timem:s3], [sflag:s2] =	dma.local @!p0 [hbm:s0], s1  }
0x4a: {  	s0 =	simm.s32 @!p0 $0x1  }
0x4b: {  	_ =	swait.ge @!p0 [sflag:s0], s1  }
0x4c: {  	s1 =	ssub.s32 @!p0 $0x0, s1;
	[sflag:s0] =	ssyncset.done @!p0 $0x0  }
0x4d: {  	[sflag:s0] =	ssyncadd.s32 @!p0 s1  }
0x4e: {  	[bflag:$0x3] =	sbarrier.arrive $0xFFFF  }
0x4f: {  	_ =	shalt  }

// kernel: kernel.13.cloned.1.call-start
scs
__scs_entry_jumppad:
0x0: {  	(pc) =	sbr.rel $0x88, $3  }
0x1: {  	(tag) =	ssettag $0x0;
	lr =	simm.s32 $0x1  }
0x2: {  	[smem:$0x3F99] =	sst lr;
	_ =	strace $0xD0000000  }
0x3: {  	_ = 	snop  }
0x4: {  	_ = 	snop  }
0x5: {  	_ = 	snop  }
0x6: {  	_ = 	snop  }
0x7: {  	_ = 	snop  }
__scs_overlays_trampoline_lowered:
0x8: {  	[smem:$0x3FA8] =	sst s0  }
0x9: {  	[smem:$0x3FA9] =	sst s1  }
0xa: {  	[smem:$0x3FAA] =	sst s2  }
0xb: {  	[smem:$0x3FAB] =	sst s3  }
0xc: {  	[smem:$0x3FAC] =	sst s4  }
0xd: {  	[smem:$0x3FAD] =	sst s5  }
0xe: {  	[smem:$0x3FAE] =	sst s6  }
0xf: {  	[smem:$0x3FAF] =	sst s7  }
0x10: {  	[smem:$0x3FB0] =	sst s8  }
0x11: {  	[smem:$0x3FB1] =	sst s9;
	s0 =	simm.s32 @!p0 $0x0  }
0x12: {  	s1 =	sld [smem:$0x3F97];
	s0 =	simm.s32 @p0 $0x1  }
0x13: {  	[smem:$0x3FB2] =	sst s0;
	s0 =	simm.s32 @!p1 $0x0  }
0x14: {  	s2 =	sld [smem:$0x3F96];
	s0 =	simm.s32 @p1 $0x1  }
0x15: {  	[smem:$0x3FB3] =	sst s0;
	s0 =	simm.s32 @!p2 $0x0  }
0x16: {  	s3 =	sld [smem:$0x3FDB];
	s0 =	simm.s32 @p2 $0x1  }
0x17: {  	s4 =	simm.s32 $0x1BF5;
	[smem:$0x3FB5] =	sst s0  }
0x18: {  	s0 =	sld [smem:$0x3F98];
	_ =	swait.ge [sflag:s4], $0x0  }
0x19: {  	s7 =	sld [smem:$0x3F99]  }
0x1a: {  	s8 =	sadd.s32 $0xFFFFE003, lr  }
0x1b: {  	s9 =	sadd.s32 $0xFFFFFEF7, lr;
	s5 =	simm.s32 $0xFFFFFFFF;
	p2 =	slt.u32 s8, $0xFFFFF086  }
0x1c: {  	p1 =	slt.u32 s9, $0xF7A;
	s5 =	simm.s32 @!p2 $0x0  }
0x1d: {  	s5 =	simm.s32 @p1 $0x1;
	p0 =	seq.s32 s7, s2  }
0x1e: {  	s7 =	smul.u32 @!p0 $0xF7A, s2;
	p2 =	seq.s32 @!p0 s5, $0x0  }
0x1f: {  	s9 =	smul.u32 $0xF7A, s1;
	s8 =	simm.s32 @!p0 $0x1BF5;
	p2 =	por !p2, p0  }
0x20: {  	[sflag:s8] =	ssyncset.s32 @!p0 $0xFFFFF086;
	s6 =	sadd.s32 @!p0 s3, s7;
	s7 =	simm.s32 @!p0 $0x108  }
0x21: {  	s3 =	sadd.s32 s3, s9;
	s6 =	sadd.s32 @!p0 $0x88, s6;
	s7 =	simm.s32 @p2 $0x1082  }
0x22: {  	[simem:s7], [sflag:s8] =	dma.local @!p0 [hbm:s6], $0xF7A  }
0x23: {  	s9 =	sor.u32 $0xD0000000, s2;
	s6 =	simm.s32 $0x108;
	_ =	swait.ge @!p0 [sflag:s8], $0x0  }
0x24: {  	s3 =	sadd.s32 $0x88, s3;
	s6 =	simm.s32 @!p1 $0x1082;
	[sflag:s4] =	ssyncset.s32 $0xFFFFF086  }
0x25: {  	[simem:s6], [sflag:s4] =	dma.local [hbm:s3], $0xF7A  }
0x26: {  	[smem:$0x3F99] =	sst s1;
	(tag) =	ssettag s2;
	_ =	strace s9  }
0x27: {  	s1 =	sld [smem:$0x3FA9]  }
0x28: {  	s2 =	sld [smem:$0x3FAA]  }
0x29: {  	s4 =	sld [smem:$0x3FAC]  }
0x2a: {  	p0 =	seq.s32 s5, $0x0;
	s5 =	sld [smem:$0x3FAD]  }
0x2b: {  	s6 =	sld [smem:$0x3FAE]  }
0x2c: {  	s7 =	sld [smem:$0x3FAF]  }
0x2d: {  	s3 =	simm.s32 $0x108;
	s8 =	sld [smem:$0x3FB0]  }
0x2e: {  	s3 =	simm.s32 @!p0 $0x1082;
	s9 =	sld [smem:$0x3FB1]  }
0x2f: {  	lr =	sadd.s32 s0, s3;
	s0 =	sld [smem:$0x3FA8]  }
0x30: {  	s3 =	sld [smem:$0x3FAB]  }
0x31: {  	[smem:$0x3FB4] =	sst s10  }
0x32: {  	s10 =	sld [smem:$0x3FB2];
	_ =	sdelay $0x3  }
0x33: {  	p0 =	seq.s32 s10, $0x1;
	s10 =	sld [smem:$0x3FB4];
	_ =	sdelay $0x3  }
0x34: {  	[smem:$0x3FB4] =	sst s10  }
0x35: {  	s10 =	sld [smem:$0x3FB3];
	_ =	sdelay $0x3  }
0x36: {  	p1 =	seq.s32 s10, $0x1;
	s10 =	sld [smem:$0x3FB4];
	_ =	sdelay $0x3  }
0x37: {  	[smem:$0x3FB4] =	sst s10  }
0x38: {  	s10 =	sld [smem:$0x3FB5]  }
0x39: {  	_ = 	snop;
	(pc) =	sbr.ind lr, $3  }
0x3a: {  	_ = 	snop  }
0x3b: {  	_ = 	snop  }
0x3c: {  	p2 =	seq.s32 s10, $0x1;
	s10 =	sld [smem:$0x3FB4]  }
0x3d: {  	_ =	shalt  }
0x3e: {  	_ =	shalt  }
0x3f: {  	_ =	shalt  }
0x40: {  	_ =	shalt  }
0x41: {  	_ =	shalt  }
0x42: {  	_ =	shalt  }
0x43: {  	_ =	shalt  }
0x44: {  	_ =	shalt  }
0x45: {  	_ =	shalt  }
0x46: {  	_ =	shalt  }
0x47: {  	_ =	shalt  }
0x48: {  	_ =	shalt  }
0x49: {  	_ =	shalt  }
0x4a: {  	_ =	shalt  }
0x4b: {  	_ =	shalt  }
0x4c: {  	_ =	shalt  }
0x4d: {  	_ =	shalt  }
0x4e: {  	_ =	shalt  }
0x4f: {  	_ =	shalt  }
0x50: {  	_ =	shalt  }
0x51: {  	_ =	shalt  }
0x52: {  	_ =	shalt  }
0x53: {  	_ =	shalt  }
0x54: {  	_ =	shalt  }
0x55: {  	_ =	shalt  }
0x56: {  	_ =	shalt  }
0x57: {  	_ =	shalt  }
0x58: {  	_ =	shalt  }
0x59: {  	_ =	shalt  }
0x5a: {  	_ =	shalt  }
0x5b: {  	_ =	shalt  }
0x5c: {  	_ =	shalt  }
0x5d: {  	_ =	shalt  }
0x5e: {  	_ =	shalt  }
0x5f: {  	_ =	shalt  }
0x60: {  	_ =	shalt  }
0x61: {  	_ =	shalt  }
0x62: {  	_ =	shalt  }
0x63: {  	_ =	shalt  }
0x64: {  	_ =	shalt  }
0x65: {  	_ =	shalt  }
0x66: {  	_ =	shalt  }
0x67: {  	_ =	shalt  }
0x68: {  	_ =	shalt  }
0x69: {  	_ =	shalt  }
0x6a: {  	_ =	shalt  }
0x6b: {  	_ =	shalt  }
0x6c: {  	_ =	shalt  }
0x6d: {  	_ =	shalt  }
0x6e: {  	_ =	shalt  }
0x6f: {  	_ =	shalt  }
0x70: {  	_ =	shalt  }
0x71: {  	_ =	shalt  }
0x72: {  	_ =	shalt  }
0x73: {  	_ =	shalt  }
0x74: {  	_ =	shalt  }
0x75: {  	_ =	shalt  }
0x76: {  	_ =	shalt  }
0x77: {  	_ =	shalt  }
0x78: {  	_ =	shalt  }
0x79: {  	_ =	shalt  }
0x7a: {  	_ =	shalt  }
0x7b: {  	_ =	shalt  }
0x7c: {  	_ =	shalt  }
0x7d: {  	_ =	shalt  }
0x7e: {  	_ =	shalt  }
0x7f: {  	_ =	shalt  }
0x80: {  	_ =	shalt  }
0x81: {  	_ =	shalt  }
0x82: {  	_ =	shalt  }
0x83: {  	_ =	shalt  }
0x84: {  	_ =	shalt  }
0x85: {  	_ =	shalt  }
0x86: {  	_ =	shalt  }
0x87: {  	_ =	shalt  }
.Lfunc_end0:
.L_simem_size_0:
called_computation.1_lowered:
.L_overlay_start_0:
0x88: {  	s2 =	sld [smem:$0x3FD9]  }
0x89: {  	s3 =	sld [smem:$0x3FFE];
	_ =	sdelay $0x1  }
0x8a: {  	s1 =	srdreg.scid  }
0x8b: {  	s0 =	sand.u32 $0x1, s1  }
0x8c: {  	s16 =	sshll.u32 s0, $0xA;
	s2 =	sadd.s32 s3, s2  }
0x8d: {  	s2 =	sadd.s32 s2, s16  }
0x8e: {  	[smem:$0x3FC0] =	sst s2  }
0x8f: {  	_ = 	snop  }
0x90: {  	(tm) =	ssettm $0x1  }
0x91: {  	s17 =	sld [smem:$0x3FFB];
	_ =	sdelay $0x3  }
0x92: {  	_ =	strace s17  }
0x93: {  	s2 =	sld [smem:$0x3FFC];
	_ =	sdelay $0x3  }
0x94: {  	_ =	strace s2  }
0x95: {  	s2 =	sld [smem:$0x3FFD];
	_ =	sdelay $0x3  }
0x96: {  	_ =	strace s2  }
0x97: {  	_ =	strace $0x8FFFFFFF  }
0x98: {  	s18 =	sld [smem:$0x3FDB];
	_ =	sdelay $0x1  }
0x99: {  	s19 =	simm.s32 $_scs_section_size  }
0x9a: {  	s4 =	simm.s32 $_size__tile_overlayer_lowered;
	s5 =	simm.s32 $_tile_overlayer_lowered  }
0x9b: {  	s22 =	simm.s32 $0x1BFF;
	s21 =	sshll.u32 s5, $0x1;
	s2 =	sadd.s32 s19, s18  }
0x9c: {  	s6 =	simm.s32 $0x0;
	s20 =	sshll.u32 s4, $0x1;
	s4 =	sadd.s32 s21, s2  }
0x9d: {  	[timem:s6], [sflag:s22] =	dma.local [hbm:s4], s20  }
0x9e: {  	_ =	swait.ge [sflag:s22], s20  }
0x9f: {  	s3 =	ssub.s32 $0x0, s20;
	[sflag:s22] =	ssyncset.done $0x0  }
0xa0: {  	[sflag:s22] =	ssyncadd.s32 s3;
	_ =	sdelay $0x1  }
0xa1: {  	s23 =	simm.s32 $0x1B8B  }
0xa2: {  	_ =	swait.ge [sflag:s23], $0x1  }
0xa3: {  	[sflag:s23] =	ssyncset.done $0x0  }
0xa4: {  	s25 =	simm.s32 $0x1B8E;
	s24 =	sld [smem:$0x3FFE];
	[sflag:s23] =	ssyncadd.s32 $0xFFFFFFFF  }
0xa5: {  	s26 =	simm.s32 $execute0_lowered;
	[smem:$0x3FD2] =	sst s25  }
0xa6: {  	s4 =	sshll.u32 s26, $0x1;
	_ =	strace $0x80000049;
	[dreg:$0x1] =	wrdreg $0xFFFFFFFF  }
0xa7: {  	s28 =	simm.s32 $_size_execute0_lowered;
	s2 =	sadd.s32 s2, s4;
	[dreg:$0x0] =	wrdreg $0x0  }
0xa8: {  	s4 =	sshll.u32 s28, $0x1;
	[dreg:$0x2] =	wrdreg s2  }
0xa9: {  	[dreg:$0x3] =	wrdreg s4  }
0xaa: {  	[dreg:$0x4] =	wrdreg $0xC0  }
0xab: {  	_ =	task [dreg:s6], $0x5FFFF  }
0xac: {  	[dreg:$0x1] =	wrdreg $0xFFFFFFFF  }
0xad: {  	[dreg:$0x0] =	wrdreg $0x60  }
0xae: {  	[dreg:$0x2] =	wrdreg s24  }
0xaf: {  	[dreg:$0x3] =	wrdreg $0x0  }
0xb0: {  	[dreg:$0x4] =	wrdreg $0x9  }
0xb1: {  	_ =	task.clear_ibuf [dreg:s6], $0x5FFFF;
	_ =	strace $0x90000049  }
0xb2: {  	s29 =	simm.s32 $0x9;
	_ =	strace $0x8000004B  }
0xb3: {  	_ =	swait.ge [sflag:s29], $0x1  }
0xb4: {  	[sflag:s29] =	ssyncadd.s32 $0xFFFFFFFF  }
0xb5: {  	_ =	strace $0x9000004B  }
0xb6: {  	_ =	sfence  }
0xb7: {  	s30 =	sld [smem:$0x0];
	_ =	sdelay $0x2  }
0xb8: {  	s31 =	sshll.u32 s1, $0xD;
	s1 =	sshrl.u32 s1, $0x2  }
0xb9: {  	s3 =	sand.u32 $0x4000, s31;
	s1 =	sadd.s32 s1, s30  }
0xba: {  	s0 =	sor.u32 s3, s0;
	s1 =	sshll.u32 s1, $0x11  }
0xbb: {  	s0 =	sor.u32 s1, s0  }
0xbc: {  	s0 =	sadd.s32 $0x8F2B, s0  }
0xbd: {  	[sflag:s0] =	ssyncadd.remote.s32 $0x1  }
0xbe: {  	_ =	sfence.sel $0xFFFF  }
0xbf: {  	[dreg:$0x0] =	wrdreg $0xFFFFFFFF;
	(pc) =	sbr.abs _section_cstart, $3  }
0xc0: {  	[dreg:$0x1] =	wrdreg $0xFFFFFFFF  }
0xc1: {  	_ =	task.clear_ibuf [dreg:s6], $0x2FFFF;
	_ =	strace $0x9FFFFFFF  }
0xc2: {  	(tm) =	ssettm $0x7FFFFFFF  }
0xc3: {  	_ =	shalt  }
tec
execute0_lowered:
.L_overlay_start_1:
0x0: {  	(tag) =	ssettag $0x1  }
0x1: {  	s1 =	rddreg [dreg:$0x0]  }
0x2: {  	s2 =	rddreg [dreg:$0x1]  }
0x3: {  	s3 =	simm.s32 $0x0;
	s7 =	stileid.u32;
	s5 =	srdreg.scid  }
0x4: {  	[smem:$0x7FF] =	sst s3;
	s0 =	smul.u32 $0x30D4, s7  }
0x5: {  	s6 =	smul.u32 $0x1880, s7;
	s4 =	sadd.s32 $0x63200, s1;
	s5 =	sand.u32 $0x1, s5  }
0x6: {  	s7 =	smul.u32 $0x62000, s7;
	_ =	strace $0x8000004A;
	s8 =	ssub.s32 $0x2, s5  }
0x7: {  	s16 =	smul.u32 $0x18800, s5;
	s0 =	sadd.s32 s0, s1;
	s1 =	sadd.s32 $0xC5200, s1  }
0x8: {  	s13 =	sshrl.u32 s8, $0x1;
	s7 =	sshrl.u32 s7, $0x2;
	s15 =	sadd.s32 $0x310, s6  }
0x9: {  	s18 =	sadd.s32 $0x620, s6;
	s11 =	sadd.s32 $0x930, s6;
	s21 =	sadd.s32 $0xC40, s6  }
0xa: {  	s24 =	sadd.s32 $0x1260, s6;
	s8 =	ssub.s32 s8, s13;
	s5 =	sadd.s32 s7, s2  }
0xb: {  	s14 =	sadd.s32 s16, s6;
	s17 =	sadd.s32 s16, s15;
	s10 =	sadd.s32 s16, s18  }
0xc: {  	s19 =	sadd.s32 s16, s11;
	s20 =	sshll.u32 s11, $0x4;
	s12 =	sadd.s32 s16, s21  }
0xd: {  	s13 =	sadd.s32 $0xF50, s6;
	s11 =	sshll.u32 s21, $0x4;
	s6 =	sadd.s32 $0x1570, s6  }
0xe: {  	s31 =	sadd.s32 $0x32400, s0;
	s0 =	sadd.s32 $0x1600, s0;
	s8 =	smax.u32 s8, $0x1  }
0xf: {  	s7 =	sshll.u32 s14, $0x1;
	s14 =	sshll.u32 s17, $0x1;
	s17 =	sshll.u32 s19, $0x1  }
0x10: {  	s22 =	sadd.s32 s16, s13;
	s11 =	sadd.s32 s11, s2;
	s23 =	sshll.u32 s13, $0x4  }
0x11: {  	s13 =	sshll.u32 s24, $0x4;
	s21 =	sadd.s32 s16, s6;
	s6 =	sshll.u32 s6, $0x4  }
0x12: {  	[dreg:$0x3] =	wrdreg s8;
	s9 =	sadd.s32 s4, s7;
	s8 =	sshll.u32 s15, $0x4  }
0x13: {  	s15 =	sshll.u32 s10, $0x1;
	s10 =	sadd.s32 s20, s2;
	s19 =	sshll.u32 s22, $0x1  }
0x14: {  	s20 =	sadd.s32 s16, s24;
	s13 =	sadd.s32 s13, s2;
	s29 =	sshll.u32 s21, $0x1  }
0x15: {  	s7 =	sadd.s32 s1, s7;
	s25 =	sadd.s32 s4, s14;
	s24 =	sadd.s32 s1, s17  }
0x16: {  	v0 =	vmov s16;
	s30 =	sadd.s32 s6, s2;
	s6 =	simm.s32 $0x1;
	s16 =	simm.s32 $0x1BE50  }
0x17: {  	[dreg:$0x4] =	wrdreg s9;
	s8 =	sadd.s32 s8, s2;
	s9 =	sshll.u32 s18, $0x4  }
0x18: {  	s18 =	sshll.u32 s12, $0x1;
	s12 =	sadd.s32 s23, s2;
	[dreg:$0x5] =	wrdreg s7  }
0x19: {  	s26 =	sshll.u32 s20, $0x1;
	[dreg:$0x6] =	wrdreg s25;
	s20 =	sadd.s32 s1, s14  }
0x1a: {  	s21 =	sadd.s32 s4, s15;
	s22 =	sadd.s32 s1, s15;
	s23 =	sadd.s32 s4, s17  }
0x1b: {  	[dreg:$0xb] =	wrdreg s24;
	s24 =	sadd.s32 s1, s19;
	s28 =	sadd.s32 s1, s29  }
0x1c: {  	s29 =	sadd.s32 s4, s29;
	s7 =	simm.s32 $0x1BE00;
	[dreg:$0x7] =	wrdreg s20  }
0x1d: {  	s14 =	simm.s32 $0x1BEA0;
	s15 =	simm.s32 $0x50;
	[dreg:$0x8] =	wrdreg s21  }
0x1e: {  	s17 =	simm.s32 $0x1B900;
	s9 =	sadd.s32 s9, s2;
	[dreg:$0x9] =	wrdreg s22  }
0x1f: {  	[dreg:$0xa] =	wrdreg s23;
	s25 =	sadd.s32 s4, s18;
	s22 =	sadd.s32 s1, s18  }
0x20: {  	s23 =	sadd.s32 s4, s19;
	s18 =	simm.s32 $0x0;
	[dreg:$0xc] =	wrdreg s25  }
0x21: {  	s25 =	sadd.s32 s4, s26;
	s26 =	sadd.s32 s1, s26;
	s1 =	simm.s32 $0x18800  }
.LBB2_1:
0x22: {  	s19 =	rddreg [dreg:$0x4]  }
0x23: {  	[tilespmem:s1], [sflag:$0x1] =	stream.linear.gather [hbm4b:s19+s3], $0x3100, $0x38;
	[tilespmem:$0x1BEF0] =	vst v63  }
0x24: {  	_ =	swait.ge [sflag:s6], $0x3100  }
0x25: {  	[sflag:s6] =	ssyncset.done $0x0  }
0x26: {  	[sflag:s6] =	ssyncadd.s32 $0xFFFFCF00  }
0x27: {  	[spmem:s5] =	stream.linear.scatter [tilespmem:s1], [sflag:$0x1], $0x3100, $0x38;
	[tilespmem:$0x1BEF0] =	vst v63  }
0x28: {  	_ =	swait.ge [sflag:s6], $0x3100  }
0x29: {  	[sflag:s6] =	ssyncset.done $0x0  }
0x2a: {  	s20 =	rddreg [dreg:$0x6];
	[sflag:s6] =	ssyncadd.s32 $0xFFFFCF00  }
0x2b: {  	[tilespmem:s1], [sflag:$0x1] =	stream.linear.gather [hbm4b:s20+s3], $0x3100, $0x38;
	[tilespmem:$0x1BEF0] =	vst v63  }
0x2c: {  	_ =	swait.ge [sflag:s6], $0x3100  }
0x2d: {  	[sflag:s6] =	ssyncset.done $0x0  }
0x2e: {  	[sflag:s6] =	ssyncadd.s32 $0xFFFFCF00  }
0x2f: {  	[spmem:s8] =	stream.linear.scatter [tilespmem:s1], [sflag:$0x1], $0x3100, $0x38;
	[tilespmem:$0x1BEF0] =	vst v63  }
0x30: {  	_ =	swait.ge [sflag:s6], $0x3100  }
0x31: {  	[sflag:s6] =	ssyncset.done $0x0  }
0x32: {  	s21 =	rddreg [dreg:$0x8];
	[sflag:s6] =	ssyncadd.s32 $0xFFFFCF00  }
0x33: {  	[tilespmem:s1], [sflag:$0x1] =	stream.linear.gather [hbm4b:s21+s3], $0x3100, $0x38;
	[tilespmem:$0x1BEF0] =	vst v63  }
0x34: {  	_ =	swait.ge [sflag:s6], $0x3100  }
0x35: {  	[sflag:s6] =	ssyncset.done $0x0  }
0x36: {  	[sflag:s6] =	ssyncadd.s32 $0xFFFFCF00  }
0x37: {  	[spmem:s9] =	stream.linear.scatter [tilespmem:s1], [sflag:$0x1], $0x3100, $0x38;
	[tilespmem:$0x1BEF0] =	vst v63  }
0x38: {  	_ =	swait.ge [sflag:s6], $0x3100  }
0x39: {  	[sflag:s6] =	ssyncset.done $0x0  }
0x3a: {  	s20 =	rddreg [dreg:$0xa];
	[sflag:s6] =	ssyncadd.s32 $0xFFFFCF00  }
0x3b: {  	[tilespmem:s1], [sflag:$0x1] =	stream.linear.gather [hbm4b:s20+s3], $0x3100, $0x38;
	[tilespmem:$0x1BEF0] =	vst v63  }
0x3c: {  	_ =	swait.ge [sflag:s6], $0x3100  }
0x3d: {  	[sflag:s6] =	ssyncset.done $0x0  }
0x3e: {  	[sflag:s6] =	ssyncadd.s32 $0xFFFFCF00  }
0x3f: {  	[spmem:s10] =	stream.linear.scatter [tilespmem:s1], [sflag:$0x1], $0x3100, $0x38;
	[tilespmem:$0x1BEF0] =	vst v63  }
0x40: {  	_ =	swait.ge [sflag:s6], $0x3100  }
0x41: {  	[sflag:s6] =	ssyncset.done $0x0  }
0x42: {  	s21 =	rddreg [dreg:$0xc];
	[sflag:s6] =	ssyncadd.s32 $0xFFFFCF00  }
0x43: {  	[tilespmem:s1], [sflag:$0x1] =	stream.linear.gather [hbm4b:s21+s3], $0x3100, $0x38;
	[tilespmem:$0x1BEF0] =	vst v63  }
0x44: {  	_ =	swait.ge [sflag:s6], $0x3100  }
0x45: {  	[sflag:s6] =	ssyncset.done $0x0  }
0x46: {  	[sflag:s6] =	ssyncadd.s32 $0xFFFFCF00  }
0x47: {  	[spmem:s11] =	stream.linear.scatter [tilespmem:s1], [sflag:$0x1], $0x3100, $0x38;
	[tilespmem:$0x1BEF0] =	vst v63  }
0x48: {  	_ =	swait.ge [sflag:s6], $0x3100  }
0x49: {  	[sflag:s6] =	ssyncset.done $0x0  }
0x4a: {  	[sflag:s6] =	ssyncadd.s32 $0xFFFFCF00  }
0x4b: {  	[tilespmem:s1], [sflag:$0x1] =	stream.linear.gather [hbm4b:s23+s3], $0x3100, $0x38;
	[tilespmem:$0x1BEF0] =	vst v63  }
0x4c: {  	_ =	swait.ge [sflag:s6], $0x3100  }
0x4d: {  	[sflag:s6] =	ssyncset.done $0x0  }
0x4e: {  	[sflag:s6] =	ssyncadd.s32 $0xFFFFCF00  }
0x4f: {  	[spmem:s12] =	stream.linear.scatter [tilespmem:s1], [sflag:$0x1], $0x3100, $0x38;
	[tilespmem:$0x1BEF0] =	vst v63  }
0x50: {  	_ =	swait.ge [sflag:s6], $0x3100  }
0x51: {  	[sflag:s6] =	ssyncset.done $0x0  }
0x52: {  	[sflag:s6] =	ssyncadd.s32 $0xFFFFCF00  }
0x53: {  	[tilespmem:s1], [sflag:$0x1] =	stream.linear.gather [hbm4b:s25+s3], $0x3100, $0x38;
	[tilespmem:$0x1BEF0] =	vst v63  }
0x54: {  	_ =	swait.ge [sflag:s6], $0x3100  }
0x55: {  	[sflag:s6] =	ssyncset.done $0x0  }
0x56: {  	[sflag:s6] =	ssyncadd.s32 $0xFFFFCF00  }
0x57: {  	[spmem:s13] =	stream.linear.scatter [tilespmem:s1], [sflag:$0x1], $0x3100, $0x38;
	[tilespmem:$0x1BEF0] =	vst v63  }
0x58: {  	_ =	swait.ge [sflag:s6], $0x3100  }
0x59: {  	[sflag:s6] =	ssyncset.done $0x0  }
0x5a: {  	[sflag:s6] =	ssyncadd.s32 $0xFFFFCF00  }
0x5b: {  	[tilespmem:s1], [sflag:$0x1] =	stream.linear.gather [hbm4b:s29+s3], $0x3100, $0x38;
	[tilespmem:$0x1BEF0] =	vst v63  }
0x5c: {  	_ =	swait.ge [sflag:s6], $0x3100  }
0x5d: {  	[sflag:s6] =	ssyncset.done $0x0  }
0x5e: {  	[sflag:s6] =	ssyncadd.s32 $0xFFFFCF00  }
0x5f: {  	[spmem:s30] =	stream.linear.scatter [tilespmem:s1], [sflag:$0x1], $0x3100, $0x38;
	[tilespmem:$0x1BEF0] =	vst v63  }
0x60: {  	_ =	swait.ge [sflag:s6], $0x3100  }
0x61: {  	[sflag:s6] =	ssyncset.done $0x0  }
0x62: {  	[sflag:s6] =	ssyncadd.s32 $0xFFFFCF00  }
0x63: {  	s20 =	sadd.s32 $0x0, s0;
	[bflag:$0x0] =	sbarrier.arrive $0xFFFF  }
0x64: {  	[tilespmem:s7], [sflag:$0x1] =	stream.linear.gather [hbm4b:s20+s3], $0x50, $0x38;
	[tilespmem:$0x1BEF0] =	vst v63  }
0x65: {  	_ =	swait.ge [sflag:s6], $0x50  }
0x66: {  	[sflag:s6] =	ssyncset.done $0x0  }
0x67: {  	s21 =	sadd.s32 $0x0, s31;
	[sflag:s6] =	ssyncadd.s32 $0xFFFFFFB0  }
0x68: {  	[tilespmem:s14], [sflag:$0x1] =	stream.linear.gather [hbm4b:s21+s3], $0x50, $0x38;
	[tilespmem:$0x1BEF0] =	vst v63  }
0x69: {  	_ =	swait.ge [sflag:s6], $0x50  }
0x6a: {  	[sflag:s6] =	ssyncset.done $0x0  }
0x6b: {  	[sflag:s6] =	ssyncadd.s32 $0xFFFFFFB0  }
0x6c: {  	v1 =	vld [tilespmem:$0x1BE40]  }
0x6d: {  	v2 =	vld [tilespmem:$0x1BE20]  }
0x6e: {  	v3 =	vld [tilespmem:$0x1BE30]  }
0x6f: {  	v4 =	vld [tilespmem:$0x1BE10]  }
0x70: {  	v5 =	vld [tilespmem:$0x1BE00]  }
0x71: {  	v1 =	vadd.s32 v0, v1  }
0x72: {  	v2 =	vadd.s32 v0, v2;
	[tilespmem:$0x1BE90] =	vst v1  }
0x73: {  	[tilespmem:$0x1BE70] =	vst v2;
	v1 =	vadd.s32 v0, v3  }
0x74: {  	v2 =	vadd.s32 v0, v4;
	[tilespmem:$0x1BE80] =	vst v1  }
0x75: {  	v1 =	vadd.s32 v0, v5;
	[tilespmem:$0x1BE60] =	vst v2  }
0x76: {  	[tilespmem:$0x1BE50] =	vst v1  }
0x77: {  	[tilespmem:s17], [sflag:$0x1] =	stream.indirect.gather [hbm4b:s4+s15], $0x10, s16, s15, $0xb8;
	[tilespmem:$0x1BEF0] =	vst v63  }
0x78: {  	_ =	swait.ge [sflag:s6], $0x500  }
0x79: {  	s19 =	simm.s32 $0xA;
	[sflag:s6] =	ssyncset.done $0x0  }
.LBB2_2:
0x7a: {  	p0 =	sne.s32 s19, $0x30CA  }
0x7b: {  	[sflag:s6] =	ssyncadd.s32 $0xFFFFFB00;
	s20 =	smov.u32 s19;
	s19 =	sadd.s32 $0xA, s19  }
0x7c: {  	[spmem:s2] =	stream.indirect.scatter.add.f32 [tilespmem:s17], [sflag:$0x1], $0x10, s14, s15, $0xb8;
	[tilespmem:$0x1BEF0] =	vst v63  }
0x7d: {  	_ =	swait.ge [sflag:s6], $0x500  }
0x7e: {  	[sflag:s6] =	ssyncset.done $0x0  }
0x7f: {  	s21 =	sadd.s32 s20, s0;
	[sflag:s6] =	ssyncadd.s32 $0xFFFFFB00  }
0x80: {  	[tilespmem:s7], [sflag:$0x1] =	stream.linear.gather [hbm4b:s21+s3], $0x50, $0x38;
	[tilespmem:$0x1BEF0] =	vst v63  }
0x81: {  	_ =	swait.ge [sflag:s6], $0x50  }
0x82: {  	[sflag:s6] =	ssyncset.done $0x0  }
0x83: {  	s20 =	sadd.s32 s20, s31;
	[sflag:s6] =	ssyncadd.s32 $0xFFFFFFB0  }
0x84: {  	[tilespmem:s14], [sflag:$0x1] =	stream.linear.gather [hbm4b:s20+s3], $0x50, $0x38;
	[tilespmem:$0x1BEF0] =	vst v63  }
0x85: {  	_ =	swait.ge [sflag:s6], $0x50  }
0x86: {  	[sflag:s6] =	ssyncset.done $0x0  }
0x87: {  	[sflag:s6] =	ssyncadd.s32 $0xFFFFFFB0  }
0x88: {  	v1 =	vld [tilespmem:$0x1BE40]  }
0x89: {  	v2 =	vld [tilespmem:$0x1BE20]  }
0x8a: {  	v3 =	vld [tilespmem:$0x1BE30]  }
0x8b: {  	v4 =	vld [tilespmem:$0x1BE10]  }
0x8c: {  	v5 =	vld [tilespmem:$0x1BE00]  }
0x8d: {  	v1 =	vadd.s32 v0, v1  }
0x8e: {  	v2 =	vadd.s32 v0, v2;
	[tilespmem:$0x1BE90] =	vst v1  }
0x8f: {  	[tilespmem:$0x1BE70] =	vst v2;
	v1 =	vadd.s32 v0, v3  }
0x90: {  	v2 =	vadd.s32 v0, v4;
	[tilespmem:$0x1BE80] =	vst v1  }
.Ltmp0:
0x91: {  	v1 =	vadd.s32 v0, v5;
	[tilespmem:$0x1BE60] =	vst v2;
	(pc) =	sbr.rel @p0 .LBB2_2-.Ltmp0, $4  }
0x92: {  	[tilespmem:$0x1BE50] =	vst v1  }
0x93: {  	[tilespmem:s17], [sflag:$0x1] =	stream.indirect.gather [hbm4b:s4+s15], $0x10, s16, s15, $0xb8;
	[tilespmem:$0x1BEF0] =	vst v63  }
0x94: {  	_ =	swait.ge [sflag:s6], $0x500  }
0x95: {  	[sflag:s6] =	ssyncset.done $0x0  }
0x96: {  	[sflag:s6] =	ssyncadd.s32 $0xFFFFFB00  }
0x97: {  	[spmem:s2] =	stream.indirect.scatter.add.f32 [tilespmem:s17], [sflag:$0x1], $0x10, s14, s15, $0xb8;
	[tilespmem:$0x1BEF0] =	vst v63  }
0x98: {  	_ =	swait.ge [sflag:s6], $0x500  }
0x99: {  	[sflag:s6] =	ssyncset.done $0x0  }
0x9a: {  	[sflag:s6] =	ssyncadd.s32 $0xFFFFFB00  }
0x9b: {  	[bflag:$0x0] =	sbarrier.arrive $0xFFFF  }
0x9c: {  	[tilespmem:s1], [sflag:$0x1] =	stream.linear.gather [spmem:s5], $0x3100, $0x38;
	[tilespmem:$0x1BEF0] =	vst v63  }
0x9d: {  	_ =	swait.ge [sflag:s6], $0x3100  }
0x9e: {  	[sflag:s6] =	ssyncset.done $0x0  }
0x9f: {  	s19 =	rddreg [dreg:$0x5];
	[sflag:s6] =	ssyncadd.s32 $0xFFFFCF00  }
0xa0: {  	[hbm4b:s19+s3] =	stream.linear.scatter [tilespmem:s1], [sflag:$0x1], $0x3100, $0x38;
	[tilespmem:$0x1BEF0] =	vst v63  }
0xa1: {  	_ =	swait.ge [sflag:s6], $0x3100  }
0xa2: {  	[sflag:s6] =	ssyncset.done $0x0  }
0xa3: {  	[sflag:s6] =	ssyncadd.s32 $0xFFFFCF00  }
0xa4: {  	[tilespmem:s1], [sflag:$0x1] =	stream.linear.gather [spmem:s8], $0x3100, $0x38;
	[tilespmem:$0x1BEF0] =	vst v63  }
0xa5: {  	_ =	swait.ge [sflag:s6], $0x3100  }
0xa6: {  	[sflag:s6] =	ssyncset.done $0x0  }
0xa7: {  	s20 =	rddreg [dreg:$0x7];
	[sflag:s6] =	ssyncadd.s32 $0xFFFFCF00  }
0xa8: {  	[hbm4b:s20+s3] =	stream.linear.scatter [tilespmem:s1], [sflag:$0x1], $0x3100, $0x38;
	[tilespmem:$0x1BEF0] =	vst v63  }
0xa9: {  	_ =	swait.ge [sflag:s6], $0x3100  }
0xaa: {  	[sflag:s6] =	ssyncset.done $0x0  }
0xab: {  	[sflag:s6] =	ssyncadd.s32 $0xFFFFCF00  }
0xac: {  	[tilespmem:s1], [sflag:$0x1] =	stream.linear.gather [spmem:s9], $0x3100, $0x38;
	[tilespmem:$0x1BEF0] =	vst v63  }
0xad: {  	_ =	swait.ge [sflag:s6], $0x3100  }
0xae: {  	[sflag:s6] =	ssyncset.done $0x0  }
0xaf: {  	s21 =	rddreg [dreg:$0x9];
	[sflag:s6] =	ssyncadd.s32 $0xFFFFCF00  }
0xb0: {  	[hbm4b:s21+s3] =	stream.linear.scatter [tilespmem:s1], [sflag:$0x1], $0x3100, $0x38;
	[tilespmem:$0x1BEF0] =	vst v63  }
0xb1: {  	_ =	swait.ge [sflag:s6], $0x3100  }
0xb2: {  	[sflag:s6] =	ssyncset.done $0x0  }
0xb3: {  	[sflag:s6] =	ssyncadd.s32 $0xFFFFCF00  }
0xb4: {  	[tilespmem:s1], [sflag:$0x1] =	stream.linear.gather [spmem:s10], $0x3100, $0x38;
	[tilespmem:$0x1BEF0] =	vst v63  }
0xb5: {  	_ =	swait.ge [sflag:s6], $0x3100  }
0xb6: {  	[sflag:s6] =	ssyncset.done $0x0  }
0xb7: {  	s20 =	rddreg [dreg:$0xb];
	[sflag:s6] =	ssyncadd.s32 $0xFFFFCF00  }
0xb8: {  	[hbm4b:s20+s3] =	stream.linear.scatter [tilespmem:s1], [sflag:$0x1], $0x3100, $0x38;
	[tilespmem:$0x1BEF0] =	vst v63  }
0xb9: {  	_ =	swait.ge [sflag:s6], $0x3100  }
0xba: {  	[sflag:s6] =	ssyncset.done $0x0  }
0xbb: {  	[sflag:s6] =	ssyncadd.s32 $0xFFFFCF00  }
0xbc: {  	[tilespmem:s1], [sflag:$0x1] =	stream.linear.gather [spmem:s11], $0x3100, $0x38;
	[tilespmem:$0x1BEF0] =	vst v63  }
0xbd: {  	_ =	swait.ge [sflag:s6], $0x3100  }
0xbe: {  	[sflag:s6] =	ssyncset.done $0x0  }
0xbf: {  	[sflag:s6] =	ssyncadd.s32 $0xFFFFCF00  }
0xc0: {  	[hbm4b:s22+s3] =	stream.linear.scatter [tilespmem:s1], [sflag:$0x1], $0x3100, $0x38;
	[tilespmem:$0x1BEF0] =	vst v63  }
0xc1: {  	_ =	swait.ge [sflag:s6], $0x3100  }
0xc2: {  	[sflag:s6] =	ssyncset.done $0x0  }
0xc3: {  	[sflag:s6] =	ssyncadd.s32 $0xFFFFCF00  }
0xc4: {  	[tilespmem:s1], [sflag:$0x1] =	stream.linear.gather [spmem:s12], $0x3100, $0x38;
	[tilespmem:$0x1BEF0] =	vst v63  }
0xc5: {  	_ =	swait.ge [sflag:s6], $0x3100  }
0xc6: {  	[sflag:s6] =	ssyncset.done $0x0  }
0xc7: {  	[sflag:s6] =	ssyncadd.s32 $0xFFFFCF00  }
0xc8: {  	[hbm4b:s24+s3] =	stream.linear.scatter [tilespmem:s1], [sflag:$0x1], $0x3100, $0x38;
	[tilespmem:$0x1BEF0] =	vst v63  }
0xc9: {  	_ =	swait.ge [sflag:s6], $0x3100  }
0xca: {  	[sflag:s6] =	ssyncset.done $0x0  }
0xcb: {  	[sflag:s6] =	ssyncadd.s32 $0xFFFFCF00  }
0xcc: {  	[tilespmem:s1], [sflag:$0x1] =	stream.linear.gather [spmem:s13], $0x3100, $0x38;
	[tilespmem:$0x1BEF0] =	vst v63  }
0xcd: {  	_ =	swait.ge [sflag:s6], $0x3100  }
0xce: {  	[sflag:s6] =	ssyncset.done $0x0  }
0xcf: {  	[sflag:s6] =	ssyncadd.s32 $0xFFFFCF00  }
0xd0: {  	[hbm4b:s26+s3] =	stream.linear.scatter [tilespmem:s1], [sflag:$0x1], $0x3100, $0x38;
	[tilespmem:$0x1BEF0] =	vst v63  }
0xd1: {  	_ =	swait.ge [sflag:s6], $0x3100  }
0xd2: {  	[sflag:s6] =	ssyncset.done $0x0  }
0xd3: {  	[sflag:s6] =	ssyncadd.s32 $0xFFFFCF00  }
0xd4: {  	[tilespmem:s1], [sflag:$0x1] =	stream.linear.gather [spmem:s30], $0x3100, $0x38;
	[tilespmem:$0x1BEF0] =	vst v63  }
0xd5: {  	_ =	swait.ge [sflag:s6], $0x3100  }
0xd6: {  	[sflag:s6] =	ssyncset.done $0x0  }
0xd7: {  	[sflag:s6] =	ssyncadd.s32 $0xFFFFCF00  }
0xd8: {  	[hbm4b:s28+s3] =	stream.linear.scatter [tilespmem:s1], [sflag:$0x1], $0x3100, $0x38;
	[tilespmem:$0x1BEF0] =	vst v63  }
0xd9: {  	_ =	swait.ge [sflag:s6], $0x3100  }
0xda: {  	s18 =	sadd.s32 $0x1, s18;
	s21 =	rddreg [dreg:$0x3]  }
0xdb: {  	p0 =	sne.s32 s18, s21  }
.Ltmp1:
0xdc: {  	_ = 	snop;
	(pc) =	sbr.rel @p0 .LBB2_1-.Ltmp1, $3  }
0xdd: {  	_ =	sdelay $0x1  }
0xde: {  	[sflag:s6] =	ssyncset.done $0x0  }
0xdf: {  	[sflag:s6] =	ssyncadd.s32 $0xFFFFCF00  }
0xe0: {  	_ =	sfence.sel $0x180000  }
0xe1: {  	[bflag:$0x0] =	sbarrier.arrive $0xFFFF  }
0xe2: {  	_ =	strace $0x9000004A  }
0xe3: {  	s0 =	stileid.u32;
	[bflag:$0x2] =	sbarrier.arrive $0xFFFF  }
0xe4: {  	p0 =	sne.s32 s0, $0x0;
	s0 =	rddreg [dreg:$0x2]  }
0xe5: {  	s0 =	sadd.s32 @!p0 $0x100000, s0  }
0xe6: {  	[sflag:s0] =	ssyncadd.tile.s32 @!p0 $0x1;
	_ =	shalt  }
.Lfunc_end2:
_tile_overlayer_lowered:
.L_overlay_start_2:
0xe7: {  	(tag) =	ssettag $0x2  }
0xe8: {  	s0 =	rddreg [dreg:$0x0];
	s2 =	stileid.u32  }
0xe9: {  	s1 =	rddreg [dreg:$0x1];
	p0 =	sne.s32 s2, $0x0  }
0xea: {  	s3 =	rddreg [dreg:$0x2];
	[bflag:$0x3] =	sbarrier.arrive $0xFFFF;
	s2 =	simm.s32 @!p0 $0x1C01  }
0xeb: {  	[timem:s3], [sflag:s2] =	dma.local @!p0 [hbm:s0], s1  }
0xec: {  	s0 =	simm.s32 @!p0 $0x1  }
0xed: {  	_ =	swait.ge @!p0 [sflag:s0], s1  }
0xee: {  	s1 =	ssub.s32 @!p0 $0x0, s1;
	[sflag:s0] =	ssyncset.done @!p0 $0x0  }
0xef: {  	[sflag:s0] =	ssyncadd.s32 @!p0 s1  }
0xf0: {  	[bflag:$0x3] =	sbarrier.arrive $0xFFFF  }
0xf1: {  	_ =	shalt  }

// kernel: kernel.16.cloned.1.call-start
scs
__scs_entry_jumppad:
0x0: {  	(pc) =	sbr.rel $0x88, $3  }
0x1: {  	(tag) =	ssettag $0x0;
	lr =	simm.s32 $0x1  }
0x2: {  	[smem:$0x3F99] =	sst lr;
	_ =	strace $0xD0000000  }
0x3: {  	_ = 	snop  }
0x4: {  	_ = 	snop  }
0x5: {  	_ = 	snop  }
0x6: {  	_ = 	snop  }
0x7: {  	_ = 	snop  }
__scs_overlays_trampoline_lowered:
0x8: {  	[smem:$0x3FA8] =	sst s0  }
0x9: {  	[smem:$0x3FA9] =	sst s1  }
0xa: {  	[smem:$0x3FAA] =	sst s2  }
0xb: {  	[smem:$0x3FAB] =	sst s3  }
0xc: {  	[smem:$0x3FAC] =	sst s4  }
0xd: {  	[smem:$0x3FAD] =	sst s5  }
0xe: {  	[smem:$0x3FAE] =	sst s6  }
0xf: {  	[smem:$0x3FAF] =	sst s7  }
0x10: {  	[smem:$0x3FB0] =	sst s8  }
0x11: {  	[smem:$0x3FB1] =	sst s9;
	s0 =	simm.s32 @!p0 $0x0  }
0x12: {  	s1 =	sld [smem:$0x3F97];
	s0 =	simm.s32 @p0 $0x1  }
0x13: {  	[smem:$0x3FB2] =	sst s0;
	s0 =	simm.s32 @!p1 $0x0  }
0x14: {  	s2 =	sld [smem:$0x3F96];
	s0 =	simm.s32 @p1 $0x1  }
0x15: {  	[smem:$0x3FB3] =	sst s0;
	s0 =	simm.s32 @!p2 $0x0  }
0x16: {  	s3 =	sld [smem:$0x3FDB];
	s0 =	simm.s32 @p2 $0x1  }
0x17: {  	s4 =	simm.s32 $0x1BF5;
	[smem:$0x3FB5] =	sst s0  }
0x18: {  	s0 =	sld [smem:$0x3F98];
	_ =	swait.ge [sflag:s4], $0x0  }
0x19: {  	s7 =	sld [smem:$0x3F99]  }
0x1a: {  	s8 =	sadd.s32 $0xFFFFE003, lr  }
0x1b: {  	s9 =	sadd.s32 $0xFFFFFEF7, lr;
	s5 =	simm.s32 $0xFFFFFFFF;
	p2 =	slt.u32 s8, $0xFFFFF086  }
0x1c: {  	p1 =	slt.u32 s9, $0xF7A;
	s5 =	simm.s32 @!p2 $0x0  }
0x1d: {  	s5 =	simm.s32 @p1 $0x1;
	p0 =	seq.s32 s7, s2  }
0x1e: {  	s7 =	smul.u32 @!p0 $0xF7A, s2;
	p2 =	seq.s32 @!p0 s5, $0x0  }
0x1f: {  	s9 =	smul.u32 $0xF7A, s1;
	s8 =	simm.s32 @!p0 $0x1BF5;
	p2 =	por !p2, p0  }
0x20: {  	[sflag:s8] =	ssyncset.s32 @!p0 $0xFFFFF086;
	s6 =	sadd.s32 @!p0 s3, s7;
	s7 =	simm.s32 @!p0 $0x108  }
0x21: {  	s3 =	sadd.s32 s3, s9;
	s6 =	sadd.s32 @!p0 $0x88, s6;
	s7 =	simm.s32 @p2 $0x1082  }
0x22: {  	[simem:s7], [sflag:s8] =	dma.local @!p0 [hbm:s6], $0xF7A  }
0x23: {  	s9 =	sor.u32 $0xD0000000, s2;
	s6 =	simm.s32 $0x108;
	_ =	swait.ge @!p0 [sflag:s8], $0x0  }
0x24: {  	s3 =	sadd.s32 $0x88, s3;
	s6 =	simm.s32 @!p1 $0x1082;
	[sflag:s4] =	ssyncset.s32 $0xFFFFF086  }
0x25: {  	[simem:s6], [sflag:s4] =	dma.local [hbm:s3], $0xF7A  }
0x26: {  	[smem:$0x3F99] =	sst s1;
	(tag) =	ssettag s2;
	_ =	strace s9  }
0x27: {  	s1 =	sld [smem:$0x3FA9]  }
0x28: {  	s2 =	sld [smem:$0x3FAA]  }
0x29: {  	s4 =	sld [smem:$0x3FAC]  }
0x2a: {  	p0 =	seq.s32 s5, $0x0;
	s5 =	sld [smem:$0x3FAD]  }
0x2b: {  	s6 =	sld [smem:$0x3FAE]  }
0x2c: {  	s7 =	sld [smem:$0x3FAF]  }
0x2d: {  	s3 =	simm.s32 $0x108;
	s8 =	sld [smem:$0x3FB0]  }
0x2e: {  	s3 =	simm.s32 @!p0 $0x1082;
	s9 =	sld [smem:$0x3FB1]  }
0x2f: {  	lr =	sadd.s32 s0, s3;
	s0 =	sld [smem:$0x3FA8]  }
0x30: {  	s3 =	sld [smem:$0x3FAB]  }
0x31: {  	[smem:$0x3FB4] =	sst s10  }
0x32: {  	s10 =	sld [smem:$0x3FB2];
	_ =	sdelay $0x3  }
0x33: {  	p0 =	seq.s32 s10, $0x1;
	s10 =	sld [smem:$0x3FB4];
	_ =	sdelay $0x3  }
0x34: {  	[smem:$0x3FB4] =	sst s10  }
0x35: {  	s10 =	sld [smem:$0x3FB3];
	_ =	sdelay $0x3  }
0x36: {  	p1 =	seq.s32 s10, $0x1;
	s10 =	sld [smem:$0x3FB4];
	_ =	sdelay $0x3  }
0x37: {  	[smem:$0x3FB4] =	sst s10  }
0x38: {  	s10 =	sld [smem:$0x3FB5]  }
0x39: {  	_ = 	snop;
	(pc) =	sbr.ind lr, $3  }
0x3a: {  	_ = 	snop  }
0x3b: {  	_ = 	snop  }
0x3c: {  	p2 =	seq.s32 s10, $0x1;
	s10 =	sld [smem:$0x3FB4]  }
0x3d: {  	_ =	shalt  }
0x3e: {  	_ =	shalt  }
0x3f: {  	_ =	shalt  }
0x40: {  	_ =	shalt  }
0x41: {  	_ =	shalt  }
0x42: {  	_ =	shalt  }
0x43: {  	_ =	shalt  }
0x44: {  	_ =	shalt  }
0x45: {  	_ =	shalt  }
0x46: {  	_ =	shalt  }
0x47: {  	_ =	shalt  }
0x48: {  	_ =	shalt  }
0x49: {  	_ =	shalt  }
0x4a: {  	_ =	shalt  }
0x4b: {  	_ =	shalt  }
0x4c: {  	_ =	shalt  }
0x4d: {  	_ =	shalt  }
0x4e: {  	_ =	shalt  }
0x4f: {  	_ =	shalt  }
0x50: {  	_ =	shalt  }
0x51: {  	_ =	shalt  }
0x52: {  	_ =	shalt  }
0x53: {  	_ =	shalt  }
0x54: {  	_ =	shalt  }
0x55: {  	_ =	shalt  }
0x56: {  	_ =	shalt  }
0x57: {  	_ =	shalt  }
0x58: {  	_ =	shalt  }
0x59: {  	_ =	shalt  }
0x5a: {  	_ =	shalt  }
0x5b: {  	_ =	shalt  }
0x5c: {  	_ =	shalt  }
0x5d: {  	_ =	shalt  }
0x5e: {  	_ =	shalt  }
0x5f: {  	_ =	shalt  }
0x60: {  	_ =	shalt  }
0x61: {  	_ =	shalt  }
0x62: {  	_ =	shalt  }
0x63: {  	_ =	shalt  }
0x64: {  	_ =	shalt  }
0x65: {  	_ =	shalt  }
0x66: {  	_ =	shalt  }
0x67: {  	_ =	shalt  }
0x68: {  	_ =	shalt  }
0x69: {  	_ =	shalt  }
0x6a: {  	_ =	shalt  }
0x6b: {  	_ =	shalt  }
0x6c: {  	_ =	shalt  }
0x6d: {  	_ =	shalt  }
0x6e: {  	_ =	shalt  }
0x6f: {  	_ =	shalt  }
0x70: {  	_ =	shalt  }
0x71: {  	_ =	shalt  }
0x72: {  	_ =	shalt  }
0x73: {  	_ =	shalt  }
0x74: {  	_ =	shalt  }
0x75: {  	_ =	shalt  }
0x76: {  	_ =	shalt  }
0x77: {  	_ =	shalt  }
0x78: {  	_ =	shalt  }
0x79: {  	_ =	shalt  }
0x7a: {  	_ =	shalt  }
0x7b: {  	_ =	shalt  }
0x7c: {  	_ =	shalt  }
0x7d: {  	_ =	shalt  }
0x7e: {  	_ =	shalt  }
0x7f: {  	_ =	shalt  }
0x80: {  	_ =	shalt  }
0x81: {  	_ =	shalt  }
0x82: {  	_ =	shalt  }
0x83: {  	_ =	shalt  }
0x84: {  	_ =	shalt  }
0x85: {  	_ =	shalt  }
0x86: {  	_ =	shalt  }
0x87: {  	_ =	shalt  }
.Lfunc_end0:
.L_simem_size_0:
called_computation.2_lowered:
.L_overlay_start_0:
0x88: {  	s2 =	sld [smem:$0x3FD9]  }
0x89: {  	s3 =	sld [smem:$0x3FFE];
	_ =	sdelay $0x1  }
0x8a: {  	s1 =	srdreg.scid  }
0x8b: {  	s0 =	sand.u32 $0x1, s1  }
0x8c: {  	s16 =	sshll.u32 s0, $0xA;
	s2 =	sadd.s32 s3, s2  }
0x8d: {  	s2 =	sadd.s32 s2, s16  }
0x8e: {  	[smem:$0x3FC0] =	sst s2  }
0x8f: {  	_ = 	snop  }
0x90: {  	(tm) =	ssettm $0x1  }
0x91: {  	s17 =	sld [smem:$0x3FFB];
	_ =	sdelay $0x3  }
0x92: {  	_ =	strace s17  }
0x93: {  	s2 =	sld [smem:$0x3FFC];
	_ =	sdelay $0x3  }
0x94: {  	_ =	strace s2  }
0x95: {  	s2 =	sld [smem:$0x3FFD];
	_ =	sdelay $0x3  }
0x96: {  	_ =	strace s2  }
0x97: {  	_ =	strace $0x8FFFFFFF  }
0x98: {  	s18 =	sld [smem:$0x3FDB];
	_ =	sdelay $0x1  }
0x99: {  	s19 =	simm.s32 $_scs_section_size  }
0x9a: {  	s4 =	simm.s32 $_size__tile_overlayer_lowered;
	s5 =	simm.s32 $_tile_overlayer_lowered  }
0x9b: {  	s22 =	simm.s32 $0x1BFF;
	s21 =	sshll.u32 s5, $0x1;
	s2 =	sadd.s32 s19, s18  }
0x9c: {  	s6 =	simm.s32 $0x0;
	s20 =	sshll.u32 s4, $0x1;
	s4 =	sadd.s32 s21, s2  }
0x9d: {  	[timem:s6], [sflag:s22] =	dma.local [hbm:s4], s20  }
0x9e: {  	_ =	swait.ge [sflag:s22], s20  }
0x9f: {  	s3 =	ssub.s32 $0x0, s20;
	[sflag:s22] =	ssyncset.done $0x0  }
0xa0: {  	[sflag:s22] =	ssyncadd.s32 s3;
	_ =	sdelay $0x1  }
0xa1: {  	s23 =	simm.s32 $0x1B8B  }
0xa2: {  	_ =	swait.ge [sflag:s23], $0x1  }
0xa3: {  	[sflag:s23] =	ssyncset.done $0x0  }
0xa4: {  	s25 =	simm.s32 $0x1B8E;
	s24 =	sld [smem:$0x3FFE];
	[sflag:s23] =	ssyncadd.s32 $0xFFFFFFFF  }
0xa5: {  	s26 =	simm.s32 $execute0_lowered;
	[smem:$0x3FD2] =	sst s25  }
0xa6: {  	s4 =	sshll.u32 s26, $0x1;
	_ =	strace $0x8000004C;
	[dreg:$0x1] =	wrdreg $0xFFFFFFFF  }
0xa7: {  	s28 =	simm.s32 $_size_execute0_lowered;
	s2 =	sadd.s32 s2, s4;
	[dreg:$0x0] =	wrdreg $0x0  }
0xa8: {  	s4 =	sshll.u32 s28, $0x1;
	[dreg:$0x2] =	wrdreg s2  }
0xa9: {  	[dreg:$0x3] =	wrdreg s4  }
0xaa: {  	[dreg:$0x4] =	wrdreg $0xC0  }
0xab: {  	_ =	task [dreg:s6], $0x5FFFF  }
0xac: {  	[dreg:$0x1] =	wrdreg $0xFFFFFFFF  }
0xad: {  	[dreg:$0x0] =	wrdreg $0x60  }
0xae: {  	[dreg:$0x2] =	wrdreg s24  }
0xaf: {  	[dreg:$0x3] =	wrdreg $0x0  }
0xb0: {  	[dreg:$0x4] =	wrdreg $0x9  }
0xb1: {  	_ =	task.clear_ibuf [dreg:s6], $0x5FFFF;
	_ =	strace $0x9000004C  }
0xb2: {  	s29 =	simm.s32 $0x9;
	_ =	strace $0x8000004E  }
0xb3: {  	_ =	swait.ge [sflag:s29], $0x1  }
0xb4: {  	[sflag:s29] =	ssyncadd.s32 $0xFFFFFFFF  }
0xb5: {  	_ =	strace $0x9000004E  }
0xb6: {  	_ =	sfence  }
0xb7: {  	s30 =	sld [smem:$0x0];
	_ =	sdelay $0x2  }
0xb8: {  	s31 =	sshll.u32 s1, $0xD;
	s1 =	sshrl.u32 s1, $0x2  }
0xb9: {  	s3 =	sand.u32 $0x4000, s31;
	s1 =	sadd.s32 s1, s30  }
0xba: {  	s0 =	sor.u32 s3, s0;
	s1 =	sshll.u32 s1, $0x11  }
0xbb: {  	s0 =	sor.u32 s1, s0  }
0xbc: {  	s0 =	sadd.s32 $0x8F2B, s0  }
0xbd: {  	[sflag:s0] =	ssyncadd.remote.s32 $0x1  }
0xbe: {  	_ =	sfence.sel $0xFFFF  }
0xbf: {  	[dreg:$0x0] =	wrdreg $0xFFFFFFFF;
	(pc) =	sbr.abs _section_cstart, $3  }
0xc0: {  	[dreg:$0x1] =	wrdreg $0xFFFFFFFF  }
0xc1: {  	_ =	task.clear_ibuf [dreg:s6], $0x2FFFF;
	_ =	strace $0x9FFFFFFF  }
0xc2: {  	(tm) =	ssettm $0x7FFFFFFF  }
0xc3: {  	_ =	shalt  }
tec
execute0_lowered:
.L_overlay_start_1:
0x0: {  	(tag) =	ssettag $0x1  }
0x1: {  	s1 =	rddreg [dreg:$0x0]  }
0x2: {  	s2 =	rddreg [dreg:$0x1]  }
0x3: {  	s3 =	simm.s32 $0x0;
	s7 =	stileid.u32;
	s5 =	srdreg.scid  }
0x4: {  	[smem:$0x7FF] =	sst s3;
	s0 =	smul.u32 $0x30D4, s7  }
0x5: {  	s6 =	smul.u32 $0x1880, s7;
	s4 =	sadd.s32 $0x63200, s1;
	s5 =	sand.u32 $0x1, s5  }
0x6: {  	s7 =	smul.u32 $0x62000, s7;
	_ =	strace $0x8000004D;
	s8 =	ssub.s32 $0x2, s5  }
0x7: {  	s16 =	smul.u32 $0x18800, s5;
	s0 =	sadd.s32 s0, s1;
	s1 =	sadd.s32 $0xC5200, s1  }
0x8: {  	s13 =	sshrl.u32 s8, $0x1;
	s7 =	sshrl.u32 s7, $0x2;
	s15 =	sadd.s32 $0x310, s6  }
0x9: {  	s18 =	sadd.s32 $0x620, s6;
	s11 =	sadd.s32 $0x930, s6;
	s21 =	sadd.s32 $0xC40, s6  }
0xa: {  	s24 =	sadd.s32 $0x1260, s6;
	s8 =	ssub.s32 s8, s13;
	s5 =	sadd.s32 s7, s2  }
0xb: {  	s14 =	sadd.s32 s16, s6;
	s17 =	sadd.s32 s16, s15;
	s10 =	sadd.s32 s16, s18  }
0xc: {  	s19 =	sadd.s32 s16, s11;
	s20 =	sshll.u32 s11, $0x4;
	s12 =	sadd.s32 s16, s21  }
0xd: {  	s13 =	sadd.s32 $0xF50, s6;
	s11 =	sshll.u32 s21, $0x4;
	s6 =	sadd.s32 $0x1570, s6  }
0xe: {  	s31 =	sadd.s32 $0x32400, s0;
	s0 =	sadd.s32 $0x1600, s0;
	s8 =	smax.u32 s8, $0x1  }
0xf: {  	s7 =	sshll.u32 s14, $0x1;
	s14 =	sshll.u32 s17, $0x1;
	s17 =	sshll.u32 s19, $0x1  }
0x10: {  	s22 =	sadd.s32 s16, s13;
	s11 =	sadd.s32 s11, s2;
	s23 =	sshll.u32 s13, $0x4  }
0x11: {  	s13 =	sshll.u32 s24, $0x4;
	s21 =	sadd.s32 s16, s6;
	s6 =	sshll.u32 s6, $0x4  }
0x12: {  	[dreg:$0x3] =	wrdreg s8;
	s9 =	sadd.s32 s4, s7;
	s8 =	sshll.u32 s15, $0x4  }
0x13: {  	s15 =	sshll.u32 s10, $0x1;
	s10 =	sadd.s32 s20, s2;
	s19 =	sshll.u32 s22, $0x1  }
0x14: {  	s20 =	sadd.s32 s16, s24;
	s13 =	sadd.s32 s13, s2;
	s29 =	sshll.u32 s21, $0x1  }
0x15: {  	s7 =	sadd.s32 s1, s7;
	s25 =	sadd.s32 s4, s14;
	s24 =	sadd.s32 s1, s17  }
0x16: {  	v0 =	vmov s16;
	s30 =	sadd.s32 s6, s2;
	s6 =	simm.s32 $0x1;
	s16 =	simm.s32 $0x1BE50  }
0x17: {  	[dreg:$0x4] =	wrdreg s9;
	s8 =	sadd.s32 s8, s2;
	s9 =	sshll.u32 s18, $0x4  }
0x18: {  	s18 =	sshll.u32 s12, $0x1;
	s12 =	sadd.s32 s23, s2;
	[dreg:$0x5] =	wrdreg s7  }
0x19: {  	s26 =	sshll.u32 s20, $0x1;
	[dreg:$0x6] =	wrdreg s25;
	s20 =	sadd.s32 s1, s14  }
0x1a: {  	s21 =	sadd.s32 s4, s15;
	s22 =	sadd.s32 s1, s15;
	s23 =	sadd.s32 s4, s17  }
0x1b: {  	[dreg:$0xb] =	wrdreg s24;
	s24 =	sadd.s32 s1, s19;
	s28 =	sadd.s32 s1, s29  }
0x1c: {  	s29 =	sadd.s32 s4, s29;
	s7 =	simm.s32 $0x1BE00;
	[dreg:$0x7] =	wrdreg s20  }
0x1d: {  	s14 =	simm.s32 $0x1BEA0;
	s15 =	simm.s32 $0x50;
	[dreg:$0x8] =	wrdreg s21  }
0x1e: {  	s17 =	simm.s32 $0x1B900;
	s9 =	sadd.s32 s9, s2;
	[dreg:$0x9] =	wrdreg s22  }
0x1f: {  	[dreg:$0xa] =	wrdreg s23;
	s25 =	sadd.s32 s4, s18;
	s22 =	sadd.s32 s1, s18  }
0x20: {  	s23 =	sadd.s32 s4, s19;
	s18 =	simm.s32 $0x0;
	[dreg:$0xc] =	wrdreg s25  }
0x21: {  	s25 =	sadd.s32 s4, s26;
	s26 =	sadd.s32 s1, s26;
	s1 =	simm.s32 $0x18800  }
.LBB2_1:
0x22: {  	s19 =	rddreg [dreg:$0x4]  }
0x23: {  	[tilespmem:s1], [sflag:$0x1] =	stream.linear.gather [hbm4b:s19+s3], $0x3100, $0x38;
	[tilespmem:$0x1BEF0] =	vst v63  }
0x24: {  	_ =	swait.ge [sflag:s6], $0x3100  }
0x25: {  	[sflag:s6] =	ssyncset.done $0x0  }
0x26: {  	[sflag:s6] =	ssyncadd.s32 $0xFFFFCF00  }
0x27: {  	[spmem:s5] =	stream.linear.scatter [tilespmem:s1], [sflag:$0x1], $0x3100, $0x38;
	[tilespmem:$0x1BEF0] =	vst v63  }
0x28: {  	_ =	swait.ge [sflag:s6], $0x3100  }
0x29: {  	[sflag:s6] =	ssyncset.done $0x0  }
0x2a: {  	s20 =	rddreg [dreg:$0x6];
	[sflag:s6] =	ssyncadd.s32 $0xFFFFCF00  }
0x2b: {  	[tilespmem:s1], [sflag:$0x1] =	stream.linear.gather [hbm4b:s20+s3], $0x3100, $0x38;
	[tilespmem:$0x1BEF0] =	vst v63  }
0x2c: {  	_ =	swait.ge [sflag:s6], $0x3100  }
0x2d: {  	[sflag:s6] =	ssyncset.done $0x0  }
0x2e: {  	[sflag:s6] =	ssyncadd.s32 $0xFFFFCF00  }
0x2f: {  	[spmem:s8] =	stream.linear.scatter [tilespmem:s1], [sflag:$0x1], $0x3100, $0x38;
	[tilespmem:$0x1BEF0] =	vst v63  }
0x30: {  	_ =	swait.ge [sflag:s6], $0x3100  }
0x31: {  	[sflag:s6] =	ssyncset.done $0x0  }
0x32: {  	s21 =	rddreg [dreg:$0x8];
	[sflag:s6] =	ssyncadd.s32 $0xFFFFCF00  }
0x33: {  	[tilespmem:s1], [sflag:$0x1] =	stream.linear.gather [hbm4b:s21+s3], $0x3100, $0x38;
	[tilespmem:$0x1BEF0] =	vst v63  }
0x34: {  	_ =	swait.ge [sflag:s6], $0x3100  }
0x35: {  	[sflag:s6] =	ssyncset.done $0x0  }
0x36: {  	[sflag:s6] =	ssyncadd.s32 $0xFFFFCF00  }
0x37: {  	[spmem:s9] =	stream.linear.scatter [tilespmem:s1], [sflag:$0x1], $0x3100, $0x38;
	[tilespmem:$0x1BEF0] =	vst v63  }
0x38: {  	_ =	swait.ge [sflag:s6], $0x3100  }
0x39: {  	[sflag:s6] =	ssyncset.done $0x0  }
0x3a: {  	s20 =	rddreg [dreg:$0xa];
	[sflag:s6] =	ssyncadd.s32 $0xFFFFCF00  }
0x3b: {  	[tilespmem:s1], [sflag:$0x1] =	stream.linear.gather [hbm4b:s20+s3], $0x3100, $0x38;
	[tilespmem:$0x1BEF0] =	vst v63  }
0x3c: {  	_ =	swait.ge [sflag:s6], $0x3100  }
0x3d: {  	[sflag:s6] =	ssyncset.done $0x0  }
0x3e: {  	[sflag:s6] =	ssyncadd.s32 $0xFFFFCF00  }
0x3f: {  	[spmem:s10] =	stream.linear.scatter [tilespmem:s1], [sflag:$0x1], $0x3100, $0x38;
	[tilespmem:$0x1BEF0] =	vst v63  }
0x40: {  	_ =	swait.ge [sflag:s6], $0x3100  }
0x41: {  	[sflag:s6] =	ssyncset.done $0x0  }
0x42: {  	s21 =	rddreg [dreg:$0xc];
	[sflag:s6] =	ssyncadd.s32 $0xFFFFCF00  }
0x43: {  	[tilespmem:s1], [sflag:$0x1] =	stream.linear.gather [hbm4b:s21+s3], $0x3100, $0x38;
	[tilespmem:$0x1BEF0] =	vst v63  }
0x44: {  	_ =	swait.ge [sflag:s6], $0x3100  }
0x45: {  	[sflag:s6] =	ssyncset.done $0x0  }
0x46: {  	[sflag:s6] =	ssyncadd.s32 $0xFFFFCF00  }
0x47: {  	[spmem:s11] =	stream.linear.scatter [tilespmem:s1], [sflag:$0x1], $0x3100, $0x38;
	[tilespmem:$0x1BEF0] =	vst v63  }
0x48: {  	_ =	swait.ge [sflag:s6], $0x3100  }
0x49: {  	[sflag:s6] =	ssyncset.done $0x0  }
0x4a: {  	[sflag:s6] =	ssyncadd.s32 $0xFFFFCF00  }
0x4b: {  	[tilespmem:s1], [sflag:$0x1] =	stream.linear.gather [hbm4b:s23+s3], $0x3100, $0x38;
	[tilespmem:$0x1BEF0] =	vst v63  }
0x4c: {  	_ =	swait.ge [sflag:s6], $0x3100  }
0x4d: {  	[sflag:s6] =	ssyncset.done $0x0  }
0x4e: {  	[sflag:s6] =	ssyncadd.s32 $0xFFFFCF00  }
0x4f: {  	[spmem:s12] =	stream.linear.scatter [tilespmem:s1], [sflag:$0x1], $0x3100, $0x38;
	[tilespmem:$0x1BEF0] =	vst v63  }
0x50: {  	_ =	swait.ge [sflag:s6], $0x3100  }
0x51: {  	[sflag:s6] =	ssyncset.done $0x0  }
0x52: {  	[sflag:s6] =	ssyncadd.s32 $0xFFFFCF00  }
0x53: {  	[tilespmem:s1], [sflag:$0x1] =	stream.linear.gather [hbm4b:s25+s3], $0x3100, $0x38;
	[tilespmem:$0x1BEF0] =	vst v63  }
0x54: {  	_ =	swait.ge [sflag:s6], $0x3100  }
0x55: {  	[sflag:s6] =	ssyncset.done $0x0  }
0x56: {  	[sflag:s6] =	ssyncadd.s32 $0xFFFFCF00  }
0x57: {  	[spmem:s13] =	stream.linear.scatter [tilespmem:s1], [sflag:$0x1], $0x3100, $0x38;
	[tilespmem:$0x1BEF0] =	vst v63  }
0x58: {  	_ =	swait.ge [sflag:s6], $0x3100  }
0x59: {  	[sflag:s6] =	ssyncset.done $0x0  }
0x5a: {  	[sflag:s6] =	ssyncadd.s32 $0xFFFFCF00  }
0x5b: {  	[tilespmem:s1], [sflag:$0x1] =	stream.linear.gather [hbm4b:s29+s3], $0x3100, $0x38;
	[tilespmem:$0x1BEF0] =	vst v63  }
0x5c: {  	_ =	swait.ge [sflag:s6], $0x3100  }
0x5d: {  	[sflag:s6] =	ssyncset.done $0x0  }
0x5e: {  	[sflag:s6] =	ssyncadd.s32 $0xFFFFCF00  }
0x5f: {  	[spmem:s30] =	stream.linear.scatter [tilespmem:s1], [sflag:$0x1], $0x3100, $0x38;
	[tilespmem:$0x1BEF0] =	vst v63  }
0x60: {  	_ =	swait.ge [sflag:s6], $0x3100  }
0x61: {  	[sflag:s6] =	ssyncset.done $0x0  }
0x62: {  	[sflag:s6] =	ssyncadd.s32 $0xFFFFCF00  }
0x63: {  	s20 =	sadd.s32 $0x0, s0;
	[bflag:$0x0] =	sbarrier.arrive $0xFFFF  }
0x64: {  	[tilespmem:s7], [sflag:$0x1] =	stream.linear.gather [hbm4b:s20+s3], $0x50, $0x38;
	[tilespmem:$0x1BEF0] =	vst v63  }
0x65: {  	_ =	swait.ge [sflag:s6], $0x50  }
0x66: {  	[sflag:s6] =	ssyncset.done $0x0  }
0x67: {  	s21 =	sadd.s32 $0x0, s31;
	[sflag:s6] =	ssyncadd.s32 $0xFFFFFFB0  }
0x68: {  	[tilespmem:s14], [sflag:$0x1] =	stream.linear.gather [hbm4b:s21+s3], $0x50, $0x38;
	[tilespmem:$0x1BEF0] =	vst v63  }
0x69: {  	_ =	swait.ge [sflag:s6], $0x50  }
0x6a: {  	[sflag:s6] =	ssyncset.done $0x0  }
0x6b: {  	[sflag:s6] =	ssyncadd.s32 $0xFFFFFFB0  }
0x6c: {  	v1 =	vld [tilespmem:$0x1BE40]  }
0x6d: {  	v2 =	vld [tilespmem:$0x1BE20]  }
0x6e: {  	v3 =	vld [tilespmem:$0x1BE30]  }
0x6f: {  	v4 =	vld [tilespmem:$0x1BE10]  }
0x70: {  	v5 =	vld [tilespmem:$0x1BE00]  }
0x71: {  	v1 =	vadd.s32 v0, v1  }
0x72: {  	v2 =	vadd.s32 v0, v2;
	[tilespmem:$0x1BE90] =	vst v1  }
0x73: {  	[tilespmem:$0x1BE70] =	vst v2;
	v1 =	vadd.s32 v0, v3  }
0x74: {  	v2 =	vadd.s32 v0, v4;
	[tilespmem:$0x1BE80] =	vst v1  }
0x75: {  	v1 =	vadd.s32 v0, v5;
	[tilespmem:$0x1BE60] =	vst v2  }
0x76: {  	[tilespmem:$0x1BE50] =	vst v1  }
0x77: {  	[tilespmem:s17], [sflag:$0x1] =	stream.indirect.gather [hbm4b:s4+s15], $0x10, s16, s15, $0xb8;
	[tilespmem:$0x1BEF0] =	vst v63  }
0x78: {  	_ =	swait.ge [sflag:s6], $0x500  }
0x79: {  	s19 =	simm.s32 $0xA;
	[sflag:s6] =	ssyncset.done $0x0  }
.LBB2_2:
0x7a: {  	p0 =	sne.s32 s19, $0x30CA  }
0x7b: {  	[sflag:s6] =	ssyncadd.s32 $0xFFFFFB00;
	s20 =	smov.u32 s19;
	s19 =	sadd.s32 $0xA, s19  }
0x7c: {  	[spmem:s2] =	stream.indirect.scatter.add.f32 [tilespmem:s17], [sflag:$0x1], $0x10, s14, s15, $0xb8;
	[tilespmem:$0x1BEF0] =	vst v63  }
0x7d: {  	_ =	swait.ge [sflag:s6], $0x500  }
0x7e: {  	[sflag:s6] =	ssyncset.done $0x0  }
0x7f: {  	s21 =	sadd.s32 s20, s0;
	[sflag:s6] =	ssyncadd.s32 $0xFFFFFB00  }
0x80: {  	[tilespmem:s7], [sflag:$0x1] =	stream.linear.gather [hbm4b:s21+s3], $0x50, $0x38;
	[tilespmem:$0x1BEF0] =	vst v63  }
0x81: {  	_ =	swait.ge [sflag:s6], $0x50  }
0x82: {  	[sflag:s6] =	ssyncset.done $0x0  }
0x83: {  	s20 =	sadd.s32 s20, s31;
	[sflag:s6] =	ssyncadd.s32 $0xFFFFFFB0  }
0x84: {  	[tilespmem:s14], [sflag:$0x1] =	stream.linear.gather [hbm4b:s20+s3], $0x50, $0x38;
	[tilespmem:$0x1BEF0] =	vst v63  }
0x85: {  	_ =	swait.ge [sflag:s6], $0x50  }
0x86: {  	[sflag:s6] =	ssyncset.done $0x0  }
0x87: {  	[sflag:s6] =	ssyncadd.s32 $0xFFFFFFB0  }
0x88: {  	v1 =	vld [tilespmem:$0x1BE40]  }
0x89: {  	v2 =	vld [tilespmem:$0x1BE20]  }
0x8a: {  	v3 =	vld [tilespmem:$0x1BE30]  }
0x8b: {  	v4 =	vld [tilespmem:$0x1BE10]  }
0x8c: {  	v5 =	vld [tilespmem:$0x1BE00]  }
0x8d: {  	v1 =	vadd.s32 v0, v1  }
0x8e: {  	v2 =	vadd.s32 v0, v2;
	[tilespmem:$0x1BE90] =	vst v1  }
0x8f: {  	[tilespmem:$0x1BE70] =	vst v2;
	v1 =	vadd.s32 v0, v3  }
0x90: {  	v2 =	vadd.s32 v0, v4;
	[tilespmem:$0x1BE80] =	vst v1  }
.Ltmp0:
0x91: {  	v1 =	vadd.s32 v0, v5;
	[tilespmem:$0x1BE60] =	vst v2;
	(pc) =	sbr.rel @p0 .LBB2_2-.Ltmp0, $4  }
0x92: {  	[tilespmem:$0x1BE50] =	vst v1  }
0x93: {  	[tilespmem:s17], [sflag:$0x1] =	stream.indirect.gather [hbm4b:s4+s15], $0x10, s16, s15, $0xb8;
	[tilespmem:$0x1BEF0] =	vst v63  }
0x94: {  	_ =	swait.ge [sflag:s6], $0x500  }
0x95: {  	[sflag:s6] =	ssyncset.done $0x0  }
0x96: {  	[sflag:s6] =	ssyncadd.s32 $0xFFFFFB00  }
0x97: {  	[spmem:s2] =	stream.indirect.scatter.add.f32 [tilespmem:s17], [sflag:$0x1], $0x10, s14, s15, $0xb8;
	[tilespmem:$0x1BEF0] =	vst v63  }
0x98: {  	_ =	swait.ge [sflag:s6], $0x500  }
0x99: {  	[sflag:s6] =	ssyncset.done $0x0  }
0x9a: {  	[sflag:s6] =	ssyncadd.s32 $0xFFFFFB00  }
0x9b: {  	[bflag:$0x0] =	sbarrier.arrive $0xFFFF  }
0x9c: {  	[tilespmem:s1], [sflag:$0x1] =	stream.linear.gather [spmem:s5], $0x3100, $0x38;
	[tilespmem:$0x1BEF0] =	vst v63  }
0x9d: {  	_ =	swait.ge [sflag:s6], $0x3100  }
0x9e: {  	[sflag:s6] =	ssyncset.done $0x0  }
0x9f: {  	s19 =	rddreg [dreg:$0x5];
	[sflag:s6] =	ssyncadd.s32 $0xFFFFCF00  }
0xa0: {  	[hbm4b:s19+s3] =	stream.linear.scatter [tilespmem:s1], [sflag:$0x1], $0x3100, $0x38;
	[tilespmem:$0x1BEF0] =	vst v63  }
0xa1: {  	_ =	swait.ge [sflag:s6], $0x3100  }
0xa2: {  	[sflag:s6] =	ssyncset.done $0x0  }
0xa3: {  	[sflag:s6] =	ssyncadd.s32 $0xFFFFCF00  }
0xa4: {  	[tilespmem:s1], [sflag:$0x1] =	stream.linear.gather [spmem:s8], $0x3100, $0x38;
	[tilespmem:$0x1BEF0] =	vst v63  }
0xa5: {  	_ =	swait.ge [sflag:s6], $0x3100  }
0xa6: {  	[sflag:s6] =	ssyncset.done $0x0  }
0xa7: {  	s20 =	rddreg [dreg:$0x7];
	[sflag:s6] =	ssyncadd.s32 $0xFFFFCF00  }
0xa8: {  	[hbm4b:s20+s3] =	stream.linear.scatter [tilespmem:s1], [sflag:$0x1], $0x3100, $0x38;
	[tilespmem:$0x1BEF0] =	vst v63  }
0xa9: {  	_ =	swait.ge [sflag:s6], $0x3100  }
0xaa: {  	[sflag:s6] =	ssyncset.done $0x0  }
0xab: {  	[sflag:s6] =	ssyncadd.s32 $0xFFFFCF00  }
0xac: {  	[tilespmem:s1], [sflag:$0x1] =	stream.linear.gather [spmem:s9], $0x3100, $0x38;
	[tilespmem:$0x1BEF0] =	vst v63  }
0xad: {  	_ =	swait.ge [sflag:s6], $0x3100  }
0xae: {  	[sflag:s6] =	ssyncset.done $0x0  }
0xaf: {  	s21 =	rddreg [dreg:$0x9];
	[sflag:s6] =	ssyncadd.s32 $0xFFFFCF00  }
0xb0: {  	[hbm4b:s21+s3] =	stream.linear.scatter [tilespmem:s1], [sflag:$0x1], $0x3100, $0x38;
	[tilespmem:$0x1BEF0] =	vst v63  }
0xb1: {  	_ =	swait.ge [sflag:s6], $0x3100  }
0xb2: {  	[sflag:s6] =	ssyncset.done $0x0  }
0xb3: {  	[sflag:s6] =	ssyncadd.s32 $0xFFFFCF00  }
0xb4: {  	[tilespmem:s1], [sflag:$0x1] =	stream.linear.gather [spmem:s10], $0x3100, $0x38;
	[tilespmem:$0x1BEF0] =	vst v63  }
0xb5: {  	_ =	swait.ge [sflag:s6], $0x3100  }
0xb6: {  	[sflag:s6] =	ssyncset.done $0x0  }
0xb7: {  	s20 =	rddreg [dreg:$0xb];
	[sflag:s6] =	ssyncadd.s32 $0xFFFFCF00  }
0xb8: {  	[hbm4b:s20+s3] =	stream.linear.scatter [tilespmem:s1], [sflag:$0x1], $0x3100, $0x38;
	[tilespmem:$0x1BEF0] =	vst v63  }
0xb9: {  	_ =	swait.ge [sflag:s6], $0x3100  }
0xba: {  	[sflag:s6] =	ssyncset.done $0x0  }
0xbb: {  	[sflag:s6] =	ssyncadd.s32 $0xFFFFCF00  }
0xbc: {  	[tilespmem:s1], [sflag:$0x1] =	stream.linear.gather [spmem:s11], $0x3100, $0x38;
	[tilespmem:$0x1BEF0] =	vst v63  }
0xbd: {  	_ =	swait.ge [sflag:s6], $0x3100  }
0xbe: {  	[sflag:s6] =	ssyncset.done $0x0  }
0xbf: {  	[sflag:s6] =	ssyncadd.s32 $0xFFFFCF00  }
0xc0: {  	[hbm4b:s22+s3] =	stream.linear.scatter [tilespmem:s1], [sflag:$0x1], $0x3100, $0x38;
	[tilespmem:$0x1BEF0] =	vst v63  }
0xc1: {  	_ =	swait.ge [sflag:s6], $0x3100  }
0xc2: {  	[sflag:s6] =	ssyncset.done $0x0  }
0xc3: {  	[sflag:s6] =	ssyncadd.s32 $0xFFFFCF00  }
0xc4: {  	[tilespmem:s1], [sflag:$0x1] =	stream.linear.gather [spmem:s12], $0x3100, $0x38;
	[tilespmem:$0x1BEF0] =	vst v63  }
0xc5: {  	_ =	swait.ge [sflag:s6], $0x3100  }
0xc6: {  	[sflag:s6] =	ssyncset.done $0x0  }
0xc7: {  	[sflag:s6] =	ssyncadd.s32 $0xFFFFCF00  }
0xc8: {  	[hbm4b:s24+s3] =	stream.linear.scatter [tilespmem:s1], [sflag:$0x1], $0x3100, $0x38;
	[tilespmem:$0x1BEF0] =	vst v63  }
0xc9: {  	_ =	swait.ge [sflag:s6], $0x3100  }
0xca: {  	[sflag:s6] =	ssyncset.done $0x0  }
0xcb: {  	[sflag:s6] =	ssyncadd.s32 $0xFFFFCF00  }
0xcc: {  	[tilespmem:s1], [sflag:$0x1] =	stream.linear.gather [spmem:s13], $0x3100, $0x38;
	[tilespmem:$0x1BEF0] =	vst v63  }
0xcd: {  	_ =	swait.ge [sflag:s6], $0x3100  }
0xce: {  	[sflag:s6] =	ssyncset.done $0x0  }
0xcf: {  	[sflag:s6] =	ssyncadd.s32 $0xFFFFCF00  }
0xd0: {  	[hbm4b:s26+s3] =	stream.linear.scatter [tilespmem:s1], [sflag:$0x1], $0x3100, $0x38;
	[tilespmem:$0x1BEF0] =	vst v63  }
0xd1: {  	_ =	swait.ge [sflag:s6], $0x3100  }
0xd2: {  	[sflag:s6] =	ssyncset.done $0x0  }
0xd3: {  	[sflag:s6] =	ssyncadd.s32 $0xFFFFCF00  }
0xd4: {  	[tilespmem:s1], [sflag:$0x1] =	stream.linear.gather [spmem:s30], $0x3100, $0x38;
	[tilespmem:$0x1BEF0] =	vst v63  }
0xd5: {  	_ =	swait.ge [sflag:s6], $0x3100  }
0xd6: {  	[sflag:s6] =	ssyncset.done $0x0  }
0xd7: {  	[sflag:s6] =	ssyncadd.s32 $0xFFFFCF00  }
0xd8: {  	[hbm4b:s28+s3] =	stream.linear.scatter [tilespmem:s1], [sflag:$0x1], $0x3100, $0x38;
	[tilespmem:$0x1BEF0] =	vst v63  }
0xd9: {  	_ =	swait.ge [sflag:s6], $0x3100  }
0xda: {  	s18 =	sadd.s32 $0x1, s18;
	s21 =	rddreg [dreg:$0x3]  }
0xdb: {  	p0 =	sne.s32 s18, s21  }
.Ltmp1:
0xdc: {  	_ = 	snop;
	(pc) =	sbr.rel @p0 .LBB2_1-.Ltmp1, $3  }
0xdd: {  	_ =	sdelay $0x1  }
0xde: {  	[sflag:s6] =	ssyncset.done $0x0  }
0xdf: {  	[sflag:s6] =	ssyncadd.s32 $0xFFFFCF00  }
0xe0: {  	_ =	sfence.sel $0x180000  }
0xe1: {  	[bflag:$0x0] =	sbarrier.arrive $0xFFFF  }
0xe2: {  	_ =	strace $0x9000004D  }
0xe3: {  	s0 =	stileid.u32;
	[bflag:$0x2] =	sbarrier.arrive $0xFFFF  }
0xe4: {  	p0 =	sne.s32 s0, $0x0;
	s0 =	rddreg [dreg:$0x2]  }
0xe5: {  	s0 =	sadd.s32 @!p0 $0x100000, s0  }
0xe6: {  	[sflag:s0] =	ssyncadd.tile.s32 @!p0 $0x1;
	_ =	shalt  }
.Lfunc_end2:
_tile_overlayer_lowered:
.L_overlay_start_2:
0xe7: {  	(tag) =	ssettag $0x2  }
0xe8: {  	s0 =	rddreg [dreg:$0x0];
	s2 =	stileid.u32  }
0xe9: {  	s1 =	rddreg [dreg:$0x1];
	p0 =	sne.s32 s2, $0x0  }
0xea: {  	s3 =	rddreg [dreg:$0x2];
	[bflag:$0x3] =	sbarrier.arrive $0xFFFF;
	s2 =	simm.s32 @!p0 $0x1C01  }
0xeb: {  	[timem:s3], [sflag:s2] =	dma.local @!p0 [hbm:s0], s1  }
0xec: {  	s0 =	simm.s32 @!p0 $0x1  }
0xed: {  	_ =	swait.ge @!p0 [sflag:s0], s1  }
0xee: {  	s1 =	ssub.s32 @!p0 $0x0, s1;
	[sflag:s0] =	ssyncset.done @!p0 $0x0  }
0xef: {  	[sflag:s0] =	ssyncadd.s32 @!p0 s1  }
0xf0: {  	[bflag:$0x3] =	sbarrier.arrive $0xFFFF  }
0xf1: {  	_ =	shalt  }

// kernel: kernel.19.cloned.1.call-start
scs
__scs_entry_jumppad:
0x0: {  	(pc) =	sbr.rel $0x88, $3  }
0x1: {  	(tag) =	ssettag $0x0;
	lr =	simm.s32 $0x1  }
0x2: {  	[smem:$0x3F99] =	sst lr;
	_ =	strace $0xD0000000  }
0x3: {  	_ = 	snop  }
0x4: {  	_ = 	snop  }
0x5: {  	_ = 	snop  }
0x6: {  	_ = 	snop  }
0x7: {  	_ = 	snop  }
__scs_overlays_trampoline_lowered:
0x8: {  	[smem:$0x3FA8] =	sst s0  }
0x9: {  	[smem:$0x3FA9] =	sst s1  }
0xa: {  	[smem:$0x3FAA] =	sst s2  }
0xb: {  	[smem:$0x3FAB] =	sst s3  }
0xc: {  	[smem:$0x3FAC] =	sst s4  }
0xd: {  	[smem:$0x3FAD] =	sst s5  }
0xe: {  	[smem:$0x3FAE] =	sst s6  }
0xf: {  	[smem:$0x3FAF] =	sst s7  }
0x10: {  	[smem:$0x3FB0] =	sst s8  }
0x11: {  	[smem:$0x3FB1] =	sst s9;
	s0 =	simm.s32 @!p0 $0x0  }
0x12: {  	s1 =	sld [smem:$0x3F97];
	s0 =	simm.s32 @p0 $0x1  }
0x13: {  	[smem:$0x3FB2] =	sst s0;
	s0 =	simm.s32 @!p1 $0x0  }
0x14: {  	s2 =	sld [smem:$0x3F96];
	s0 =	simm.s32 @p1 $0x1  }
0x15: {  	[smem:$0x3FB3] =	sst s0;
	s0 =	simm.s32 @!p2 $0x0  }
0x16: {  	s3 =	sld [smem:$0x3FDB];
	s0 =	simm.s32 @p2 $0x1  }
0x17: {  	s4 =	simm.s32 $0x1BF5;
	[smem:$0x3FB5] =	sst s0  }
0x18: {  	s0 =	sld [smem:$0x3F98];
	_ =	swait.ge [sflag:s4], $0x0  }
0x19: {  	s7 =	sld [smem:$0x3F99]  }
0x1a: {  	s8 =	sadd.s32 $0xFFFFE003, lr  }
0x1b: {  	s9 =	sadd.s32 $0xFFFFFEF7, lr;
	s5 =	simm.s32 $0xFFFFFFFF;
	p2 =	slt.u32 s8, $0xFFFFF086  }
0x1c: {  	p1 =	slt.u32 s9, $0xF7A;
	s5 =	simm.s32 @!p2 $0x0  }
0x1d: {  	s5 =	simm.s32 @p1 $0x1;
	p0 =	seq.s32 s7, s2  }
0x1e: {  	s7 =	smul.u32 @!p0 $0xF7A, s2;
	p2 =	seq.s32 @!p0 s5, $0x0  }
0x1f: {  	s9 =	smul.u32 $0xF7A, s1;
	s8 =	simm.s32 @!p0 $0x1BF5;
	p2 =	por !p2, p0  }
0x20: {  	[sflag:s8] =	ssyncset.s32 @!p0 $0xFFFFF086;
	s6 =	sadd.s32 @!p0 s3, s7;
	s7 =	simm.s32 @!p0 $0x108  }
0x21: {  	s3 =	sadd.s32 s3, s9;
	s6 =	sadd.s32 @!p0 $0x88, s6;
	s7 =	simm.s32 @p2 $0x1082  }
0x22: {  	[simem:s7], [sflag:s8] =	dma.local @!p0 [hbm:s6], $0xF7A  }
0x23: {  	s9 =	sor.u32 $0xD0000000, s2;
	s6 =	simm.s32 $0x108;
	_ =	swait.ge @!p0 [sflag:s8], $0x0  }
0x24: {  	s3 =	sadd.s32 $0x88, s3;
	s6 =	simm.s32 @!p1 $0x1082;
	[sflag:s4] =	ssyncset.s32 $0xFFFFF086  }
0x25: {  	[simem:s6], [sflag:s4] =	dma.local [hbm:s3], $0xF7A  }
0x26: {  	[smem:$0x3F99] =	sst s1;
	(tag) =	ssettag s2;
	_ =	strace s9  }
0x27: {  	s1 =	sld [smem:$0x3FA9]  }
0x28: {  	s2 =	sld [smem:$0x3FAA]  }
0x29: {  	s4 =	sld [smem:$0x3FAC]  }
0x2a: {  	p0 =	seq.s32 s5, $0x0;
	s5 =	sld [smem:$0x3FAD]  }
0x2b: {  	s6 =	sld [smem:$0x3FAE]  }
0x2c: {  	s7 =	sld [smem:$0x3FAF]  }
0x2d: {  	s3 =	simm.s32 $0x108;
	s8 =	sld [smem:$0x3FB0]  }
0x2e: {  	s3 =	simm.s32 @!p0 $0x1082;
	s9 =	sld [smem:$0x3FB1]  }
0x2f: {  	lr =	sadd.s32 s0, s3;
	s0 =	sld [smem:$0x3FA8]  }
0x30: {  	s3 =	sld [smem:$0x3FAB]  }
0x31: {  	[smem:$0x3FB4] =	sst s10  }
0x32: {  	s10 =	sld [smem:$0x3FB2];
	_ =	sdelay $0x3  }
0x33: {  	p0 =	seq.s32 s10, $0x1;
	s10 =	sld [smem:$0x3FB4];
	_ =	sdelay $0x3  }
0x34: {  	[smem:$0x3FB4] =	sst s10  }
0x35: {  	s10 =	sld [smem:$0x3FB3];
	_ =	sdelay $0x3  }
0x36: {  	p1 =	seq.s32 s10, $0x1;
	s10 =	sld [smem:$0x3FB4];
	_ =	sdelay $0x3  }
0x37: {  	[smem:$0x3FB4] =	sst s10  }
0x38: {  	s10 =	sld [smem:$0x3FB5]  }
0x39: {  	_ = 	snop;
	(pc) =	sbr.ind lr, $3  }
0x3a: {  	_ = 	snop  }
0x3b: {  	_ = 	snop  }
0x3c: {  	p2 =	seq.s32 s10, $0x1;
	s10 =	sld [smem:$0x3FB4]  }
0x3d: {  	_ =	shalt  }
0x3e: {  	_ =	shalt  }
0x3f: {  	_ =	shalt  }
0x40: {  	_ =	shalt  }
0x41: {  	_ =	shalt  }
0x42: {  	_ =	shalt  }
0x43: {  	_ =	shalt  }
0x44: {  	_ =	shalt  }
0x45: {  	_ =	shalt  }
0x46: {  	_ =	shalt  }
0x47: {  	_ =	shalt  }
0x48: {  	_ =	shalt  }
0x49: {  	_ =	shalt  }
0x4a: {  	_ =	shalt  }
0x4b: {  	_ =	shalt  }
0x4c: {  	_ =	shalt  }
0x4d: {  	_ =	shalt  }
0x4e: {  	_ =	shalt  }
0x4f: {  	_ =	shalt  }
0x50: {  	_ =	shalt  }
0x51: {  	_ =	shalt  }
0x52: {  	_ =	shalt  }
0x53: {  	_ =	shalt  }
0x54: {  	_ =	shalt  }
0x55: {  	_ =	shalt  }
0x56: {  	_ =	shalt  }
0x57: {  	_ =	shalt  }
0x58: {  	_ =	shalt  }
0x59: {  	_ =	shalt  }
0x5a: {  	_ =	shalt  }
0x5b: {  	_ =	shalt  }
0x5c: {  	_ =	shalt  }
0x5d: {  	_ =	shalt  }
0x5e: {  	_ =	shalt  }
0x5f: {  	_ =	shalt  }
0x60: {  	_ =	shalt  }
0x61: {  	_ =	shalt  }
0x62: {  	_ =	shalt  }
0x63: {  	_ =	shalt  }
0x64: {  	_ =	shalt  }
0x65: {  	_ =	shalt  }
0x66: {  	_ =	shalt  }
0x67: {  	_ =	shalt  }
0x68: {  	_ =	shalt  }
0x69: {  	_ =	shalt  }
0x6a: {  	_ =	shalt  }
0x6b: {  	_ =	shalt  }
0x6c: {  	_ =	shalt  }
0x6d: {  	_ =	shalt  }
0x6e: {  	_ =	shalt  }
0x6f: {  	_ =	shalt  }
0x70: {  	_ =	shalt  }
0x71: {  	_ =	shalt  }
0x72: {  	_ =	shalt  }
0x73: {  	_ =	shalt  }
0x74: {  	_ =	shalt  }
0x75: {  	_ =	shalt  }
0x76: {  	_ =	shalt  }
0x77: {  	_ =	shalt  }
0x78: {  	_ =	shalt  }
0x79: {  	_ =	shalt  }
0x7a: {  	_ =	shalt  }
0x7b: {  	_ =	shalt  }
0x7c: {  	_ =	shalt  }
0x7d: {  	_ =	shalt  }
0x7e: {  	_ =	shalt  }
0x7f: {  	_ =	shalt  }
0x80: {  	_ =	shalt  }
0x81: {  	_ =	shalt  }
0x82: {  	_ =	shalt  }
0x83: {  	_ =	shalt  }
0x84: {  	_ =	shalt  }
0x85: {  	_ =	shalt  }
0x86: {  	_ =	shalt  }
0x87: {  	_ =	shalt  }
.Lfunc_end0:
.L_simem_size_0:
called_computation.3_lowered:
.L_overlay_start_0:
0x88: {  	s2 =	sld [smem:$0x3FD9]  }
0x89: {  	s3 =	sld [smem:$0x3FFE];
	_ =	sdelay $0x1  }
0x8a: {  	s1 =	srdreg.scid  }
0x8b: {  	s0 =	sand.u32 $0x1, s1  }
0x8c: {  	s16 =	sshll.u32 s0, $0xA;
	s2 =	sadd.s32 s3, s2  }
0x8d: {  	s2 =	sadd.s32 s2, s16  }
0x8e: {  	[smem:$0x3FC0] =	sst s2  }
0x8f: {  	_ = 	snop  }
0x90: {  	(tm) =	ssettm $0x1  }
0x91: {  	s17 =	sld [smem:$0x3FFB];
	_ =	sdelay $0x3  }
0x92: {  	_ =	strace s17  }
0x93: {  	s2 =	sld [smem:$0x3FFC];
	_ =	sdelay $0x3  }
0x94: {  	_ =	strace s2  }
0x95: {  	s2 =	sld [smem:$0x3FFD];
	_ =	sdelay $0x3  }
0x96: {  	_ =	strace s2  }
0x97: {  	_ =	strace $0x8FFFFFFF  }
0x98: {  	s18 =	sld [smem:$0x3FDB];
	_ =	sdelay $0x1  }
0x99: {  	s19 =	simm.s32 $_scs_section_size  }
0x9a: {  	s4 =	simm.s32 $_size__tile_overlayer_lowered;
	s5 =	simm.s32 $_tile_overlayer_lowered  }
0x9b: {  	s22 =	simm.s32 $0x1BFF;
	s21 =	sshll.u32 s5, $0x1;
	s2 =	sadd.s32 s19, s18  }
0x9c: {  	s6 =	simm.s32 $0x0;
	s20 =	sshll.u32 s4, $0x1;
	s4 =	sadd.s32 s21, s2  }
0x9d: {  	[timem:s6], [sflag:s22] =	dma.local [hbm:s4], s20  }
0x9e: {  	_ =	swait.ge [sflag:s22], s20  }
0x9f: {  	s3 =	ssub.s32 $0x0, s20;
	[sflag:s22] =	ssyncset.done $0x0  }
0xa0: {  	[sflag:s22] =	ssyncadd.s32 s3;
	_ =	sdelay $0x1  }
0xa1: {  	s23 =	simm.s32 $0x1B8B  }
0xa2: {  	_ =	swait.ge [sflag:s23], $0x1  }
0xa3: {  	[sflag:s23] =	ssyncset.done $0x0  }
0xa4: {  	s25 =	simm.s32 $0x1B8E;
	s24 =	sld [smem:$0x3FFE];
	[sflag:s23] =	ssyncadd.s32 $0xFFFFFFFF  }
0xa5: {  	s26 =	simm.s32 $execute0_lowered;
	[smem:$0x3FD2] =	sst s25  }
0xa6: {  	s4 =	sshll.u32 s26, $0x1;
	_ =	strace $0x8000004F;
	[dreg:$0x1] =	wrdreg $0xFFFFFFFF  }
0xa7: {  	s28 =	simm.s32 $_size_execute0_lowered;
	s2 =	sadd.s32 s2, s4;
	[dreg:$0x0] =	wrdreg $0x0  }
0xa8: {  	s4 =	sshll.u32 s28, $0x1;
	[dreg:$0x2] =	wrdreg s2  }
0xa9: {  	[dreg:$0x3] =	wrdreg s4  }
0xaa: {  	[dreg:$0x4] =	wrdreg $0xC0  }
0xab: {  	_ =	task [dreg:s6], $0x5FFFF  }
0xac: {  	[dreg:$0x1] =	wrdreg $0xFFFFFFFF  }
0xad: {  	[dreg:$0x0] =	wrdreg $0x60  }
0xae: {  	[dreg:$0x2] =	wrdreg s24  }
0xaf: {  	[dreg:$0x3] =	wrdreg $0x0  }
0xb0: {  	[dreg:$0x4] =	wrdreg $0x9  }
0xb1: {  	_ =	task.clear_ibuf [dreg:s6], $0x5FFFF;
	_ =	strace $0x9000004F  }
0xb2: {  	s29 =	simm.s32 $0x9;
	_ =	strace $0x80000051  }
0xb3: {  	_ =	swait.ge [sflag:s29], $0x1  }
0xb4: {  	[sflag:s29] =	ssyncadd.s32 $0xFFFFFFFF  }
0xb5: {  	_ =	strace $0x90000051  }
0xb6: {  	_ =	sfence  }
0xb7: {  	s30 =	sld [smem:$0x0];
	_ =	sdelay $0x2  }
0xb8: {  	s31 =	sshll.u32 s1, $0xD;
	s1 =	sshrl.u32 s1, $0x2  }
0xb9: {  	s3 =	sand.u32 $0x4000, s31;
	s1 =	sadd.s32 s1, s30  }
0xba: {  	s0 =	sor.u32 s3, s0;
	s1 =	sshll.u32 s1, $0x11  }
0xbb: {  	s0 =	sor.u32 s1, s0  }
0xbc: {  	s0 =	sadd.s32 $0x8F2B, s0  }
0xbd: {  	[sflag:s0] =	ssyncadd.remote.s32 $0x1  }
0xbe: {  	_ =	sfence.sel $0xFFFF  }
0xbf: {  	[dreg:$0x0] =	wrdreg $0xFFFFFFFF;
	(pc) =	sbr.abs _section_cstart, $3  }
0xc0: {  	[dreg:$0x1] =	wrdreg $0xFFFFFFFF  }
0xc1: {  	_ =	task.clear_ibuf [dreg:s6], $0x2FFFF;
	_ =	strace $0x9FFFFFFF  }
0xc2: {  	(tm) =	ssettm $0x7FFFFFFF  }
0xc3: {  	_ =	shalt  }
tec
execute0_lowered:
.L_overlay_start_1:
0x0: {  	(tag) =	ssettag $0x1  }
0x1: {  	s0 =	rddreg [dreg:$0x0]  }
0x2: {  	s1 =	rddreg [dreg:$0x1]  }
0x3: {  	s2 =	srdreg.scid;
	s3 =	simm.s32 $0x0;
	s10 =	stileid.u32  }
0x4: {  	s2 =	sand.u32 $0x1, s2;
	s6 =	smul.u32 $0xC350, s10;
	s4 =	sadd.s32 $0x1EB200, s0  }
0x5: {  	[smem:$0x7FF] =	sst s3;
	s7 =	sadd.s32 $0x203A00, s0;
	s9 =	smul.u32 $0x31000, s10  }
0x6: {  	s5 =	smul.u32 $0xC3500, s2;
	_ =	strace $0x80000050;
	s8 =	ssub.s32 $0x2, s2  }
0x7: {  	s13 =	smul.u32 $0x18800, s2;
	p0 =	seq.s32 s2, $0x1;
	s14 =	sshrl.u32 s8, $0x1  }
0x8: {  	s26 =	smov.u32 s4;
	s5 =	sadd.s32 s6, s5;
	s15 =	ssub.s32 s8, s14  }
0x9: {  	s16 =	sshrl.u32 s9, $0x2;
	s5 =	sshrl.u32 s5, $0x3;
	s17 =	smax.u32 s15, $0x1  }
0xa: {  	s11 =	sadd.s32 s5, s0;
	s0 =	sadd.s32 s13, s0;
	s13 =	smul.u32 $0x1880, s10  }
0xb: {  	s26 =	smov.u32 @p0 s7;
	s5 =	sadd.s32 s16, s1;
	[dreg:$0x3] =	wrdreg s17  }
0xc: {  	s0 =	sadd.s32 $0x21C200, s0;
	s31 =	sadd.s32 $0x32400, s11;
	s2 =	sadd.s32 $0x310, s13  }
0xd: {  	s6 =	sadd.s32 $0x620, s13;
	s9 =	sadd.s32 $0x930, s13;
	s15 =	sadd.s32 $0xC40, s13  }
0xe: {  	s16 =	sadd.s32 $0xF50, s13;
	s17 =	sadd.s32 $0x1260, s13;
	s10 =	sadd.s32 s13, s0  }
0xf: {  	s28 =	sadd.s32 $0x1570, s13;
	s7 =	sadd.s32 s26, s13;
	[dreg:$0x4] =	wrdreg s10  }
0x10: {  	s18 =	sshll.u32 s2, $0x3;
	s12 =	sadd.s32 s2, s0;
	[dreg:$0xc] =	wrdreg s7  }
0x11: {  	s19 =	sshll.u32 s6, $0x3;
	s14 =	sadd.s32 s6, s0;
	[dreg:$0x5] =	wrdreg s12  }
0x12: {  	s20 =	sshll.u32 s9, $0x3;
	s22 =	sadd.s32 s9, s0;
	[dreg:$0x6] =	wrdreg s14  }
0x13: {  	s21 =	sshll.u32 s15, $0x3;
	s23 =	sadd.s32 s15, s0;
	[dreg:$0x7] =	wrdreg s22  }
0x14: {  	s24 =	sadd.s32 s16, s0;
	s25 =	sadd.s32 s17, s0;
	[dreg:$0x8] =	wrdreg s23  }
0x15: {  	s0 =	sadd.s32 s28, s0;
	s13 =	sadd.s32 s26, s2;
	[dreg:$0x9] =	wrdreg s24  }
0x16: {  	s2 =	simm.s32 $0xC400;
	s7 =	simm.s32 $0xDF00;
	[dreg:$0xa] =	wrdreg s25  }
0x17: {  	s8 =	sadd.s32 s18, s1;
	s10 =	sadd.s32 s19, s1;
	[dreg:$0xb] =	wrdreg s0  }
0x18: {  	s12 =	sadd.s32 s20, s1;
	s14 =	sadd.s32 s21, s1;
	[dreg:$0xd] =	wrdreg s13  }
0x19: {  	s21 =	sadd.s32 s26, s6;
	s22 =	sadd.s32 s26, s9;
	s23 =	sadd.s32 s26, s15  }
0x1a: {  	s18 =	sshll.u32 s16, $0x3;
	s24 =	sadd.s32 s26, s16;
	s19 =	sshll.u32 s17, $0x3  }
0x1b: {  	s25 =	sadd.s32 s26, s17;
	s26 =	sadd.s32 s26, s28;
	s20 =	sshll.u32 s28, $0x3  }
0x1c: {  	s0 =	sadd.s32 $0x1600, s11;
	s6 =	simm.s32 $0x1;
	s9 =	simm.s32 $0xDF50  }
0x1d: {  	s11 =	simm.s32 $0x50;
	s13 =	simm.s32 $0xDC80;
	s15 =	simm.s32 $0x0  }
0x1e: {  	s28 =	sadd.s32 s18, s1;
	s29 =	sadd.s32 s19, s1;
	s30 =	sadd.s32 s20, s1  }
.LBB2_1:
0x1f: {  	s16 =	rddreg [dreg:$0xc]  }
0x20: {  	[tilespmem:s2], [sflag:$0x1] =	stream.linear.gather [hbm4b:s16+s3], $0x1880, $0x38;
	[tilespmem:$0xDFA0] =	vst v63  }
0x21: {  	_ =	swait.ge [sflag:s6], $0x1880  }
0x22: {  	[sflag:s6] =	ssyncset.done $0x0  }
0x23: {  	[sflag:s6] =	ssyncadd.s32 $0xFFFFE780  }
0x24: {  	[spmem:s5] =	stream.linear.scatter [tilespmem:s2], [sflag:$0x1], $0x1880, $0x38;
	[tilespmem:$0xDFA0] =	vst v63  }
0x25: {  	_ =	swait.ge [sflag:s6], $0x1880  }
0x26: {  	[sflag:s6] =	ssyncset.done $0x0  }
0x27: {  	s18 =	rddreg [dreg:$0xd];
	[sflag:s6] =	ssyncadd.s32 $0xFFFFE780  }
0x28: {  	[tilespmem:s2], [sflag:$0x1] =	stream.linear.gather [hbm4b:s18+s3], $0x1880, $0x38;
	[tilespmem:$0xDFA0] =	vst v63  }
0x29: {  	_ =	swait.ge [sflag:s6], $0x1880  }
0x2a: {  	[sflag:s6] =	ssyncset.done $0x0  }
0x2b: {  	[sflag:s6] =	ssyncadd.s32 $0xFFFFE780  }
0x2c: {  	[spmem:s8] =	stream.linear.scatter [tilespmem:s2], [sflag:$0x1], $0x1880, $0x38;
	[tilespmem:$0xDFA0] =	vst v63  }
0x2d: {  	_ =	swait.ge [sflag:s6], $0x1880  }
0x2e: {  	[sflag:s6] =	ssyncset.done $0x0  }
0x2f: {  	[sflag:s6] =	ssyncadd.s32 $0xFFFFE780  }
0x30: {  	[tilespmem:s2], [sflag:$0x1] =	stream.linear.gather [hbm4b:s21+s3], $0x1880, $0x38;
	[tilespmem:$0xDFA0] =	vst v63  }
0x31: {  	_ =	swait.ge [sflag:s6], $0x1880  }
0x32: {  	[sflag:s6] =	ssyncset.done $0x0  }
0x33: {  	[sflag:s6] =	ssyncadd.s32 $0xFFFFE780  }
0x34: {  	[spmem:s10] =	stream.linear.scatter [tilespmem:s2], [sflag:$0x1], $0x1880, $0x38;
	[tilespmem:$0xDFA0] =	vst v63  }
0x35: {  	_ =	swait.ge [sflag:s6], $0x1880  }
0x36: {  	[sflag:s6] =	ssyncset.done $0x0  }
0x37: {  	[sflag:s6] =	ssyncadd.s32 $0xFFFFE780  }
0x38: {  	[tilespmem:s2], [sflag:$0x1] =	stream.linear.gather [hbm4b:s22+s3], $0x1880, $0x38;
	[tilespmem:$0xDFA0] =	vst v63  }
0x39: {  	_ =	swait.ge [sflag:s6], $0x1880  }
0x3a: {  	[sflag:s6] =	ssyncset.done $0x0  }
0x3b: {  	[sflag:s6] =	ssyncadd.s32 $0xFFFFE780  }
0x3c: {  	[spmem:s12] =	stream.linear.scatter [tilespmem:s2], [sflag:$0x1], $0x1880, $0x38;
	[tilespmem:$0xDFA0] =	vst v63  }
0x3d: {  	_ =	swait.ge [sflag:s6], $0x1880  }
0x3e: {  	[sflag:s6] =	ssyncset.done $0x0  }
0x3f: {  	[sflag:s6] =	ssyncadd.s32 $0xFFFFE780  }
0x40: {  	[tilespmem:s2], [sflag:$0x1] =	stream.linear.gather [hbm4b:s23+s3], $0x1880, $0x38;
	[tilespmem:$0xDFA0] =	vst v63  }
0x41: {  	_ =	swait.ge [sflag:s6], $0x1880  }
0x42: {  	[sflag:s6] =	ssyncset.done $0x0  }
0x43: {  	[sflag:s6] =	ssyncadd.s32 $0xFFFFE780  }
0x44: {  	[spmem:s14] =	stream.linear.scatter [tilespmem:s2], [sflag:$0x1], $0x1880, $0x38;
	[tilespmem:$0xDFA0] =	vst v63  }
0x45: {  	_ =	swait.ge [sflag:s6], $0x1880  }
0x46: {  	[sflag:s6] =	ssyncset.done $0x0  }
0x47: {  	[sflag:s6] =	ssyncadd.s32 $0xFFFFE780  }
0x48: {  	[tilespmem:s2], [sflag:$0x1] =	stream.linear.gather [hbm4b:s24+s3], $0x1880, $0x38;
	[tilespmem:$0xDFA0] =	vst v63  }
0x49: {  	_ =	swait.ge [sflag:s6], $0x1880  }
0x4a: {  	[sflag:s6] =	ssyncset.done $0x0  }
0x4b: {  	[sflag:s6] =	ssyncadd.s32 $0xFFFFE780  }
0x4c: {  	[spmem:s28] =	stream.linear.scatter [tilespmem:s2], [sflag:$0x1], $0x1880, $0x38;
	[tilespmem:$0xDFA0] =	vst v63  }
0x4d: {  	_ =	swait.ge [sflag:s6], $0x1880  }
0x4e: {  	[sflag:s6] =	ssyncset.done $0x0  }
0x4f: {  	[sflag:s6] =	ssyncadd.s32 $0xFFFFE780  }
0x50: {  	[tilespmem:s2], [sflag:$0x1] =	stream.linear.gather [hbm4b:s25+s3], $0x1880, $0x38;
	[tilespmem:$0xDFA0] =	vst v63  }
0x51: {  	_ =	swait.ge [sflag:s6], $0x1880  }
0x52: {  	[sflag:s6] =	ssyncset.done $0x0  }
0x53: {  	[sflag:s6] =	ssyncadd.s32 $0xFFFFE780  }
0x54: {  	[spmem:s29] =	stream.linear.scatter [tilespmem:s2], [sflag:$0x1], $0x1880, $0x38;
	[tilespmem:$0xDFA0] =	vst v63  }
0x55: {  	_ =	swait.ge [sflag:s6], $0x1880  }
0x56: {  	[sflag:s6] =	ssyncset.done $0x0  }
0x57: {  	[sflag:s6] =	ssyncadd.s32 $0xFFFFE780  }
0x58: {  	[tilespmem:s2], [sflag:$0x1] =	stream.linear.gather [hbm4b:s26+s3], $0x1880, $0x38;
	[tilespmem:$0xDFA0] =	vst v63  }
0x59: {  	_ =	swait.ge [sflag:s6], $0x1880  }
0x5a: {  	[sflag:s6] =	ssyncset.done $0x0  }
0x5b: {  	[sflag:s6] =	ssyncadd.s32 $0xFFFFE780  }
0x5c: {  	[spmem:s30] =	stream.linear.scatter [tilespmem:s2], [sflag:$0x1], $0x1880, $0x38;
	[tilespmem:$0xDFA0] =	vst v63  }
0x5d: {  	_ =	swait.ge [sflag:s6], $0x1880  }
0x5e: {  	[sflag:s6] =	ssyncset.done $0x0  }
0x5f: {  	[sflag:s6] =	ssyncadd.s32 $0xFFFFE780  }
0x60: {  	s19 =	sadd.s32 $0x0, s0;
	[bflag:$0x0] =	sbarrier.arrive $0xFFFF  }
0x61: {  	[tilespmem:s7], [sflag:$0x1] =	stream.linear.gather [hbm4b:s19+s3], $0x50, $0x38;
	[tilespmem:$0xDFA0] =	vst v63  }
0x62: {  	_ =	swait.ge [sflag:s6], $0x50  }
0x63: {  	[sflag:s6] =	ssyncset.done $0x0  }
0x64: {  	s20 =	sadd.s32 $0x0, s31;
	[sflag:s6] =	ssyncadd.s32 $0xFFFFFFB0  }
0x65: {  	[tilespmem:s9], [sflag:$0x1] =	stream.linear.gather [hbm4b:s20+s3], $0x50, $0x38;
	[tilespmem:$0xDFA0] =	vst v63  }
0x66: {  	_ =	swait.ge [sflag:s6], $0x50  }
0x67: {  	[sflag:s6] =	ssyncset.done $0x0  }
0x68: {  	[sflag:s6] =	ssyncadd.s32 $0xFFFFFFB0  }
0x69: {  	[tilespmem:s13], [sflag:$0x1] =	stream.indirect.gather [hbm4b:s4+s11], $0x8, s7, s11, $0xb8;
	[tilespmem:$0xDFA0] =	vst v63  }
0x6a: {  	_ =	swait.ge [sflag:s6], $0x280  }
0x6b: {  	[sflag:s6] =	ssyncset.done $0x0  }
0x6c: {  	[sflag:s6] =	ssyncadd.s32 $0xFFFFFD80  }
0x6d: {  	[spmem:s1] =	stream.indirect.scatter.add.f32 [tilespmem:s13], [sflag:$0x1], $0x8, s9, s11, $0xb8;
	[tilespmem:$0xDFA0] =	vst v63  }
0x6e: {  	_ =	swait.ge [sflag:s6], $0x280  }
0x6f: {  	s17 =	simm.s32 $0x14;
	s16 =	simm.s32 $0xA;
	[sflag:s6] =	ssyncset.done $0x0  }
.LBB2_2:
0x70: {  	s18 =	sadd.s32 s16, s0  }
0x71: {  	[sflag:s6] =	ssyncadd.s32 $0xFFFFFD80;
	s19 =	smov.u32 s17;
	s20 =	sadd.s32 $0xA, s17  }
0x72: {  	[tilespmem:s7], [sflag:$0x1] =	stream.linear.gather [hbm4b:s18+s3], $0x50, $0x38;
	[tilespmem:$0xDFA0] =	vst v63  }
0x73: {  	p0 =	sne.s32 s17, $0x1860;
	_ =	swait.ge [sflag:s6], $0x50  }
0x74: {  	[sflag:s6] =	ssyncset.done $0x0  }
0x75: {  	s17 =	sadd.s32 s16, s31;
	s16 =	smov.u32 s19;
	[sflag:s6] =	ssyncadd.s32 $0xFFFFFFB0  }
0x76: {  	[tilespmem:s9], [sflag:$0x1] =	stream.linear.gather [hbm4b:s17+s3], $0x50, $0x38;
	[tilespmem:$0xDFA0] =	vst v63  }
0x77: {  	_ =	swait.ge [sflag:s6], $0x50  }
0x78: {  	[sflag:s6] =	ssyncset.done $0x0  }
0x79: {  	[sflag:s6] =	ssyncadd.s32 $0xFFFFFFB0  }
0x7a: {  	[tilespmem:s13], [sflag:$0x1] =	stream.indirect.gather [hbm4b:s4+s11], $0x8, s7, s11, $0xb8;
	[tilespmem:$0xDFA0] =	vst v63  }
0x7b: {  	_ =	swait.ge [sflag:s6], $0x280  }
.Ltmp0:
0x7c: {  	[sflag:s6] =	ssyncset.done $0x0;
	(pc) =	sbr.rel @p0 .LBB2_2-.Ltmp0, $4  }
0x7d: {  	[sflag:s6] =	ssyncadd.s32 $0xFFFFFD80  }
0x7e: {  	[spmem:s1] =	stream.indirect.scatter.add.f32 [tilespmem:s13], [sflag:$0x1], $0x8, s9, s11, $0xb8;
	[tilespmem:$0xDFA0] =	vst v63  }
0x7f: {  	_ =	swait.ge [sflag:s6], $0x280  }
0x80: {  	s17 =	smov.u32 s20;
	[sflag:s6] =	ssyncset.done $0x0  }
0x81: {  	s17 =	sadd.s32 s16, s0;
	[sflag:s6] =	ssyncadd.s32 $0xFFFFFD80  }
0x82: {  	[tilespmem:s7], [sflag:$0x1] =	stream.linear.gather [hbm4b:s17+s3], $0x50, $0x38;
	[tilespmem:$0xDFA0] =	vst v63  }
0x83: {  	_ =	swait.ge [sflag:s6], $0x50  }
0x84: {  	[sflag:s6] =	ssyncset.done $0x0  }
0x85: {  	s19 =	sadd.s32 s16, s31;
	[sflag:s6] =	ssyncadd.s32 $0xFFFFFFB0  }
0x86: {  	[tilespmem:s9], [sflag:$0x1] =	stream.linear.gather [hbm4b:s19+s3], $0x50, $0x38;
	[tilespmem:$0xDFA0] =	vst v63  }
0x87: {  	_ =	swait.ge [sflag:s6], $0x50  }
0x88: {  	[sflag:s6] =	ssyncset.done $0x0  }
0x89: {  	[sflag:s6] =	ssyncadd.s32 $0xFFFFFFB0  }
0x8a: {  	[tilespmem:s13], [sflag:$0x1] =	stream.indirect.gather [hbm4b:s4+s11], $0x8, s7, s11, $0xb8;
	[tilespmem:$0xDFA0] =	vst v63  }
0x8b: {  	_ =	swait.ge [sflag:s6], $0x280  }
0x8c: {  	[sflag:s6] =	ssyncset.done $0x0  }
0x8d: {  	[sflag:s6] =	ssyncadd.s32 $0xFFFFFD80  }
0x8e: {  	[spmem:s1] =	stream.indirect.scatter.add.f32 [tilespmem:s13], [sflag:$0x1], $0x8, s9, s11, $0xb8;
	[tilespmem:$0xDFA0] =	vst v63  }
0x8f: {  	_ =	swait.ge [sflag:s6], $0x280  }
0x90: {  	[sflag:s6] =	ssyncset.done $0x0  }
0x91: {  	[sflag:s6] =	ssyncadd.s32 $0xFFFFFD80  }
0x92: {  	[bflag:$0x0] =	sbarrier.arrive $0xFFFF  }
0x93: {  	[tilespmem:s2], [sflag:$0x1] =	stream.linear.gather [spmem:s5], $0x1880, $0x38;
	[tilespmem:$0xDFA0] =	vst v63  }
0x94: {  	_ =	swait.ge [sflag:s6], $0x1880  }
0x95: {  	[sflag:s6] =	ssyncset.done $0x0  }
0x96: {  	s20 =	rddreg [dreg:$0x4];
	[sflag:s6] =	ssyncadd.s32 $0xFFFFE780  }
0x97: {  	[hbm4b:s20+s3] =	stream.linear.scatter [tilespmem:s2], [sflag:$0x1], $0x1880, $0x38;
	[tilespmem:$0xDFA0] =	vst v63  }
0x98: {  	_ =	swait.ge [sflag:s6], $0x1880  }
0x99: {  	[sflag:s6] =	ssyncset.done $0x0  }
0x9a: {  	[sflag:s6] =	ssyncadd.s32 $0xFFFFE780  }
0x9b: {  	[tilespmem:s2], [sflag:$0x1] =	stream.linear.gather [spmem:s8], $0x1880, $0x38;
	[tilespmem:$0xDFA0] =	vst v63  }
0x9c: {  	_ =	swait.ge [sflag:s6], $0x1880  }
0x9d: {  	[sflag:s6] =	ssyncset.done $0x0  }
0x9e: {  	s17 =	rddreg [dreg:$0x5];
	[sflag:s6] =	ssyncadd.s32 $0xFFFFE780  }
0x9f: {  	[hbm4b:s17+s3] =	stream.linear.scatter [tilespmem:s2], [sflag:$0x1], $0x1880, $0x38;
	[tilespmem:$0xDFA0] =	vst v63  }
0xa0: {  	_ =	swait.ge [sflag:s6], $0x1880  }
0xa1: {  	[sflag:s6] =	ssyncset.done $0x0  }
0xa2: {  	[sflag:s6] =	ssyncadd.s32 $0xFFFFE780  }
0xa3: {  	[tilespmem:s2], [sflag:$0x1] =	stream.linear.gather [spmem:s10], $0x1880, $0x38;
	[tilespmem:$0xDFA0] =	vst v63  }
0xa4: {  	_ =	swait.ge [sflag:s6], $0x1880  }
0xa5: {  	[sflag:s6] =	ssyncset.done $0x0  }
0xa6: {  	s18 =	rddreg [dreg:$0x6];
	[sflag:s6] =	ssyncadd.s32 $0xFFFFE780  }
0xa7: {  	[hbm4b:s18+s3] =	stream.linear.scatter [tilespmem:s2], [sflag:$0x1], $0x1880, $0x38;
	[tilespmem:$0xDFA0] =	vst v63  }
0xa8: {  	_ =	swait.ge [sflag:s6], $0x1880  }
0xa9: {  	[sflag:s6] =	ssyncset.done $0x0  }
0xaa: {  	[sflag:s6] =	ssyncadd.s32 $0xFFFFE780  }
0xab: {  	[tilespmem:s2], [sflag:$0x1] =	stream.linear.gather [spmem:s12], $0x1880, $0x38;
	[tilespmem:$0xDFA0] =	vst v63  }
0xac: {  	_ =	swait.ge [sflag:s6], $0x1880  }
0xad: {  	[sflag:s6] =	ssyncset.done $0x0  }
0xae: {  	s19 =	rddreg [dreg:$0x7];
	[sflag:s6] =	ssyncadd.s32 $0xFFFFE780  }
0xaf: {  	[hbm4b:s19+s3] =	stream.linear.scatter [tilespmem:s2], [sflag:$0x1], $0x1880, $0x38;
	[tilespmem:$0xDFA0] =	vst v63  }
0xb0: {  	_ =	swait.ge [sflag:s6], $0x1880  }
0xb1: {  	[sflag:s6] =	ssyncset.done $0x0  }
0xb2: {  	[sflag:s6] =	ssyncadd.s32 $0xFFFFE780  }
0xb3: {  	[tilespmem:s2], [sflag:$0x1] =	stream.linear.gather [spmem:s14], $0x1880, $0x38;
	[tilespmem:$0xDFA0] =	vst v63  }
0xb4: {  	_ =	swait.ge [sflag:s6], $0x1880  }
0xb5: {  	[sflag:s6] =	ssyncset.done $0x0  }
0xb6: {  	s20 =	rddreg [dreg:$0x8];
	[sflag:s6] =	ssyncadd.s32 $0xFFFFE780  }
0xb7: {  	[hbm4b:s20+s3] =	stream.linear.scatter [tilespmem:s2], [sflag:$0x1], $0x1880, $0x38;
	[tilespmem:$0xDFA0] =	vst v63  }
0xb8: {  	_ =	swait.ge [sflag:s6], $0x1880  }
0xb9: {  	[sflag:s6] =	ssyncset.done $0x0  }
0xba: {  	[sflag:s6] =	ssyncadd.s32 $0xFFFFE780  }
0xbb: {  	[tilespmem:s2], [sflag:$0x1] =	stream.linear.gather [spmem:s28], $0x1880, $0x38;
	[tilespmem:$0xDFA0] =	vst v63  }
0xbc: {  	_ =	swait.ge [sflag:s6], $0x1880  }
0xbd: {  	[sflag:s6] =	ssyncset.done $0x0  }
0xbe: {  	s17 =	rddreg [dreg:$0x9];
	[sflag:s6] =	ssyncadd.s32 $0xFFFFE780  }
0xbf: {  	[hbm4b:s17+s3] =	stream.linear.scatter [tilespmem:s2], [sflag:$0x1], $0x1880, $0x38;
	[tilespmem:$0xDFA0] =	vst v63  }
0xc0: {  	_ =	swait.ge [sflag:s6], $0x1880  }
0xc1: {  	[sflag:s6] =	ssyncset.done $0x0  }
0xc2: {  	[sflag:s6] =	ssyncadd.s32 $0xFFFFE780  }
0xc3: {  	[tilespmem:s2], [sflag:$0x1] =	stream.linear.gather [spmem:s29], $0x1880, $0x38;
	[tilespmem:$0xDFA0] =	vst v63  }
0xc4: {  	_ =	swait.ge [sflag:s6], $0x1880  }
0xc5: {  	[sflag:s6] =	ssyncset.done $0x0  }
0xc6: {  	s18 =	rddreg [dreg:$0xa];
	[sflag:s6] =	ssyncadd.s32 $0xFFFFE780  }
0xc7: {  	[hbm4b:s18+s3] =	stream.linear.scatter [tilespmem:s2], [sflag:$0x1], $0x1880, $0x38;
	[tilespmem:$0xDFA0] =	vst v63  }
0xc8: {  	_ =	swait.ge [sflag:s6], $0x1880  }
0xc9: {  	[sflag:s6] =	ssyncset.done $0x0  }
0xca: {  	[sflag:s6] =	ssyncadd.s32 $0xFFFFE780  }
0xcb: {  	[tilespmem:s2], [sflag:$0x1] =	stream.linear.gather [spmem:s30], $0x1880, $0x38;
	[tilespmem:$0xDFA0] =	vst v63  }
0xcc: {  	_ =	swait.ge [sflag:s6], $0x1880  }
0xcd: {  	[sflag:s6] =	ssyncset.done $0x0  }
0xce: {  	s19 =	rddreg [dreg:$0xb];
	[sflag:s6] =	ssyncadd.s32 $0xFFFFE780  }
0xcf: {  	[hbm4b:s19+s3] =	stream.linear.scatter [tilespmem:s2], [sflag:$0x1], $0x1880, $0x38;
	[tilespmem:$0xDFA0] =	vst v63  }
0xd0: {  	_ =	swait.ge [sflag:s6], $0x1880  }
0xd1: {  	s15 =	sadd.s32 $0x1, s15;
	s20 =	rddreg [dreg:$0x3]  }
0xd2: {  	p0 =	sne.s32 s15, s20  }
.Ltmp1:
0xd3: {  	_ = 	snop;
	(pc) =	sbr.rel @p0 .LBB2_1-.Ltmp1, $3  }
0xd4: {  	_ =	sdelay $0x1  }
0xd5: {  	[sflag:s6] =	ssyncset.done $0x0  }
0xd6: {  	[sflag:s6] =	ssyncadd.s32 $0xFFFFE780  }
0xd7: {  	_ =	sfence.sel $0x180000  }
0xd8: {  	[bflag:$0x0] =	sbarrier.arrive $0xFFFF  }
0xd9: {  	_ =	strace $0x90000050  }
0xda: {  	s0 =	stileid.u32;
	[bflag:$0x2] =	sbarrier.arrive $0xFFFF  }
0xdb: {  	p0 =	sne.s32 s0, $0x0;
	s0 =	rddreg [dreg:$0x2]  }
0xdc: {  	s0 =	sadd.s32 @!p0 $0x100000, s0  }
0xdd: {  	[sflag:s0] =	ssyncadd.tile.s32 @!p0 $0x1;
	_ =	shalt  }
.Lfunc_end2:
_tile_overlayer_lowered:
.L_overlay_start_2:
0xde: {  	(tag) =	ssettag $0x2  }
0xdf: {  	s0 =	rddreg [dreg:$0x0];
	s2 =	stileid.u32  }
0xe0: {  	s1 =	rddreg [dreg:$0x1];
	p0 =	sne.s32 s2, $0x0  }
0xe1: {  	s3 =	rddreg [dreg:$0x2];
	[bflag:$0x3] =	sbarrier.arrive $0xFFFF;
	s2 =	simm.s32 @!p0 $0x1C01  }
0xe2: {  	[timem:s3], [sflag:s2] =	dma.local @!p0 [hbm:s0], s1  }
0xe3: {  	s0 =	simm.s32 @!p0 $0x1  }
0xe4: {  	_ =	swait.ge @!p0 [sflag:s0], s1  }
0xe5: {  	s1 =	ssub.s32 @!p0 $0x0, s1;
	[sflag:s0] =	ssyncset.done @!p0 $0x0  }
0xe6: {  	[sflag:s0] =	ssyncadd.s32 @!p0 s1  }
0xe7: {  	[bflag:$0x3] =	sbarrier.arrive $0xFFFF  }
0xe8: {  	_ =	shalt  }

</sc_bundles>
